<compile_context>
chip_gen: v7x
topology: tpu7x:2x2x1
jax: 0.10.2.dev20260603
libtpu: 0.0.44.dev20260713+nightly
codegen_flags: <defaults>
</compile_context>

<pallas_src>
import functools

import jax
import jax.numpy as jnp
from jax import lax
from jax.experimental import pallas as pl
from jax.experimental.pallas import tpu as pltpu
from jax.experimental.pallas import tpu_sc as plsc

_VOCAB = 100000
_EMB = 1024
_DIM = 4096
_B, _S = 4, 4096
_NTOK = _B * _S

_NW = 32
_CW = 32
_NCHUNK = _NTOK // (_NW * _CW)

_TM = 256


def _sc_gather_two(idx_w3, idx_p3, word_emb, pos_emb):
    mesh = plsc.VectorSubcoreMesh(core_axis_name="c", subcore_axis_name="s")
    nc = 2

    @functools.partial(
        pl.kernel,
        mesh=mesh,
        out_type=(
            jax.ShapeDtypeStruct((_NTOK, _EMB), jnp.float32),
            jax.ShapeDtypeStruct((_NTOK, _EMB), jnp.float32),
        ),
        scratch_types=[
            pltpu.VMEM((_NCHUNK, _CW), jnp.int32),
            pltpu.VMEM((_NCHUNK, _CW), jnp.int32),
            pltpu.VMEM((_CW, _EMB), jnp.float32),
            pltpu.VMEM((_CW, _EMB), jnp.float32),
            pltpu.SemaphoreType.DMA,
            pltpu.SemaphoreType.DMA,
        ],
    )
    def k(idxw_hbm, idxp_hbm, wtab_hbm, ptab_hbm, xw_hbm, xp_hbm,
          idxw_v, idxp_v, bufw, bufp, semw, semp):
        wid = lax.axis_index("s") * nc + lax.axis_index("c")
        pltpu.sync_copy(idxw_hbm.at[wid], idxw_v)
        pltpu.sync_copy(idxp_hbm.at[wid], idxp_v)
        tok0 = wid * (_NCHUNK * _CW)
        for c in range(_NCHUNK):
            cw = pltpu.async_copy(wtab_hbm.at[idxw_v.at[c]], bufw, semw)
            cp = pltpu.async_copy(ptab_hbm.at[idxp_v.at[c]], bufp, semp)
            base = tok0 + c * _CW
            cw.wait()
            pltpu.sync_copy(bufw, xw_hbm.at[pl.ds(base, _CW)])
            cp.wait()
            pltpu.sync_copy(bufp, xp_hbm.at[pl.ds(base, _CW)])

    return k(idx_w3, idx_p3, word_emb, pos_emb)


def _tc_body(xw_ref, xp_ref, t_ref, te_ref, w_ref, b_ref, g_ref, be_ref, o_ref):
    x = xw_ref[...] + xp_ref[...]
    te = te_ref[...]
    t = t_ref[...].astype(jnp.float32)
    x = x + te[0:1, :] + t * (te[1:2, :] - te[0:1, :])
    y = jnp.dot(x.astype(jnp.bfloat16), w_ref[...],
                preferred_element_type=jnp.float32)
    y = y + b_ref[...]
    mu = jnp.mean(y, axis=1, keepdims=True)
    m2 = jnp.mean(y * y, axis=1, keepdims=True)
    r = lax.rsqrt(m2 - mu * mu + 1e-5)
    scale = r * g_ref[...]
    o_ref[...] = y * scale + (be_ref[...] - mu * scale)


def _tc_project_ln(xw, xp, type_ids_col, type_emb, W, b2, g2, be2):
    grid = (_NTOK // _TM,)
    return pl.pallas_call(
        _tc_body,
        grid=grid,
        in_specs=[
            pl.BlockSpec((_TM, _EMB), lambda i: (i, 0)),
            pl.BlockSpec((_TM, _EMB), lambda i: (i, 0)),
            pl.BlockSpec((_TM, 1), lambda i: (i, 0)),
            pl.BlockSpec((2, _EMB), lambda i: (0, 0)),
            pl.BlockSpec((_EMB, _DIM), lambda i: (0, 0)),
            pl.BlockSpec((1, _DIM), lambda i: (0, 0)),
            pl.BlockSpec((1, _DIM), lambda i: (0, 0)),
            pl.BlockSpec((1, _DIM), lambda i: (0, 0)),
        ],
        out_specs=pl.BlockSpec((_TM, _DIM), lambda i: (i, 0)),
        out_shape=jax.ShapeDtypeStruct((_NTOK, _DIM), jnp.float32),
    )(xw, xp, type_ids_col, type_emb, W, b2, g2, be2)


def kernel(input_ids, position_ids, type_ids, word_emb, pos_emb, type_emb,
           W, b, gamma, beta):
    idx_w3 = input_ids.reshape(_NW, _NCHUNK, _CW)
    idx_p3 = position_ids.reshape(_NW, _NCHUNK, _CW)
    xw, xp = _sc_gather_two(idx_w3, idx_p3, word_emb, pos_emb)
    out = _tc_project_ln(
        xw, xp,
        type_ids.reshape(_NTOK, 1),
        type_emb,
        W.astype(jnp.bfloat16),
        b.reshape(1, _DIM),
        gamma.reshape(1, _DIM),
        beta.reshape(1, _DIM),
    )
    return out.reshape(_B, _S, _DIM)

# --- scband reference (transcript-rebuilt; emitter-appended) ---
"""Pipeline reference for scband-embeddings-48859547959761 (READ-ONLY COPY).

The authoritative reference and input builder live on the scoring server;
editing this copy changes nothing except your own understanding.
"""

import jax, jax.numpy as jnp
import numpy as np

VOCAB = 100000
EMB = 1024
MAX_SEQ = 4096
NUM_TYPE = 2
DIM = 4096
B, S = 4, 4096


def setup_inputs(seed: int = 0) -> dict:
    key = jax.random.key(seed)
    ks = jax.random.split(key, 8)
    input_ids = jax.random.randint(ks[0], (B, S), 0, VOCAB, dtype=jnp.int64 if jax.config.jax_enable_x64 else jnp.int32)
    position_ids = jax.random.randint(ks[1], (B, S), 0, MAX_SEQ, dtype=jnp.int64 if jax.config.jax_enable_x64 else jnp.int32)
    type_ids = jax.random.randint(ks[2], (B, S), 0, NUM_TYPE, dtype=jnp.int64 if jax.config.jax_enable_x64 else jnp.int32)
    word_emb = jax.random.normal(ks[3], (VOCAB, EMB), dtype=jnp.float32) * 0.02
    pos_emb = jax.random.normal(ks[4], (MAX_SEQ, EMB), dtype=jnp.float32) * 0.02
    type_emb = jax.random.normal(ks[5], (NUM_TYPE, EMB), dtype=jnp.float32) * 0.02
    W = jax.random.normal(ks[6], (EMB, DIM), dtype=jnp.float32) * (1.0 / np.sqrt(EMB))
    b = jnp.zeros((DIM,), dtype=jnp.float32)
    gamma = jnp.ones((DIM,), dtype=jnp.float32)
    beta = jnp.zeros((DIM,), dtype=jnp.float32)
    return {
        "input_ids": input_ids,
        "position_ids": position_ids,
        "type_ids": type_ids,
        "word_emb": word_emb,
        "pos_emb": pos_emb,
        "type_emb": type_emb,
        "W": W,
        "b": b,
        "gamma": gamma,
        "beta": beta,
    }


def _layernorm(x, gamma, beta, eps=1e-5):
    mean = jnp.mean(x, axis=-1, keepdims=True)
    var = jnp.var(x, axis=-1, keepdims=True)
    return (x - mean) / jnp.sqrt(var + eps) * gamma + beta


def reference(input_ids, position_ids, type_ids, word_emb, pos_emb, type_emb, W, b, gamma, beta):
    X_token = jnp.take(word_emb, input_ids, axis=0)
    X_pos = jnp.take(pos_emb, position_ids, axis=0)
    X_seq = jnp.take(type_emb, type_ids, axis=0)
    X = X_token + X_pos + X_seq
    # has_dense: embedding_dim (1024) != dim (4096)
    X = jnp.dot(X, W) + b
    X = _layernorm(X, gamma, beta)
    # dropout is identity in eval mode
    return X

if __name__ == "__main__":
    import jax
    _d = setup_inputs()
    print(jax.jit(kernel)(*tuple(_d.values())))

</pallas_src>

<mosaic_0001>
#map = affine_map<(d0, d1) -> (0, 0, 0)>
#map1 = affine_map<(d0, d1) -> (0, 0)>
module attributes {stable_mosaic.version = 14 : i64} {
  func.func @k(%arg0: i32, %arg1: i32, %arg2: memref<32x16x32xi32, #tpu.memory_space<hbm>>, %arg3: memref<32x16x32xi32, #tpu.memory_space<hbm>>, %arg4: memref<100000x1024xf32, #tpu.memory_space<hbm>>, %arg5: memref<4096x1024xf32, #tpu.memory_space<hbm>>, %arg6: memref<16384x1024xf32, #tpu.memory_space<hbm>>, %arg7: memref<16384x1024xf32, #tpu.memory_space<hbm>>, %arg8: memref<16x32xi32, #tpu.memory_space<vmem>>, %arg9: memref<16x32xi32, #tpu.memory_space<vmem>>, %arg10: memref<32x1024xf32, #tpu.memory_space<vmem>>, %arg11: memref<32x1024xf32, #tpu.memory_space<vmem>>, %arg12: memref<!tpu.dma_semaphore, #tpu.memory_space<semaphore_mem>>, %arg13: memref<!tpu.dma_semaphore, #tpu.memory_space<semaphore_mem>>) attributes {dimension_semantics = [#tpu.dimension_semantics<core_parallel>, #tpu.dimension_semantics<subcore_parallel>], iteration_bounds = array<i64: 2, 16>, scalar_prefetch = 0 : i64, scratch_operands = 6 : i64, tpu.core_type = #tpu.core_type<sc_vector_subcore>, window_params = [{transform_indices = #map}, {transform_indices = #map}, {transform_indices = #map1}, {transform_indices = #map1}, {transform_indices = #map1}, {transform_indices = #map1}]} {
    %mul3A = arith.constant 2 : i32
    %mul3A_0 = arith.muli %arg1, %mul3A : i32
    %add3A = arith.addi %mul3A_0, %arg0 : i32
    "tpu.region"() ({
      %run_scoped3A = tpu.sem_alloc : memref<!tpu.dma_semaphore, #tpu.memory_space<semaphore_mem>>
      %dma_start3A_481 = arith.constant 0 : i32
      %dma_start3A_482 = arith.constant 0 : i32
      %dma_start3A_483 = tpu.memref_slice %arg2[%add3A, %dma_start3A_481, %dma_start3A_482] : memref<32x16x32xi32, #tpu.memory_space<hbm>> -> memref<1x16x32xi32, #tpu.memory_space<hbm>>
      %dma_start3A_484 = tpu.memref_squeeze %dma_start3A_483 : memref<1x16x32xi32, #tpu.memory_space<hbm>> -> memref<16x32xi32, #tpu.memory_space<hbm>>
      %dma_start3A_485 = arith.constant 0 : i32
      %dma_start3A_486 = arith.constant 0 : i32
      %dma_start3A_487 = tpu.memref_slice %arg2[%add3A, %dma_start3A_485, %dma_start3A_486] : memref<32x16x32xi32, #tpu.memory_space<hbm>> -> memref<1x16x32xi32, #tpu.memory_space<hbm>>
      %dma_start3A_488 = tpu.memref_squeeze %dma_start3A_487 : memref<1x16x32xi32, #tpu.memory_space<hbm>> -> memref<16x32xi32, #tpu.memory_space<hbm>>
      tpu.enqueue_dma source(%dma_start3A_488 : memref<16x32xi32, #tpu.memory_space<hbm>>) target(%arg8 : memref<16x32xi32, #tpu.memory_space<vmem>>) target_semaphore(%run_scoped3A : memref<!tpu.dma_semaphore, #tpu.memory_space<semaphore_mem>>)
      %dma_wait3A_489 = arith.constant 0 : i32
      %dma_wait3A_490 = arith.constant 0 : i32
      %dma_wait3A_491 = tpu.memref_slice %arg2[%add3A, %dma_wait3A_489, %dma_wait3A_490] : memref<32x16x32xi32, #tpu.memory_space<hbm>> -> memref<1x16x32xi32, #tpu.memory_space<hbm>>
      %dma_wait3A_492 = tpu.memref_squeeze %dma_wait3A_491 : memref<1x16x32xi32, #tpu.memory_space<hbm>> -> memref<16x32xi32, #tpu.memory_space<hbm>>
      %dma_wait3A_493 = arith.constant 0 : i32
      %dma_wait3A_494 = arith.constant 0 : i32
      %dma_wait3A_495 = tpu.memref_slice %arg2[%add3A, %dma_wait3A_493, %dma_wait3A_494] : memref<32x16x32xi32, #tpu.memory_space<hbm>> -> memref<1x16x32xi32, #tpu.memory_space<hbm>>
      %dma_wait3A_496 = tpu.memref_squeeze %dma_wait3A_495 : memref<1x16x32xi32, #tpu.memory_space<hbm>> -> memref<16x32xi32, #tpu.memory_space<hbm>>
      tpu.wait_dma2 semaphore(%run_scoped3A : memref<!tpu.dma_semaphore, #tpu.memory_space<semaphore_mem>>) src(%dma_wait3A_496 : memref<16x32xi32, #tpu.memory_space<hbm>>) dst(%arg8 : memref<16x32xi32, #tpu.memory_space<vmem>>)
      tpu.yield
    }) : () -> ()
    "tpu.region"() ({
      %run_scoped3A = tpu.sem_alloc : memref<!tpu.dma_semaphore, #tpu.memory_space<semaphore_mem>>
      %dma_start3A_481 = arith.constant 0 : i32
      %dma_start3A_482 = arith.constant 0 : i32
      %dma_start3A_483 = tpu.memref_slice %arg3[%add3A, %dma_start3A_481, %dma_start3A_482] : memref<32x16x32xi32, #tpu.memory_space<hbm>> -> memref<1x16x32xi32, #tpu.memory_space<hbm>>
      %dma_start3A_484 = tpu.memref_squeeze %dma_start3A_483 : memref<1x16x32xi32, #tpu.memory_space<hbm>> -> memref<16x32xi32, #tpu.memory_space<hbm>>
      %dma_start3A_485 = arith.constant 0 : i32
      %dma_start3A_486 = arith.constant 0 : i32
      %dma_start3A_487 = tpu.memref_slice %arg3[%add3A, %dma_start3A_485, %dma_start3A_486] : memref<32x16x32xi32, #tpu.memory_space<hbm>> -> memref<1x16x32xi32, #tpu.memory_space<hbm>>
      %dma_start3A_488 = tpu.memref_squeeze %dma_start3A_487 : memref<1x16x32xi32, #tpu.memory_space<hbm>> -> memref<16x32xi32, #tpu.memory_space<hbm>>
      tpu.enqueue_dma source(%dma_start3A_488 : memref<16x32xi32, #tpu.memory_space<hbm>>) target(%arg9 : memref<16x32xi32, #tpu.memory_space<vmem>>) target_semaphore(%run_scoped3A : memref<!tpu.dma_semaphore, #tpu.memory_space<semaphore_mem>>)
      %dma_wait3A_489 = arith.constant 0 : i32
      %dma_wait3A_490 = arith.constant 0 : i32
      %dma_wait3A_491 = tpu.memref_slice %arg3[%add3A, %dma_wait3A_489, %dma_wait3A_490] : memref<32x16x32xi32, #tpu.memory_space<hbm>> -> memref<1x16x32xi32, #tpu.memory_space<hbm>>
      %dma_wait3A_492 = tpu.memref_squeeze %dma_wait3A_491 : memref<1x16x32xi32, #tpu.memory_space<hbm>> -> memref<16x32xi32, #tpu.memory_space<hbm>>
      %dma_wait3A_493 = arith.constant 0 : i32
      %dma_wait3A_494 = arith.constant 0 : i32
      %dma_wait3A_495 = tpu.memref_slice %arg3[%add3A, %dma_wait3A_493, %dma_wait3A_494] : memref<32x16x32xi32, #tpu.memory_space<hbm>> -> memref<1x16x32xi32, #tpu.memory_space<hbm>>
      %dma_wait3A_496 = tpu.memref_squeeze %dma_wait3A_495 : memref<1x16x32xi32, #tpu.memory_space<hbm>> -> memref<16x32xi32, #tpu.memory_space<hbm>>
      tpu.wait_dma2 semaphore(%run_scoped3A : memref<!tpu.dma_semaphore, #tpu.memory_space<semaphore_mem>>) src(%dma_wait3A_496 : memref<16x32xi32, #tpu.memory_space<hbm>>) dst(%arg9 : memref<16x32xi32, #tpu.memory_space<vmem>>)
      tpu.yield
    }) : () -> ()
    %mul3A_1 = arith.constant 512 : i32
    %mul3A_2 = arith.muli %add3A, %mul3A_1 : i32
    %dma_start3A = arith.constant 0 : i32
    %dma_start3A_3 = arith.constant 0 : i32
    %dma_start3A_4 = tpu.memref_slice %arg8[%dma_start3A, %dma_start3A_3] : memref<16x32xi32, #tpu.memory_space<vmem>> -> memref<1x32xi32, #tpu.memory_space<vmem>>
    %dma_start3A_5 = tpu.memref_squeeze %dma_start3A_4 : memref<1x32xi32, #tpu.memory_space<vmem>> -> memref<32xi32, #tpu.memory_space<vmem>>
    %dma_start3A_6 = arith.constant 0 : i32
    %dma_start3A_7 = arith.constant 0 : i32
    %dma_start3A_8 = tpu.memref_slice %arg4[%dma_start3A_6, %dma_start3A_7] : memref<100000x1024xf32, #tpu.memory_space<hbm>> -> memref<100000x1024xf32, #tpu.memory_space<hbm>>
    tpu.enqueue_indirect_dma source(%dma_start3A_8 : memref<100000x1024xf32, #tpu.memory_space<hbm>>) target(%arg10 : memref<32x1024xf32, #tpu.memory_space<vmem>>) offsets(%dma_start3A_5 : memref<32xi32, #tpu.memory_space<vmem>>) semaphore(%arg12 : memref<!tpu.dma_semaphore, #tpu.memory_space<semaphore_mem>>)
    %dma_start3A_9 = arith.constant 0 : i32
    %dma_start3A_10 = arith.constant 0 : i32
    %dma_start3A_11 = tpu.memref_slice %arg9[%dma_start3A_9, %dma_start3A_10] : memref<16x32xi32, #tpu.memory_space<vmem>> -> memref<1x32xi32, #tpu.memory_space<vmem>>
    %dma_start3A_12 = tpu.memref_squeeze %dma_start3A_11 : memref<1x32xi32, #tpu.memory_space<vmem>> -> memref<32xi32, #tpu.memory_space<vmem>>
    %dma_start3A_13 = arith.constant 0 : i32
    %dma_start3A_14 = arith.constant 0 : i32
    %dma_start3A_15 = tpu.memref_slice %arg5[%dma_start3A_13, %dma_start3A_14] : memref<4096x1024xf32, #tpu.memory_space<hbm>> -> memref<4096x1024xf32, #tpu.memory_space<hbm>>
    tpu.enqueue_indirect_dma source(%dma_start3A_15 : memref<4096x1024xf32, #tpu.memory_space<hbm>>) target(%arg11 : memref<32x1024xf32, #tpu.memory_space<vmem>>) offsets(%dma_start3A_12 : memref<32xi32, #tpu.memory_space<vmem>>) semaphore(%arg13 : memref<!tpu.dma_semaphore, #tpu.memory_space<semaphore_mem>>)
    %add3A_16 = arith.constant 0 : i32
    %add3A_17 = arith.addi %mul3A_2, %add3A_16 : i32
    %dma_wait3A = arith.constant 0 : i32
    %dma_wait3A_18 = arith.constant 0 : i32
    %dma_wait3A_19 = tpu.memref_slice %arg8[%dma_wait3A, %dma_wait3A_18] : memref<16x32xi32, #tpu.memory_space<vmem>> -> memref<1x32xi32, #tpu.memory_space<vmem>>
    %dma_wait3A_20 = tpu.memref_squeeze %dma_wait3A_19 : memref<1x32xi32, #tpu.memory_space<vmem>> -> memref<32xi32, #tpu.memory_space<vmem>>
    %dma_wait3A_21 = arith.constant 0 : i32
    %dma_wait3A_22 = arith.constant 0 : i32
    %dma_wait3A_23 = tpu.memref_slice %arg4[%dma_wait3A_21, %dma_wait3A_22] : memref<100000x1024xf32, #tpu.memory_space<hbm>> -> memref<100000x1024xf32, #tpu.memory_space<hbm>>
    tpu.wait_indirect_dma semaphore(%arg12 : memref<!tpu.dma_semaphore, #tpu.memory_space<semaphore_mem>>) src(%dma_wait3A_23 : memref<100000x1024xf32, #tpu.memory_space<hbm>>) dst(%arg10 : memref<32x1024xf32, #tpu.memory_space<vmem>>)
    "tpu.region"() ({
      %run_scoped3A = tpu.sem_alloc : memref<!tpu.dma_semaphore, #tpu.memory_space<semaphore_mem>>
      %dma_start3A_481 = arith.constant 0 : i32
      %dma_start3A_482 = tpu.memref_slice %arg6[%add3A_17, %dma_start3A_481] : memref<16384x1024xf32, #tpu.memory_space<hbm>> -> memref<32x1024xf32, #tpu.memory_space<hbm>>
      %dma_start3A_483 = arith.constant 0 : i32
      %dma_start3A_484 = tpu.memref_slice %arg6[%add3A_17, %dma_start3A_483] : memref<16384x1024xf32, #tpu.memory_space<hbm>> -> memref<32x1024xf32, #tpu.memory_space<hbm>>
      tpu.enqueue_dma source(%arg10 : memref<32x1024xf32, #tpu.memory_space<vmem>>) target(%dma_start3A_484 : memref<32x1024xf32, #tpu.memory_space<hbm>>) target_semaphore(%run_scoped3A : memref<!tpu.dma_semaphore, #tpu.memory_space<semaphore_mem>>)
      %dma_wait3A_485 = arith.constant 0 : i32
      %dma_wait3A_486 = tpu.memref_slice %arg6[%add3A_17, %dma_wait3A_485] : memref<16384x1024xf32, #tpu.memory_space<hbm>> -> memref<32x1024xf32, #tpu.memory_space<hbm>>
      %dma_wait3A_487 = arith.constant 0 : i32
      %dma_wait3A_488 = tpu.memref_slice %arg6[%add3A_17, %dma_wait3A_487] : memref<16384x1024xf32, #tpu.memory_space<hbm>> -> memref<32x1024xf32, #tpu.memory_space<hbm>>
      tpu.wait_dma2 semaphore(%run_scoped3A : memref<!tpu.dma_semaphore, #tpu.memory_space<semaphore_mem>>) src(%arg10 : memref<32x1024xf32, #tpu.memory_space<vmem>>) dst(%dma_wait3A_488 : memref<32x1024xf32, #tpu.memory_space<hbm>>)
      tpu.yield
    }) : () -> ()
    %dma_wait3A_24 = arith.constant 0 : i32
    %dma_wait3A_25 = arith.constant 0 : i32
    %dma_wait3A_26 = tpu.memref_slice %arg9[%dma_wait3A_24, %dma_wait3A_25] : memref<16x32xi32, #tpu.memory_space<vmem>> -> memref<1x32xi32, #tpu.memory_space<vmem>>
    %dma_wait3A_27 = tpu.memref_squeeze %dma_wait3A_26 : memref<1x32xi32, #tpu.memory_space<vmem>> -> memref<32xi32, #tpu.memory_space<vmem>>
    %dma_wait3A_28 = arith.constant 0 : i32
    %dma_wait3A_29 = arith.constant 0 : i32
    %dma_wait3A_30 = tpu.memref_slice %arg5[%dma_wait3A_28, %dma_wait3A_29] : memref<4096x1024xf32, #tpu.memory_space<hbm>> -> memref<4096x1024xf32, #tpu.memory_space<hbm>>
    tpu.wait_indirect_dma semaphore(%arg13 : memref<!tpu.dma_semaphore, #tpu.memory_space<semaphore_mem>>) src(%dma_wait3A_30 : memref<4096x1024xf32, #tpu.memory_space<hbm>>) dst(%arg11 : memref<32x1024xf32, #tpu.memory_space<vmem>>)
    "tpu.region"() ({
      %run_scoped3A = tpu.sem_alloc : memref<!tpu.dma_semaphore, #tpu.memory_space<semaphore_mem>>
      %dma_start3A_481 = arith.constant 0 : i32
      %dma_start3A_482 = tpu.memref_slice %arg7[%add3A_17, %dma_start3A_481] : memref<16384x1024xf32, #tpu.memory_space<hbm>> -> memref<32x1024xf32, #tpu.memory_space<hbm>>
      %dma_start3A_483 = arith.constant 0 : i32
      %dma_start3A_484 = tpu.memref_slice %arg7[%add3A_17, %dma_start3A_483] : memref<16384x1024xf32, #tpu.memory_space<hbm>> -> memref<32x1024xf32, #tpu.memory_space<hbm>>
      tpu.enqueue_dma source(%arg11 : memref<32x1024xf32, #tpu.memory_space<vmem>>) target(%dma_start3A_484 : memref<32x1024xf32, #tpu.memory_space<hbm>>) target_semaphore(%run_scoped3A : memref<!tpu.dma_semaphore, #tpu.memory_space<semaphore_mem>>)
      %dma_wait3A_485 = arith.constant 0 : i32
      %dma_wait3A_486 = tpu.memref_slice %arg7[%add3A_17, %dma_wait3A_485] : memref<16384x1024xf32, #tpu.memory_space<hbm>> -> memref<32x1024xf32, #tpu.memory_space<hbm>>
      %dma_wait3A_487 = arith.constant 0 : i32
      %dma_wait3A_488 = tpu.memref_slice %arg7[%add3A_17, %dma_wait3A_487] : memref<16384x1024xf32, #tpu.memory_space<hbm>> -> memref<32x1024xf32, #tpu.memory_space<hbm>>
      tpu.wait_dma2 semaphore(%run_scoped3A : memref<!tpu.dma_semaphore, #tpu.memory_space<semaphore_mem>>) src(%arg11 : memref<32x1024xf32, #tpu.memory_space<vmem>>) dst(%dma_wait3A_488 : memref<32x1024xf32, #tpu.memory_space<hbm>>)
      tpu.yield
    }) : () -> ()
    %dma_start3A_31 = arith.constant 1 : i32
    %dma_start3A_32 = arith.constant 0 : i32
    %dma_start3A_33 = tpu.memref_slice %arg8[%dma_start3A_31, %dma_start3A_32] : memref<16x32xi32, #tpu.memory_space<vmem>> -> memref<1x32xi32, #tpu.memory_space<vmem>>
    %dma_start3A_34 = tpu.memref_squeeze %dma_start3A_33 : memref<1x32xi32, #tpu.memory_space<vmem>> -> memref<32xi32, #tpu.memory_space<vmem>>
    %dma_start3A_35 = arith.constant 0 : i32
    %dma_start3A_36 = arith.constant 0 : i32
    %dma_start3A_37 = tpu.memref_slice %arg4[%dma_start3A_35, %dma_start3A_36] : memref<100000x1024xf32, #tpu.memory_space<hbm>> -> memref<100000x1024xf32, #tpu.memory_space<hbm>>
    tpu.enqueue_indirect_dma source(%dma_start3A_37 : memref<100000x1024xf32, #tpu.memory_space<hbm>>) target(%arg10 : memref<32x1024xf32, #tpu.memory_space<vmem>>) offsets(%dma_start3A_34 : memref<32xi32, #tpu.memory_space<vmem>>) semaphore(%arg12 : memref<!tpu.dma_semaphore, #tpu.memory_space<semaphore_mem>>)
    %dma_start3A_38 = arith.constant 1 : i32
    %dma_start3A_39 = arith.constant 0 : i32
    %dma_start3A_40 = tpu.memref_slice %arg9[%dma_start3A_38, %dma_start3A_39] : memref<16x32xi32, #tpu.memory_space<vmem>> -> memref<1x32xi32, #tpu.memory_space<vmem>>
    %dma_start3A_41 = tpu.memref_squeeze %dma_start3A_40 : memref<1x32xi32, #tpu.memory_space<vmem>> -> memref<32xi32, #tpu.memory_space<vmem>>
    %dma_start3A_42 = arith.constant 0 : i32
    %dma_start3A_43 = arith.constant 0 : i32
    %dma_start3A_44 = tpu.memref_slice %arg5[%dma_start3A_42, %dma_start3A_43] : memref<4096x1024xf32, #tpu.memory_space<hbm>> -> memref<4096x1024xf32, #tpu.memory_space<hbm>>
    tpu.enqueue_indirect_dma source(%dma_start3A_44 : memref<4096x1024xf32, #tpu.memory_space<hbm>>) target(%arg11 : memref<32x1024xf32, #tpu.memory_space<vmem>>) offsets(%dma_start3A_41 : memref<32xi32, #tpu.memory_space<vmem>>) semaphore(%arg13 : memref<!tpu.dma_semaphore, #tpu.memory_space<semaphore_mem>>)
    %add3A_45 = arith.constant 32 : i32
    %add3A_46 = arith.addi %mul3A_2, %add3A_45 : i32
    %dma_wait3A_47 = arith.constant 1 : i32
    %dma_wait3A_48 = arith.constant 0 : i32
    %dma_wait3A_49 = tpu.memref_slice %arg8[%dma_wait3A_47, %dma_wait3A_48] : memref<16x32xi32, #tpu.memory_space<vmem>> -> memref<1x32xi32, #tpu.memory_space<vmem>>
    %dma_wait3A_50 = tpu.memref_squeeze %dma_wait3A_49 : memref<1x32xi32, #tpu.memory_space<vmem>> -> memref<32xi32, #tpu.memory_space<vmem>>
    %dma_wait3A_51 = arith.constant 0 : i32
    %dma_wait3A_52 = arith.constant 0 : i32
    %dma_wait3A_53 = tpu.memref_slice %arg4[%dma_wait3A_51, %dma_wait3A_52] : memref<100000x1024xf32, #tpu.memory_space<hbm>> -> memref<100000x1024xf32, #tpu.memory_space<hbm>>
    tpu.wait_indirect_dma semaphore(%arg12 : memref<!tpu.dma_semaphore, #tpu.memory_space<semaphore_mem>>) src(%dma_wait3A_53 : memref<100000x1024xf32, #tpu.memory_space<hbm>>) dst(%arg10 : memref<32x1024xf32, #tpu.memory_space<vmem>>)
    "tpu.region"() ({
      %run_scoped3A = tpu.sem_alloc : memref<!tpu.dma_semaphore, #tpu.memory_space<semaphore_mem>>
      %dma_start3A_481 = arith.constant 0 : i32
      %dma_start3A_482 = tpu.memref_slice %arg6[%add3A_46, %dma_start3A_481] : memref<16384x1024xf32, #tpu.memory_space<hbm>> -> memref<32x1024xf32, #tpu.memory_space<hbm>>
      %dma_start3A_483 = arith.constant 0 : i32
      %dma_start3A_484 = tpu.memref_slice %arg6[%add3A_46, %dma_start3A_483] : memref<16384x1024xf32, #tpu.memory_space<hbm>> -> memref<32x1024xf32, #tpu.memory_space<hbm>>
      tpu.enqueue_dma source(%arg10 : memref<32x1024xf32, #tpu.memory_space<vmem>>) target(%dma_start3A_484 : memref<32x1024xf32, #tpu.memory_space<hbm>>) target_semaphore(%run_scoped3A : memref<!tpu.dma_semaphore, #tpu.memory_space<semaphore_mem>>)
      %dma_wait3A_485 = arith.constant 0 : i32
      %dma_wait3A_486 = tpu.memref_slice %arg6[%add3A_46, %dma_wait3A_485] : memref<16384x1024xf32, #tpu.memory_space<hbm>> -> memref<32x1024xf32, #tpu.memory_space<hbm>>
      %dma_wait3A_487 = arith.constant 0 : i32
      %dma_wait3A_488 = tpu.memref_slice %arg6[%add3A_46, %dma_wait3A_487] : memref<16384x1024xf32, #tpu.memory_space<hbm>> -> memref<32x1024xf32, #tpu.memory_space<hbm>>
      tpu.wait_dma2 semaphore(%run_scoped3A : memref<!tpu.dma_semaphore, #tpu.memory_space<semaphore_mem>>) src(%arg10 : memref<32x1024xf32, #tpu.memory_space<vmem>>) dst(%dma_wait3A_488 : memref<32x1024xf32, #tpu.memory_space<hbm>>)
      tpu.yield
    }) : () -> ()
    %dma_wait3A_54 = arith.constant 1 : i32
    %dma_wait3A_55 = arith.constant 0 : i32
    %dma_wait3A_56 = tpu.memref_slice %arg9[%dma_wait3A_54, %dma_wait3A_55] : memref<16x32xi32, #tpu.memory_space<vmem>> -> memref<1x32xi32, #tpu.memory_space<vmem>>
    %dma_wait3A_57 = tpu.memref_squeeze %dma_wait3A_56 : memref<1x32xi32, #tpu.memory_space<vmem>> -> memref<32xi32, #tpu.memory_space<vmem>>
    %dma_wait3A_58 = arith.constant 0 : i32
    %dma_wait3A_59 = arith.constant 0 : i32
    %dma_wait3A_60 = tpu.memref_slice %arg5[%dma_wait3A_58, %dma_wait3A_59] : memref<4096x1024xf32, #tpu.memory_space<hbm>> -> memref<4096x1024xf32, #tpu.memory_space<hbm>>
    tpu.wait_indirect_dma semaphore(%arg13 : memref<!tpu.dma_semaphore, #tpu.memory_space<semaphore_mem>>) src(%dma_wait3A_60 : memref<4096x1024xf32, #tpu.memory_space<hbm>>) dst(%arg11 : memref<32x1024xf32, #tpu.memory_space<vmem>>)
    "tpu.region"() ({
      %run_scoped3A = tpu.sem_alloc : memref<!tpu.dma_semaphore, #tpu.memory_space<semaphore_mem>>
      %dma_start3A_481 = arith.constant 0 : i32
      %dma_start3A_482 = tpu.memref_slice %arg7[%add3A_46, %dma_start3A_481] : memref<16384x1024xf32, #tpu.memory_space<hbm>> -> memref<32x1024xf32, #tpu.memory_space<hbm>>
      %dma_start3A_483 = arith.constant 0 : i32
      %dma_start3A_484 = tpu.memref_slice %arg7[%add3A_46, %dma_start3A_483] : memref<16384x1024xf32, #tpu.memory_space<hbm>> -> memref<32x1024xf32, #tpu.memory_space<hbm>>
      tpu.enqueue_dma source(%arg11 : memref<32x1024xf32, #tpu.memory_space<vmem>>) target(%dma_start3A_484 : memref<32x1024xf32, #tpu.memory_space<hbm>>) target_semaphore(%run_scoped3A : memref<!tpu.dma_semaphore, #tpu.memory_space<semaphore_mem>>)
      %dma_wait3A_485 = arith.constant 0 : i32
      %dma_wait3A_486 = tpu.memref_slice %arg7[%add3A_46, %dma_wait3A_485] : memref<16384x1024xf32, #tpu.memory_space<hbm>> -> memref<32x1024xf32, #tpu.memory_space<hbm>>
      %dma_wait3A_487 = arith.constant 0 : i32
      %dma_wait3A_488 = tpu.memref_slice %arg7[%add3A_46, %dma_wait3A_487] : memref<16384x1024xf32, #tpu.memory_space<hbm>> -> memref<32x1024xf32, #tpu.memory_space<hbm>>
      tpu.wait_dma2 semaphore(%run_scoped3A : memref<!tpu.dma_semaphore, #tpu.memory_space<semaphore_mem>>) src(%arg11 : memref<32x1024xf32, #tpu.memory_space<vmem>>) dst(%dma_wait3A_488 : memref<32x1024xf32, #tpu.memory_space<hbm>>)
      tpu.yield
    }) : () -> ()
    %dma_start3A_61 = arith.constant 2 : i32
    %dma_start3A_62 = arith.constant 0 : i32
    %dma_start3A_63 = tpu.memref_slice %arg8[%dma_start3A_61, %dma_start3A_62] : memref<16x32xi32, #tpu.memory_space<vmem>> -> memref<1x32xi32, #tpu.memory_space<vmem>>
    %dma_start3A_64 = tpu.memref_squeeze %dma_start3A_63 : memref<1x32xi32, #tpu.memory_space<vmem>> -> memref<32xi32, #tpu.memory_space<vmem>>
    %dma_start3A_65 = arith.constant 0 : i32
    %dma_start3A_66 = arith.constant 0 : i32
    %dma_start3A_67 = tpu.memref_slice %arg4[%dma_start3A_65, %dma_start3A_66] : memref<100000x1024xf32, #tpu.memory_space<hbm>> -> memref<100000x1024xf32, #tpu.memory_space<hbm>>
    tpu.enqueue_indirect_dma source(%dma_start3A_67 : memref<100000x1024xf32, #tpu.memory_space<hbm>>) target(%arg10 : memref<32x1024xf32, #tpu.memory_space<vmem>>) offsets(%dma_start3A_64 : memref<32xi32, #tpu.memory_space<vmem>>) semaphore(%arg12 : memref<!tpu.dma_semaphore, #tpu.memory_space<semaphore_mem>>)
    %dma_start3A_68 = arith.constant 2 : i32
    %dma_start3A_69 = arith.constant 0 : i32
    %dma_start3A_70 = tpu.memref_slice %arg9[%dma_start3A_68, %dma_start3A_69] : memref<16x32xi32, #tpu.memory_space<vmem>> -> memref<1x32xi32, #tpu.memory_space<vmem>>
    %dma_start3A_71 = tpu.memref_squeeze %dma_start3A_70 : memref<1x32xi32, #tpu.memory_space<vmem>> -> memref<32xi32, #tpu.memory_space<vmem>>
    %dma_start3A_72 = arith.constant 0 : i32
    %dma_start3A_73 = arith.constant 0 : i32
    %dma_start3A_74 = tpu.memref_slice %arg5[%dma_start3A_72, %dma_start3A_73] : memref<4096x1024xf32, #tpu.memory_space<hbm>> -> memref<4096x1024xf32, #tpu.memory_space<hbm>>
    tpu.enqueue_indirect_dma source(%dma_start3A_74 : memref<4096x1024xf32, #tpu.memory_space<hbm>>) target(%arg11 : memref<32x1024xf32, #tpu.memory_space<vmem>>) offsets(%dma_start3A_71 : memref<32xi32, #tpu.memory_space<vmem>>) semaphore(%arg13 : memref<!tpu.dma_semaphore, #tpu.memory_space<semaphore_mem>>)
    %add3A_75 = arith.constant 64 : i32
    %add3A_76 = arith.addi %mul3A_2, %add3A_75 : i32
    %dma_wait3A_77 = arith.constant 2 : i32
    %dma_wait3A_78 = arith.constant 0 : i32
    %dma_wait3A_79 = tpu.memref_slice %arg8[%dma_wait3A_77, %dma_wait3A_78] : memref<16x32xi32, #tpu.memory_space<vmem>> -> memref<1x32xi32, #tpu.memory_space<vmem>>
    %dma_wait3A_80 = tpu.memref_squeeze %dma_wait3A_79 : memref<1x32xi32, #tpu.memory_space<vmem>> -> memref<32xi32, #tpu.memory_space<vmem>>
    %dma_wait3A_81 = arith.constant 0 : i32
    %dma_wait3A_82 = arith.constant 0 : i32
    %dma_wait3A_83 = tpu.memref_slice %arg4[%dma_wait3A_81, %dma_wait3A_82] : memref<100000x1024xf32, #tpu.memory_space<hbm>> -> memref<100000x1024xf32, #tpu.memory_space<hbm>>
    tpu.wait_indirect_dma semaphore(%arg12 : memref<!tpu.dma_semaphore, #tpu.memory_space<semaphore_mem>>) src(%dma_wait3A_83 : memref<100000x1024xf32, #tpu.memory_space<hbm>>) dst(%arg10 : memref<32x1024xf32, #tpu.memory_space<vmem>>)
    "tpu.region"() ({
      %run_scoped3A = tpu.sem_alloc : memref<!tpu.dma_semaphore, #tpu.memory_space<semaphore_mem>>
      %dma_start3A_481 = arith.constant 0 : i32
      %dma_start3A_482 = tpu.memref_slice %arg6[%add3A_76, %dma_start3A_481] : memref<16384x1024xf32, #tpu.memory_space<hbm>> -> memref<32x1024xf32, #tpu.memory_space<hbm>>
      %dma_start3A_483 = arith.constant 0 : i32
      %dma_start3A_484 = tpu.memref_slice %arg6[%add3A_76, %dma_start3A_483] : memref<16384x1024xf32, #tpu.memory_space<hbm>> -> memref<32x1024xf32, #tpu.memory_space<hbm>>
      tpu.enqueue_dma source(%arg10 : memref<32x1024xf32, #tpu.memory_space<vmem>>) target(%dma_start3A_484 : memref<32x1024xf32, #tpu.memory_space<hbm>>) target_semaphore(%run_scoped3A : memref<!tpu.dma_semaphore, #tpu.memory_space<semaphore_mem>>)
      %dma_wait3A_485 = arith.constant 0 : i32
      %dma_wait3A_486 = tpu.memref_slice %arg6[%add3A_76, %dma_wait3A_485] : memref<16384x1024xf32, #tpu.memory_space<hbm>> -> memref<32x1024xf32, #tpu.memory_space<hbm>>
      %dma_wait3A_487 = arith.constant 0 : i32
      %dma_wait3A_488 = tpu.memref_slice %arg6[%add3A_76, %dma_wait3A_487] : memref<16384x1024xf32, #tpu.memory_space<hbm>> -> memref<32x1024xf32, #tpu.memory_space<hbm>>
      tpu.wait_dma2 semaphore(%run_scoped3A : memref<!tpu.dma_semaphore, #tpu.memory_space<semaphore_mem>>) src(%arg10 : memref<32x1024xf32, #tpu.memory_space<vmem>>) dst(%dma_wait3A_488 : memref<32x1024xf32, #tpu.memory_space<hbm>>)
      tpu.yield
    }) : () -> ()
    %dma_wait3A_84 = arith.constant 2 : i32
    %dma_wait3A_85 = arith.constant 0 : i32
    %dma_wait3A_86 = tpu.memref_slice %arg9[%dma_wait3A_84, %dma_wait3A_85] : memref<16x32xi32, #tpu.memory_space<vmem>> -> memref<1x32xi32, #tpu.memory_space<vmem>>
    %dma_wait3A_87 = tpu.memref_squeeze %dma_wait3A_86 : memref<1x32xi32, #tpu.memory_space<vmem>> -> memref<32xi32, #tpu.memory_space<vmem>>
    %dma_wait3A_88 = arith.constant 0 : i32
    %dma_wait3A_89 = arith.constant 0 : i32
    %dma_wait3A_90 = tpu.memref_slice %arg5[%dma_wait3A_88, %dma_wait3A_89] : memref<4096x1024xf32, #tpu.memory_space<hbm>> -> memref<4096x1024xf32, #tpu.memory_space<hbm>>
    tpu.wait_indirect_dma semaphore(%arg13 : memref<!tpu.dma_semaphore, #tpu.memory_space<semaphore_mem>>) src(%dma_wait3A_90 : memref<4096x1024xf32, #tpu.memory_space<hbm>>) dst(%arg11 : memref<32x1024xf32, #tpu.memory_space<vmem>>)
    "tpu.region"() ({
      %run_scoped3A = tpu.sem_alloc : memref<!tpu.dma_semaphore, #tpu.memory_space<semaphore_mem>>
      %dma_start3A_481 = arith.constant 0 : i32
      %dma_start3A_482 = tpu.memref_slice %arg7[%add3A_76, %dma_start3A_481] : memref<16384x1024xf32, #tpu.memory_space<hbm>> -> memref<32x1024xf32, #tpu.memory_space<hbm>>
      %dma_start3A_483 = arith.constant 0 : i32
      %dma_start3A_484 = tpu.memref_slice %arg7[%add3A_76, %dma_start3A_483] : memref<16384x1024xf32, #tpu.memory_space<hbm>> -> memref<32x1024xf32, #tpu.memory_space<hbm>>
      tpu.enqueue_dma source(%arg11 : memref<32x1024xf32, #tpu.memory_space<vmem>>) target(%dma_start3A_484 : memref<32x1024xf32, #tpu.memory_space<hbm>>) target_semaphore(%run_scoped3A : memref<!tpu.dma_semaphore, #tpu.memory_space<semaphore_mem>>)
      %dma_wait3A_485 = arith.constant 0 : i32
      %dma_wait3A_486 = tpu.memref_slice %arg7[%add3A_76, %dma_wait3A_485] : memref<16384x1024xf32, #tpu.memory_space<hbm>> -> memref<32x1024xf32, #tpu.memory_space<hbm>>
      %dma_wait3A_487 = arith.constant 0 : i32
      %dma_wait3A_488 = tpu.memref_slice %arg7[%add3A_76, %dma_wait3A_487] : memref<16384x1024xf32, #tpu.memory_space<hbm>> -> memref<32x1024xf32, #tpu.memory_space<hbm>>
      tpu.wait_dma2 semaphore(%run_scoped3A : memref<!tpu.dma_semaphore, #tpu.memory_space<semaphore_mem>>) src(%arg11 : memref<32x1024xf32, #tpu.memory_space<vmem>>) dst(%dma_wait3A_488 : memref<32x1024xf32, #tpu.memory_space<hbm>>)
      tpu.yield
    }) : () -> ()
    %dma_start3A_91 = arith.constant 3 : i32
    %dma_start3A_92 = arith.constant 0 : i32
    %dma_start3A_93 = tpu.memref_slice %arg8[%dma_start3A_91, %dma_start3A_92] : memref<16x32xi32, #tpu.memory_space<vmem>> -> memref<1x32xi32, #tpu.memory_space<vmem>>
    %dma_start3A_94 = tpu.memref_squeeze %dma_start3A_93 : memref<1x32xi32, #tpu.memory_space<vmem>> -> memref<32xi32, #tpu.memory_space<vmem>>
    %dma_start3A_95 = arith.constant 0 : i32
    %dma_start3A_96 = arith.constant 0 : i32
    %dma_start3A_97 = tpu.memref_slice %arg4[%dma_start3A_95, %dma_start3A_96] : memref<100000x1024xf32, #tpu.memory_space<hbm>> -> memref<100000x1024xf32, #tpu.memory_space<hbm>>
    tpu.enqueue_indirect_dma source(%dma_start3A_97 : memref<100000x1024xf32, #tpu.memory_space<hbm>>) target(%arg10 : memref<32x1024xf32, #tpu.memory_space<vmem>>) offsets(%dma_start3A_94 : memref<32xi32, #tpu.memory_space<vmem>>) semaphore(%arg12 : memref<!tpu.dma_semaphore, #tpu.memory_space<semaphore_mem>>)
    %dma_start3A_98 = arith.constant 3 : i32
    %dma_start3A_99 = arith.constant 0 : i32
    %dma_start3A_100 = tpu.memref_slice %arg9[%dma_start3A_98, %dma_start3A_99] : memref<16x32xi32, #tpu.memory_space<vmem>> -> memref<1x32xi32, #tpu.memory_space<vmem>>
    %dma_start3A_101 = tpu.memref_squeeze %dma_start3A_100 : memref<1x32xi32, #tpu.memory_space<vmem>> -> memref<32xi32, #tpu.memory_space<vmem>>
    %dma_start3A_102 = arith.constant 0 : i32
    %dma_start3A_103 = arith.constant 0 : i32
    %dma_start3A_104 = tpu.memref_slice %arg5[%dma_start3A_102, %dma_start3A_103] : memref<4096x1024xf32, #tpu.memory_space<hbm>> -> memref<4096x1024xf32, #tpu.memory_space<hbm>>
    tpu.enqueue_indirect_dma source(%dma_start3A_104 : memref<4096x1024xf32, #tpu.memory_space<hbm>>) target(%arg11 : memref<32x1024xf32, #tpu.memory_space<vmem>>) offsets(%dma_start3A_101 : memref<32xi32, #tpu.memory_space<vmem>>) semaphore(%arg13 : memref<!tpu.dma_semaphore, #tpu.memory_space<semaphore_mem>>)
    %add3A_105 = arith.constant 96 : i32
    %add3A_106 = arith.addi %mul3A_2, %add3A_105 : i32
    %dma_wait3A_107 = arith.constant 3 : i32
    %dma_wait3A_108 = arith.constant 0 : i32
    %dma_wait3A_109 = tpu.memref_slice %arg8[%dma_wait3A_107, %dma_wait3A_108] : memref<16x32xi32, #tpu.memory_space<vmem>> -> memref<1x32xi32, #tpu.memory_space<vmem>>
    %dma_wait3A_110 = tpu.memref_squeeze %dma_wait3A_109 : memref<1x32xi32, #tpu.memory_space<vmem>> -> memref<32xi32, #tpu.memory_space<vmem>>
    %dma_wait3A_111 = arith.constant 0 : i32
    %dma_wait3A_112 = arith.constant 0 : i32
    %dma_wait3A_113 = tpu.memref_slice %arg4[%dma_wait3A_111, %dma_wait3A_112] : memref<100000x1024xf32, #tpu.memory_space<hbm>> -> memref<100000x1024xf32, #tpu.memory_space<hbm>>
    tpu.wait_indirect_dma semaphore(%arg12 : memref<!tpu.dma_semaphore, #tpu.memory_space<semaphore_mem>>) src(%dma_wait3A_113 : memref<100000x1024xf32, #tpu.memory_space<hbm>>) dst(%arg10 : memref<32x1024xf32, #tpu.memory_space<vmem>>)
    "tpu.region"() ({
      %run_scoped3A = tpu.sem_alloc : memref<!tpu.dma_semaphore, #tpu.memory_space<semaphore_mem>>
      %dma_start3A_481 = arith.constant 0 : i32
      %dma_start3A_482 = tpu.memref_slice %arg6[%add3A_106, %dma_start3A_481] : memref<16384x1024xf32, #tpu.memory_space<hbm>> -> memref<32x1024xf32, #tpu.memory_space<hbm>>
      %dma_start3A_483 = arith.constant 0 : i32
      %dma_start3A_484 = tpu.memref_slice %arg6[%add3A_106, %dma_start3A_483] : memref<16384x1024xf32, #tpu.memory_space<hbm>> -> memref<32x1024xf32, #tpu.memory_space<hbm>>
      tpu.enqueue_dma source(%arg10 : memref<32x1024xf32, #tpu.memory_space<vmem>>) target(%dma_start3A_484 : memref<32x1024xf32, #tpu.memory_space<hbm>>) target_semaphore(%run_scoped3A : memref<!tpu.dma_semaphore, #tpu.memory_space<semaphore_mem>>)
      %dma_wait3A_485 = arith.constant 0 : i32
      %dma_wait3A_486 = tpu.memref_slice %arg6[%add3A_106, %dma_wait3A_485] : memref<16384x1024xf32, #tpu.memory_space<hbm>> -> memref<32x1024xf32, #tpu.memory_space<hbm>>
      %dma_wait3A_487 = arith.constant 0 : i32
      %dma_wait3A_488 = tpu.memref_slice %arg6[%add3A_106, %dma_wait3A_487] : memref<16384x1024xf32, #tpu.memory_space<hbm>> -> memref<32x1024xf32, #tpu.memory_space<hbm>>
      tpu.wait_dma2 semaphore(%run_scoped3A : memref<!tpu.dma_semaphore, #tpu.memory_space<semaphore_mem>>) src(%arg10 : memref<32x1024xf32, #tpu.memory_space<vmem>>) dst(%dma_wait3A_488 : memref<32x1024xf32, #tpu.memory_space<hbm>>)
      tpu.yield
    }) : () -> ()
    %dma_wait3A_114 = arith.constant 3 : i32
    %dma_wait3A_115 = arith.constant 0 : i32
    %dma_wait3A_116 = tpu.memref_slice %arg9[%dma_wait3A_114, %dma_wait3A_115] : memref<16x32xi32, #tpu.memory_space<vmem>> -> memref<1x32xi32, #tpu.memory_space<vmem>>
    %dma_wait3A_117 = tpu.memref_squeeze %dma_wait3A_116 : memref<1x32xi32, #tpu.memory_space<vmem>> -> memref<32xi32, #tpu.memory_space<vmem>>
    %dma_wait3A_118 = arith.constant 0 : i32
    %dma_wait3A_119 = arith.constant 0 : i32
    %dma_wait3A_120 = tpu.memref_slice %arg5[%dma_wait3A_118, %dma_wait3A_119] : memref<4096x1024xf32, #tpu.memory_space<hbm>> -> memref<4096x1024xf32, #tpu.memory_space<hbm>>
    tpu.wait_indirect_dma semaphore(%arg13 : memref<!tpu.dma_semaphore, #tpu.memory_space<semaphore_mem>>) src(%dma_wait3A_120 : memref<4096x1024xf32, #tpu.memory_space<hbm>>) dst(%arg11 : memref<32x1024xf32, #tpu.memory_space<vmem>>)
    "tpu.region"() ({
      %run_scoped3A = tpu.sem_alloc : memref<!tpu.dma_semaphore, #tpu.memory_space<semaphore_mem>>
      %dma_start3A_481 = arith.constant 0 : i32
      %dma_start3A_482 = tpu.memref_slice %arg7[%add3A_106, %dma_start3A_481] : memref<16384x1024xf32, #tpu.memory_space<hbm>> -> memref<32x1024xf32, #tpu.memory_space<hbm>>
      %dma_start3A_483 = arith.constant 0 : i32
      %dma_start3A_484 = tpu.memref_slice %arg7[%add3A_106, %dma_start3A_483] : memref<16384x1024xf32, #tpu.memory_space<hbm>> -> memref<32x1024xf32, #tpu.memory_space<hbm>>
      tpu.enqueue_dma source(%arg11 : memref<32x1024xf32, #tpu.memory_space<vmem>>) target(%dma_start3A_484 : memref<32x1024xf32, #tpu.memory_space<hbm>>) target_semaphore(%run_scoped3A : memref<!tpu.dma_semaphore, #tpu.memory_space<semaphore_mem>>)
      %dma_wait3A_485 = arith.constant 0 : i32
      %dma_wait3A_486 = tpu.memref_slice %arg7[%add3A_106, %dma_wait3A_485] : memref<16384x1024xf32, #tpu.memory_space<hbm>> -> memref<32x1024xf32, #tpu.memory_space<hbm>>
      %dma_wait3A_487 = arith.constant 0 : i32
      %dma_wait3A_488 = tpu.memref_slice %arg7[%add3A_106, %dma_wait3A_487] : memref<16384x1024xf32, #tpu.memory_space<hbm>> -> memref<32x1024xf32, #tpu.memory_space<hbm>>
      tpu.wait_dma2 semaphore(%run_scoped3A : memref<!tpu.dma_semaphore, #tpu.memory_space<semaphore_mem>>) src(%arg11 : memref<32x1024xf32, #tpu.memory_space<vmem>>) dst(%dma_wait3A_488 : memref<32x1024xf32, #tpu.memory_space<hbm>>)
      tpu.yield
    }) : () -> ()
    %dma_start3A_121 = arith.constant 4 : i32
    %dma_start3A_122 = arith.constant 0 : i32
    %dma_start3A_123 = tpu.memref_slice %arg8[%dma_start3A_121, %dma_start3A_122] : memref<16x32xi32, #tpu.memory_space<vmem>> -> memref<1x32xi32, #tpu.memory_space<vmem>>
    %dma_start3A_124 = tpu.memref_squeeze %dma_start3A_123 : memref<1x32xi32, #tpu.memory_space<vmem>> -> memref<32xi32, #tpu.memory_space<vmem>>
    %dma_start3A_125 = arith.constant 0 : i32
    %dma_start3A_126 = arith.constant 0 : i32
    %dma_start3A_127 = tpu.memref_slice %arg4[%dma_start3A_125, %dma_start3A_126] : memref<100000x1024xf32, #tpu.memory_space<hbm>> -> memref<100000x1024xf32, #tpu.memory_space<hbm>>
    tpu.enqueue_indirect_dma source(%dma_start3A_127 : memref<100000x1024xf32, #tpu.memory_space<hbm>>) target(%arg10 : memref<32x1024xf32, #tpu.memory_space<vmem>>) offsets(%dma_start3A_124 : memref<32xi32, #tpu.memory_space<vmem>>) semaphore(%arg12 : memref<!tpu.dma_semaphore, #tpu.memory_space<semaphore_mem>>)
    %dma_start3A_128 = arith.constant 4 : i32
    %dma_start3A_129 = arith.constant 0 : i32
    %dma_start3A_130 = tpu.memref_slice %arg9[%dma_start3A_128, %dma_start3A_129] : memref<16x32xi32, #tpu.memory_space<vmem>> -> memref<1x32xi32, #tpu.memory_space<vmem>>
    %dma_start3A_131 = tpu.memref_squeeze %dma_start3A_130 : memref<1x32xi32, #tpu.memory_space<vmem>> -> memref<32xi32, #tpu.memory_space<vmem>>
    %dma_start3A_132 = arith.constant 0 : i32
    %dma_start3A_133 = arith.constant 0 : i32
    %dma_start3A_134 = tpu.memref_slice %arg5[%dma_start3A_132, %dma_start3A_133] : memref<4096x1024xf32, #tpu.memory_space<hbm>> -> memref<4096x1024xf32, #tpu.memory_space<hbm>>
    tpu.enqueue_indirect_dma source(%dma_start3A_134 : memref<4096x1024xf32, #tpu.memory_space<hbm>>) target(%arg11 : memref<32x1024xf32, #tpu.memory_space<vmem>>) offsets(%dma_start3A_131 : memref<32xi32, #tpu.memory_space<vmem>>) semaphore(%arg13 : memref<!tpu.dma_semaphore, #tpu.memory_space<semaphore_mem>>)
    %add3A_135 = arith.constant 128 : i32
    %add3A_136 = arith.addi %mul3A_2, %add3A_135 : i32
    %dma_wait3A_137 = arith.constant 4 : i32
    %dma_wait3A_138 = arith.constant 0 : i32
    %dma_wait3A_139 = tpu.memref_slice %arg8[%dma_wait3A_137, %dma_wait3A_138] : memref<16x32xi32, #tpu.memory_space<vmem>> -> memref<1x32xi32, #tpu.memory_space<vmem>>
    %dma_wait3A_140 = tpu.memref_squeeze %dma_wait3A_139 : memref<1x32xi32, #tpu.memory_space<vmem>> -> memref<32xi32, #tpu.memory_space<vmem>>
    %dma_wait3A_141 = arith.constant 0 : i32
    %dma_wait3A_142 = arith.constant 0 : i32
    %dma_wait3A_143 = tpu.memref_slice %arg4[%dma_wait3A_141, %dma_wait3A_142] : memref<100000x1024xf32, #tpu.memory_space<hbm>> -> memref<100000x1024xf32, #tpu.memory_space<hbm>>
    tpu.wait_indirect_dma semaphore(%arg12 : memref<!tpu.dma_semaphore, #tpu.memory_space<semaphore_mem>>) src(%dma_wait3A_143 : memref<100000x1024xf32, #tpu.memory_space<hbm>>) dst(%arg10 : memref<32x1024xf32, #tpu.memory_space<vmem>>)
    "tpu.region"() ({
      %run_scoped3A = tpu.sem_alloc : memref<!tpu.dma_semaphore, #tpu.memory_space<semaphore_mem>>
      %dma_start3A_481 = arith.constant 0 : i32
      %dma_start3A_482 = tpu.memref_slice %arg6[%add3A_136, %dma_start3A_481] : memref<16384x1024xf32, #tpu.memory_space<hbm>> -> memref<32x1024xf32, #tpu.memory_space<hbm>>
      %dma_start3A_483 = arith.constant 0 : i32
      %dma_start3A_484 = tpu.memref_slice %arg6[%add3A_136, %dma_start3A_483] : memref<16384x1024xf32, #tpu.memory_space<hbm>> -> memref<32x1024xf32, #tpu.memory_space<hbm>>
      tpu.enqueue_dma source(%arg10 : memref<32x1024xf32, #tpu.memory_space<vmem>>) target(%dma_start3A_484 : memref<32x1024xf32, #tpu.memory_space<hbm>>) target_semaphore(%run_scoped3A : memref<!tpu.dma_semaphore, #tpu.memory_space<semaphore_mem>>)
      %dma_wait3A_485 = arith.constant 0 : i32
      %dma_wait3A_486 = tpu.memref_slice %arg6[%add3A_136, %dma_wait3A_485] : memref<16384x1024xf32, #tpu.memory_space<hbm>> -> memref<32x1024xf32, #tpu.memory_space<hbm>>
      %dma_wait3A_487 = arith.constant 0 : i32
      %dma_wait3A_488 = tpu.memref_slice %arg6[%add3A_136, %dma_wait3A_487] : memref<16384x1024xf32, #tpu.memory_space<hbm>> -> memref<32x1024xf32, #tpu.memory_space<hbm>>
      tpu.wait_dma2 semaphore(%run_scoped3A : memref<!tpu.dma_semaphore, #tpu.memory_space<semaphore_mem>>) src(%arg10 : memref<32x1024xf32, #tpu.memory_space<vmem>>) dst(%dma_wait3A_488 : memref<32x1024xf32, #tpu.memory_space<hbm>>)
      tpu.yield
    }) : () -> ()
    %dma_wait3A_144 = arith.constant 4 : i32
    %dma_wait3A_145 = arith.constant 0 : i32
    %dma_wait3A_146 = tpu.memref_slice %arg9[%dma_wait3A_144, %dma_wait3A_145] : memref<16x32xi32, #tpu.memory_space<vmem>> -> memref<1x32xi32, #tpu.memory_space<vmem>>
    %dma_wait3A_147 = tpu.memref_squeeze %dma_wait3A_146 : memref<1x32xi32, #tpu.memory_space<vmem>> -> memref<32xi32, #tpu.memory_space<vmem>>
    %dma_wait3A_148 = arith.constant 0 : i32
    %dma_wait3A_149 = arith.constant 0 : i32
    %dma_wait3A_150 = tpu.memref_slice %arg5[%dma_wait3A_148, %dma_wait3A_149] : memref<4096x1024xf32, #tpu.memory_space<hbm>> -> memref<4096x1024xf32, #tpu.memory_space<hbm>>
    tpu.wait_indirect_dma semaphore(%arg13 : memref<!tpu.dma_semaphore, #tpu.memory_space<semaphore_mem>>) src(%dma_wait3A_150 : memref<4096x1024xf32, #tpu.memory_space<hbm>>) dst(%arg11 : memref<32x1024xf32, #tpu.memory_space<vmem>>)
    "tpu.region"() ({
      %run_scoped3A = tpu.sem_alloc : memref<!tpu.dma_semaphore, #tpu.memory_space<semaphore_mem>>
      %dma_start3A_481 = arith.constant 0 : i32
      %dma_start3A_482 = tpu.memref_slice %arg7[%add3A_136, %dma_start3A_481] : memref<16384x1024xf32, #tpu.memory_space<hbm>> -> memref<32x1024xf32, #tpu.memory_space<hbm>>
      %dma_start3A_483 = arith.constant 0 : i32
      %dma_start3A_484 = tpu.memref_slice %arg7[%add3A_136, %dma_start3A_483] : memref<16384x1024xf32, #tpu.memory_space<hbm>> -> memref<32x1024xf32, #tpu.memory_space<hbm>>
      tpu.enqueue_dma source(%arg11 : memref<32x1024xf32, #tpu.memory_space<vmem>>) target(%dma_start3A_484 : memref<32x1024xf32, #tpu.memory_space<hbm>>) target_semaphore(%run_scoped3A : memref<!tpu.dma_semaphore, #tpu.memory_space<semaphore_mem>>)
      %dma_wait3A_485 = arith.constant 0 : i32
      %dma_wait3A_486 = tpu.memref_slice %arg7[%add3A_136, %dma_wait3A_485] : memref<16384x1024xf32, #tpu.memory_space<hbm>> -> memref<32x1024xf32, #tpu.memory_space<hbm>>
      %dma_wait3A_487 = arith.constant 0 : i32
      %dma_wait3A_488 = tpu.memref_slice %arg7[%add3A_136, %dma_wait3A_487] : memref<16384x1024xf32, #tpu.memory_space<hbm>> -> memref<32x1024xf32, #tpu.memory_space<hbm>>
      tpu.wait_dma2 semaphore(%run_scoped3A : memref<!tpu.dma_semaphore, #tpu.memory_space<semaphore_mem>>) src(%arg11 : memref<32x1024xf32, #tpu.memory_space<vmem>>) dst(%dma_wait3A_488 : memref<32x1024xf32, #tpu.memory_space<hbm>>)
      tpu.yield
    }) : () -> ()
    %dma_start3A_151 = arith.constant 5 : i32
    %dma_start3A_152 = arith.constant 0 : i32
    %dma_start3A_153 = tpu.memref_slice %arg8[%dma_start3A_151, %dma_start3A_152] : memref<16x32xi32, #tpu.memory_space<vmem>> -> memref<1x32xi32, #tpu.memory_space<vmem>>
    %dma_start3A_154 = tpu.memref_squeeze %dma_start3A_153 : memref<1x32xi32, #tpu.memory_space<vmem>> -> memref<32xi32, #tpu.memory_space<vmem>>
    %dma_start3A_155 = arith.constant 0 : i32
    %dma_start3A_156 = arith.constant 0 : i32
    %dma_start3A_157 = tpu.memref_slice %arg4[%dma_start3A_155, %dma_start3A_156] : memref<100000x1024xf32, #tpu.memory_space<hbm>> -> memref<100000x1024xf32, #tpu.memory_space<hbm>>
    tpu.enqueue_indirect_dma source(%dma_start3A_157 : memref<100000x1024xf32, #tpu.memory_space<hbm>>) target(%arg10 : memref<32x1024xf32, #tpu.memory_space<vmem>>) offsets(%dma_start3A_154 : memref<32xi32, #tpu.memory_space<vmem>>) semaphore(%arg12 : memref<!tpu.dma_semaphore, #tpu.memory_space<semaphore_mem>>)
    %dma_start3A_158 = arith.constant 5 : i32
    %dma_start3A_159 = arith.constant 0 : i32
    %dma_start3A_160 = tpu.memref_slice %arg9[%dma_start3A_158, %dma_start3A_159] : memref<16x32xi32, #tpu.memory_space<vmem>> -> memref<1x32xi32, #tpu.memory_space<vmem>>
    %dma_start3A_161 = tpu.memref_squeeze %dma_start3A_160 : memref<1x32xi32, #tpu.memory_space<vmem>> -> memref<32xi32, #tpu.memory_space<vmem>>
    %dma_start3A_162 = arith.constant 0 : i32
    %dma_start3A_163 = arith.constant 0 : i32
    %dma_start3A_164 = tpu.memref_slice %arg5[%dma_start3A_162, %dma_start3A_163] : memref<4096x1024xf32, #tpu.memory_space<hbm>> -> memref<4096x1024xf32, #tpu.memory_space<hbm>>
    tpu.enqueue_indirect_dma source(%dma_start3A_164 : memref<4096x1024xf32, #tpu.memory_space<hbm>>) target(%arg11 : memref<32x1024xf32, #tpu.memory_space<vmem>>) offsets(%dma_start3A_161 : memref<32xi32, #tpu.memory_space<vmem>>) semaphore(%arg13 : memref<!tpu.dma_semaphore, #tpu.memory_space<semaphore_mem>>)
    %add3A_165 = arith.constant 160 : i32
    %add3A_166 = arith.addi %mul3A_2, %add3A_165 : i32
    %dma_wait3A_167 = arith.constant 5 : i32
    %dma_wait3A_168 = arith.constant 0 : i32
    %dma_wait3A_169 = tpu.memref_slice %arg8[%dma_wait3A_167, %dma_wait3A_168] : memref<16x32xi32, #tpu.memory_space<vmem>> -> memref<1x32xi32, #tpu.memory_space<vmem>>
    %dma_wait3A_170 = tpu.memref_squeeze %dma_wait3A_169 : memref<1x32xi32, #tpu.memory_space<vmem>> -> memref<32xi32, #tpu.memory_space<vmem>>
    %dma_wait3A_171 = arith.constant 0 : i32
    %dma_wait3A_172 = arith.constant 0 : i32
    %dma_wait3A_173 = tpu.memref_slice %arg4[%dma_wait3A_171, %dma_wait3A_172] : memref<100000x1024xf32, #tpu.memory_space<hbm>> -> memref<100000x1024xf32, #tpu.memory_space<hbm>>
    tpu.wait_indirect_dma semaphore(%arg12 : memref<!tpu.dma_semaphore, #tpu.memory_space<semaphore_mem>>) src(%dma_wait3A_173 : memref<100000x1024xf32, #tpu.memory_space<hbm>>) dst(%arg10 : memref<32x1024xf32, #tpu.memory_space<vmem>>)
    "tpu.region"() ({
      %run_scoped3A = tpu.sem_alloc : memref<!tpu.dma_semaphore, #tpu.memory_space<semaphore_mem>>
      %dma_start3A_481 = arith.constant 0 : i32
      %dma_start3A_482 = tpu.memref_slice %arg6[%add3A_166, %dma_start3A_481] : memref<16384x1024xf32, #tpu.memory_space<hbm>> -> memref<32x1024xf32, #tpu.memory_space<hbm>>
      %dma_start3A_483 = arith.constant 0 : i32
      %dma_start3A_484 = tpu.memref_slice %arg6[%add3A_166, %dma_start3A_483] : memref<16384x1024xf32, #tpu.memory_space<hbm>> -> memref<32x1024xf32, #tpu.memory_space<hbm>>
      tpu.enqueue_dma source(%arg10 : memref<32x1024xf32, #tpu.memory_space<vmem>>) target(%dma_start3A_484 : memref<32x1024xf32, #tpu.memory_space<hbm>>) target_semaphore(%run_scoped3A : memref<!tpu.dma_semaphore, #tpu.memory_space<semaphore_mem>>)
      %dma_wait3A_485 = arith.constant 0 : i32
      %dma_wait3A_486 = tpu.memref_slice %arg6[%add3A_166, %dma_wait3A_485] : memref<16384x1024xf32, #tpu.memory_space<hbm>> -> memref<32x1024xf32, #tpu.memory_space<hbm>>
      %dma_wait3A_487 = arith.constant 0 : i32
      %dma_wait3A_488 = tpu.memref_slice %arg6[%add3A_166, %dma_wait3A_487] : memref<16384x1024xf32, #tpu.memory_space<hbm>> -> memref<32x1024xf32, #tpu.memory_space<hbm>>
      tpu.wait_dma2 semaphore(%run_scoped3A : memref<!tpu.dma_semaphore, #tpu.memory_space<semaphore_mem>>) src(%arg10 : memref<32x1024xf32, #tpu.memory_space<vmem>>) dst(%dma_wait3A_488 : memref<32x1024xf32, #tpu.memory_space<hbm>>)
      tpu.yield
    }) : () -> ()
    %dma_wait3A_174 = arith.constant 5 : i32
    %dma_wait3A_175 = arith.constant 0 : i32
    %dma_wait3A_176 = tpu.memref_slice %arg9[%dma_wait3A_174, %dma_wait3A_175] : memref<16x32xi32, #tpu.memory_space<vmem>> -> memref<1x32xi32, #tpu.memory_space<vmem>>
    %dma_wait3A_177 = tpu.memref_squeeze %dma_wait3A_176 : memref<1x32xi32, #tpu.memory_space<vmem>> -> memref<32xi32, #tpu.memory_space<vmem>>
    %dma_wait3A_178 = arith.constant 0 : i32
    %dma_wait3A_179 = arith.constant 0 : i32
    %dma_wait3A_180 = tpu.memref_slice %arg5[%dma_wait3A_178, %dma_wait3A_179] : memref<4096x1024xf32, #tpu.memory_space<hbm>> -> memref<4096x1024xf32, #tpu.memory_space<hbm>>
    tpu.wait_indirect_dma semaphore(%arg13 : memref<!tpu.dma_semaphore, #tpu.memory_space<semaphore_mem>>) src(%dma_wait3A_180 : memref<4096x1024xf32, #tpu.memory_space<hbm>>) dst(%arg11 : memref<32x1024xf32, #tpu.memory_space<vmem>>)
    "tpu.region"() ({
      %run_scoped3A = tpu.sem_alloc : memref<!tpu.dma_semaphore, #tpu.memory_space<semaphore_mem>>
      %dma_start3A_481 = arith.constant 0 : i32
      %dma_start3A_482 = tpu.memref_slice %arg7[%add3A_166, %dma_start3A_481] : memref<16384x1024xf32, #tpu.memory_space<hbm>> -> memref<32x1024xf32, #tpu.memory_space<hbm>>
      %dma_start3A_483 = arith.constant 0 : i32
      %dma_start3A_484 = tpu.memref_slice %arg7[%add3A_166, %dma_start3A_483] : memref<16384x1024xf32, #tpu.memory_space<hbm>> -> memref<32x1024xf32, #tpu.memory_space<hbm>>
      tpu.enqueue_dma source(%arg11 : memref<32x1024xf32, #tpu.memory_space<vmem>>) target(%dma_start3A_484 : memref<32x1024xf32, #tpu.memory_space<hbm>>) target_semaphore(%run_scoped3A : memref<!tpu.dma_semaphore, #tpu.memory_space<semaphore_mem>>)
      %dma_wait3A_485 = arith.constant 0 : i32
      %dma_wait3A_486 = tpu.memref_slice %arg7[%add3A_166, %dma_wait3A_485] : memref<16384x1024xf32, #tpu.memory_space<hbm>> -> memref<32x1024xf32, #tpu.memory_space<hbm>>
      %dma_wait3A_487 = arith.constant 0 : i32
      %dma_wait3A_488 = tpu.memref_slice %arg7[%add3A_166, %dma_wait3A_487] : memref<16384x1024xf32, #tpu.memory_space<hbm>> -> memref<32x1024xf32, #tpu.memory_space<hbm>>
      tpu.wait_dma2 semaphore(%run_scoped3A : memref<!tpu.dma_semaphore, #tpu.memory_space<semaphore_mem>>) src(%arg11 : memref<32x1024xf32, #tpu.memory_space<vmem>>) dst(%dma_wait3A_488 : memref<32x1024xf32, #tpu.memory_space<hbm>>)
      tpu.yield
    }) : () -> ()
    %dma_start3A_181 = arith.constant 6 : i32
    %dma_start3A_182 = arith.constant 0 : i32
    %dma_start3A_183 = tpu.memref_slice %arg8[%dma_start3A_181, %dma_start3A_182] : memref<16x32xi32, #tpu.memory_space<vmem>> -> memref<1x32xi32, #tpu.memory_space<vmem>>
    %dma_start3A_184 = tpu.memref_squeeze %dma_start3A_183 : memref<1x32xi32, #tpu.memory_space<vmem>> -> memref<32xi32, #tpu.memory_space<vmem>>
    %dma_start3A_185 = arith.constant 0 : i32
    %dma_start3A_186 = arith.constant 0 : i32
    %dma_start3A_187 = tpu.memref_slice %arg4[%dma_start3A_185, %dma_start3A_186] : memref<100000x1024xf32, #tpu.memory_space<hbm>> -> memref<100000x1024xf32, #tpu.memory_space<hbm>>
    tpu.enqueue_indirect_dma source(%dma_start3A_187 : memref<100000x1024xf32, #tpu.memory_space<hbm>>) target(%arg10 : memref<32x1024xf32, #tpu.memory_space<vmem>>) offsets(%dma_start3A_184 : memref<32xi32, #tpu.memory_space<vmem>>) semaphore(%arg12 : memref<!tpu.dma_semaphore, #tpu.memory_space<semaphore_mem>>)
    %dma_start3A_188 = arith.constant 6 : i32
    %dma_start3A_189 = arith.constant 0 : i32
    %dma_start3A_190 = tpu.memref_slice %arg9[%dma_start3A_188, %dma_start3A_189] : memref<16x32xi32, #tpu.memory_space<vmem>> -> memref<1x32xi32, #tpu.memory_space<vmem>>
    %dma_start3A_191 = tpu.memref_squeeze %dma_start3A_190 : memref<1x32xi32, #tpu.memory_space<vmem>> -> memref<32xi32, #tpu.memory_space<vmem>>
    %dma_start3A_192 = arith.constant 0 : i32
    %dma_start3A_193 = arith.constant 0 : i32
    %dma_start3A_194 = tpu.memref_slice %arg5[%dma_start3A_192, %dma_start3A_193] : memref<4096x1024xf32, #tpu.memory_space<hbm>> -> memref<4096x1024xf32, #tpu.memory_space<hbm>>
    tpu.enqueue_indirect_dma source(%dma_start3A_194 : memref<4096x1024xf32, #tpu.memory_space<hbm>>) target(%arg11 : memref<32x1024xf32, #tpu.memory_space<vmem>>) offsets(%dma_start3A_191 : memref<32xi32, #tpu.memory_space<vmem>>) semaphore(%arg13 : memref<!tpu.dma_semaphore, #tpu.memory_space<semaphore_mem>>)
    %add3A_195 = arith.constant 192 : i32
    %add3A_196 = arith.addi %mul3A_2, %add3A_195 : i32
    %dma_wait3A_197 = arith.constant 6 : i32
    %dma_wait3A_198 = arith.constant 0 : i32
    %dma_wait3A_199 = tpu.memref_slice %arg8[%dma_wait3A_197, %dma_wait3A_198] : memref<16x32xi32, #tpu.memory_space<vmem>> -> memref<1x32xi32, #tpu.memory_space<vmem>>
    %dma_wait3A_200 = tpu.memref_squeeze %dma_wait3A_199 : memref<1x32xi32, #tpu.memory_space<vmem>> -> memref<32xi32, #tpu.memory_space<vmem>>
    %dma_wait3A_201 = arith.constant 0 : i32
    %dma_wait3A_202 = arith.constant 0 : i32
    %dma_wait3A_203 = tpu.memref_slice %arg4[%dma_wait3A_201, %dma_wait3A_202] : memref<100000x1024xf32, #tpu.memory_space<hbm>> -> memref<100000x1024xf32, #tpu.memory_space<hbm>>
    tpu.wait_indirect_dma semaphore(%arg12 : memref<!tpu.dma_semaphore, #tpu.memory_space<semaphore_mem>>) src(%dma_wait3A_203 : memref<100000x1024xf32, #tpu.memory_space<hbm>>) dst(%arg10 : memref<32x1024xf32, #tpu.memory_space<vmem>>)
    "tpu.region"() ({
      %run_scoped3A = tpu.sem_alloc : memref<!tpu.dma_semaphore, #tpu.memory_space<semaphore_mem>>
      %dma_start3A_481 = arith.constant 0 : i32
      %dma_start3A_482 = tpu.memref_slice %arg6[%add3A_196, %dma_start3A_481] : memref<16384x1024xf32, #tpu.memory_space<hbm>> -> memref<32x1024xf32, #tpu.memory_space<hbm>>
      %dma_start3A_483 = arith.constant 0 : i32
      %dma_start3A_484 = tpu.memref_slice %arg6[%add3A_196, %dma_start3A_483] : memref<16384x1024xf32, #tpu.memory_space<hbm>> -> memref<32x1024xf32, #tpu.memory_space<hbm>>
      tpu.enqueue_dma source(%arg10 : memref<32x1024xf32, #tpu.memory_space<vmem>>) target(%dma_start3A_484 : memref<32x1024xf32, #tpu.memory_space<hbm>>) target_semaphore(%run_scoped3A : memref<!tpu.dma_semaphore, #tpu.memory_space<semaphore_mem>>)
      %dma_wait3A_485 = arith.constant 0 : i32
      %dma_wait3A_486 = tpu.memref_slice %arg6[%add3A_196, %dma_wait3A_485] : memref<16384x1024xf32, #tpu.memory_space<hbm>> -> memref<32x1024xf32, #tpu.memory_space<hbm>>
      %dma_wait3A_487 = arith.constant 0 : i32
      %dma_wait3A_488 = tpu.memref_slice %arg6[%add3A_196, %dma_wait3A_487] : memref<16384x1024xf32, #tpu.memory_space<hbm>> -> memref<32x1024xf32, #tpu.memory_space<hbm>>
      tpu.wait_dma2 semaphore(%run_scoped3A : memref<!tpu.dma_semaphore, #tpu.memory_space<semaphore_mem>>) src(%arg10 : memref<32x1024xf32, #tpu.memory_space<vmem>>) dst(%dma_wait3A_488 : memref<32x1024xf32, #tpu.memory_space<hbm>>)
      tpu.yield
    }) : () -> ()
    %dma_wait3A_204 = arith.constant 6 : i32
    %dma_wait3A_205 = arith.constant 0 : i32
    %dma_wait3A_206 = tpu.memref_slice %arg9[%dma_wait3A_204, %dma_wait3A_205] : memref<16x32xi32, #tpu.memory_space<vmem>> -> memref<1x32xi32, #tpu.memory_space<vmem>>
    %dma_wait3A_207 = tpu.memref_squeeze %dma_wait3A_206 : memref<1x32xi32, #tpu.memory_space<vmem>> -> memref<32xi32, #tpu.memory_space<vmem>>
    %dma_wait3A_208 = arith.constant 0 : i32
    %dma_wait3A_209 = arith.constant 0 : i32
    %dma_wait3A_210 = tpu.memref_slice %arg5[%dma_wait3A_208, %dma_wait3A_209] : memref<4096x1024xf32, #tpu.memory_space<hbm>> -> memref<4096x1024xf32, #tpu.memory_space<hbm>>
    tpu.wait_indirect_dma semaphore(%arg13 : memref<!tpu.dma_semaphore, #tpu.memory_space<semaphore_mem>>) src(%dma_wait3A_210 : memref<4096x1024xf32, #tpu.memory_space<hbm>>) dst(%arg11 : memref<32x1024xf32, #tpu.memory_space<vmem>>)
    "tpu.region"() ({
      %run_scoped3A = tpu.sem_alloc : memref<!tpu.dma_semaphore, #tpu.memory_space<semaphore_mem>>
      %dma_start3A_481 = arith.constant 0 : i32
      %dma_start3A_482 = tpu.memref_slice %arg7[%add3A_196, %dma_start3A_481] : memref<16384x1024xf32, #tpu.memory_space<hbm>> -> memref<32x1024xf32, #tpu.memory_space<hbm>>
      %dma_start3A_483 = arith.constant 0 : i32
      %dma_start3A_484 = tpu.memref_slice %arg7[%add3A_196, %dma_start3A_483] : memref<16384x1024xf32, #tpu.memory_space<hbm>> -> memref<32x1024xf32, #tpu.memory_space<hbm>>
      tpu.enqueue_dma source(%arg11 : memref<32x1024xf32, #tpu.memory_space<vmem>>) target(%dma_start3A_484 : memref<32x1024xf32, #tpu.memory_space<hbm>>) target_semaphore(%run_scoped3A : memref<!tpu.dma_semaphore, #tpu.memory_space<semaphore_mem>>)
      %dma_wait3A_485 = arith.constant 0 : i32
      %dma_wait3A_486 = tpu.memref_slice %arg7[%add3A_196, %dma_wait3A_485] : memref<16384x1024xf32, #tpu.memory_space<hbm>> -> memref<32x1024xf32, #tpu.memory_space<hbm>>
      %dma_wait3A_487 = arith.constant 0 : i32
      %dma_wait3A_488 = tpu.memref_slice %arg7[%add3A_196, %dma_wait3A_487] : memref<16384x1024xf32, #tpu.memory_space<hbm>> -> memref<32x1024xf32, #tpu.memory_space<hbm>>
      tpu.wait_dma2 semaphore(%run_scoped3A : memref<!tpu.dma_semaphore, #tpu.memory_space<semaphore_mem>>) src(%arg11 : memref<32x1024xf32, #tpu.memory_space<vmem>>) dst(%dma_wait3A_488 : memref<32x1024xf32, #tpu.memory_space<hbm>>)
      tpu.yield
    }) : () -> ()
    %dma_start3A_211 = arith.constant 7 : i32
    %dma_start3A_212 = arith.constant 0 : i32
    %dma_start3A_213 = tpu.memref_slice %arg8[%dma_start3A_211, %dma_start3A_212] : memref<16x32xi32, #tpu.memory_space<vmem>> -> memref<1x32xi32, #tpu.memory_space<vmem>>
    %dma_start3A_214 = tpu.memref_squeeze %dma_start3A_213 : memref<1x32xi32, #tpu.memory_space<vmem>> -> memref<32xi32, #tpu.memory_space<vmem>>
    %dma_start3A_215 = arith.constant 0 : i32
    %dma_start3A_216 = arith.constant 0 : i32
    %dma_start3A_217 = tpu.memref_slice %arg4[%dma_start3A_215, %dma_start3A_216] : memref<100000x1024xf32, #tpu.memory_space<hbm>> -> memref<100000x1024xf32, #tpu.memory_space<hbm>>
    tpu.enqueue_indirect_dma source(%dma_start3A_217 : memref<100000x1024xf32, #tpu.memory_space<hbm>>) target(%arg10 : memref<32x1024xf32, #tpu.memory_space<vmem>>) offsets(%dma_start3A_214 : memref<32xi32, #tpu.memory_space<vmem>>) semaphore(%arg12 : memref<!tpu.dma_semaphore, #tpu.memory_space<semaphore_mem>>)
    %dma_start3A_218 = arith.constant 7 : i32
    %dma_start3A_219 = arith.constant 0 : i32
    %dma_start3A_220 = tpu.memref_slice %arg9[%dma_start3A_218, %dma_start3A_219] : memref<16x32xi32, #tpu.memory_space<vmem>> -> memref<1x32xi32, #tpu.memory_space<vmem>>
    %dma_start3A_221 = tpu.memref_squeeze %dma_start3A_220 : memref<1x32xi32, #tpu.memory_space<vmem>> -> memref<32xi32, #tpu.memory_space<vmem>>
    %dma_start3A_222 = arith.constant 0 : i32
    %dma_start3A_223 = arith.constant 0 : i32
    %dma_start3A_224 = tpu.memref_slice %arg5[%dma_start3A_222, %dma_start3A_223] : memref<4096x1024xf32, #tpu.memory_space<hbm>> -> memref<4096x1024xf32, #tpu.memory_space<hbm>>
    tpu.enqueue_indirect_dma source(%dma_start3A_224 : memref<4096x1024xf32, #tpu.memory_space<hbm>>) target(%arg11 : memref<32x1024xf32, #tpu.memory_space<vmem>>) offsets(%dma_start3A_221 : memref<32xi32, #tpu.memory_space<vmem>>) semaphore(%arg13 : memref<!tpu.dma_semaphore, #tpu.memory_space<semaphore_mem>>)
    %add3A_225 = arith.constant 224 : i32
    %add3A_226 = arith.addi %mul3A_2, %add3A_225 : i32
    %dma_wait3A_227 = arith.constant 7 : i32
    %dma_wait3A_228 = arith.constant 0 : i32
    %dma_wait3A_229 = tpu.memref_slice %arg8[%dma_wait3A_227, %dma_wait3A_228] : memref<16x32xi32, #tpu.memory_space<vmem>> -> memref<1x32xi32, #tpu.memory_space<vmem>>
    %dma_wait3A_230 = tpu.memref_squeeze %dma_wait3A_229 : memref<1x32xi32, #tpu.memory_space<vmem>> -> memref<32xi32, #tpu.memory_space<vmem>>
    %dma_wait3A_231 = arith.constant 0 : i32
    %dma_wait3A_232 = arith.constant 0 : i32
    %dma_wait3A_233 = tpu.memref_slice %arg4[%dma_wait3A_231, %dma_wait3A_232] : memref<100000x1024xf32, #tpu.memory_space<hbm>> -> memref<100000x1024xf32, #tpu.memory_space<hbm>>
    tpu.wait_indirect_dma semaphore(%arg12 : memref<!tpu.dma_semaphore, #tpu.memory_space<semaphore_mem>>) src(%dma_wait3A_233 : memref<100000x1024xf32, #tpu.memory_space<hbm>>) dst(%arg10 : memref<32x1024xf32, #tpu.memory_space<vmem>>)
    "tpu.region"() ({
      %run_scoped3A = tpu.sem_alloc : memref<!tpu.dma_semaphore, #tpu.memory_space<semaphore_mem>>
      %dma_start3A_481 = arith.constant 0 : i32
      %dma_start3A_482 = tpu.memref_slice %arg6[%add3A_226, %dma_start3A_481] : memref<16384x1024xf32, #tpu.memory_space<hbm>> -> memref<32x1024xf32, #tpu.memory_space<hbm>>
      %dma_start3A_483 = arith.constant 0 : i32
      %dma_start3A_484 = tpu.memref_slice %arg6[%add3A_226, %dma_start3A_483] : memref<16384x1024xf32, #tpu.memory_space<hbm>> -> memref<32x1024xf32, #tpu.memory_space<hbm>>
      tpu.enqueue_dma source(%arg10 : memref<32x1024xf32, #tpu.memory_space<vmem>>) target(%dma_start3A_484 : memref<32x1024xf32, #tpu.memory_space<hbm>>) target_semaphore(%run_scoped3A : memref<!tpu.dma_semaphore, #tpu.memory_space<semaphore_mem>>)
      %dma_wait3A_485 = arith.constant 0 : i32
      %dma_wait3A_486 = tpu.memref_slice %arg6[%add3A_226, %dma_wait3A_485] : memref<16384x1024xf32, #tpu.memory_space<hbm>> -> memref<32x1024xf32, #tpu.memory_space<hbm>>
      %dma_wait3A_487 = arith.constant 0 : i32
      %dma_wait3A_488 = tpu.memref_slice %arg6[%add3A_226, %dma_wait3A_487] : memref<16384x1024xf32, #tpu.memory_space<hbm>> -> memref<32x1024xf32, #tpu.memory_space<hbm>>
      tpu.wait_dma2 semaphore(%run_scoped3A : memref<!tpu.dma_semaphore, #tpu.memory_space<semaphore_mem>>) src(%arg10 : memref<32x1024xf32, #tpu.memory_space<vmem>>) dst(%dma_wait3A_488 : memref<32x1024xf32, #tpu.memory_space<hbm>>)
      tpu.yield
    }) : () -> ()
    %dma_wait3A_234 = arith.constant 7 : i32
    %dma_wait3A_235 = arith.constant 0 : i32
    %dma_wait3A_236 = tpu.memref_slice %arg9[%dma_wait3A_234, %dma_wait3A_235] : memref<16x32xi32, #tpu.memory_space<vmem>> -> memref<1x32xi32, #tpu.memory_space<vmem>>
    %dma_wait3A_237 = tpu.memref_squeeze %dma_wait3A_236 : memref<1x32xi32, #tpu.memory_space<vmem>> -> memref<32xi32, #tpu.memory_space<vmem>>
    %dma_wait3A_238 = arith.constant 0 : i32
    %dma_wait3A_239 = arith.constant 0 : i32
    %dma_wait3A_240 = tpu.memref_slice %arg5[%dma_wait3A_238, %dma_wait3A_239] : memref<4096x1024xf32, #tpu.memory_space<hbm>> -> memref<4096x1024xf32, #tpu.memory_space<hbm>>
    tpu.wait_indirect_dma semaphore(%arg13 : memref<!tpu.dma_semaphore, #tpu.memory_space<semaphore_mem>>) src(%dma_wait3A_240 : memref<4096x1024xf32, #tpu.memory_space<hbm>>) dst(%arg11 : memref<32x1024xf32, #tpu.memory_space<vmem>>)
    "tpu.region"() ({
      %run_scoped3A = tpu.sem_alloc : memref<!tpu.dma_semaphore, #tpu.memory_space<semaphore_mem>>
      %dma_start3A_481 = arith.constant 0 : i32
      %dma_start3A_482 = tpu.memref_slice %arg7[%add3A_226, %dma_start3A_481] : memref<16384x1024xf32, #tpu.memory_space<hbm>> -> memref<32x1024xf32, #tpu.memory_space<hbm>>
      %dma_start3A_483 = arith.constant 0 : i32
      %dma_start3A_484 = tpu.memref_slice %arg7[%add3A_226, %dma_start3A_483] : memref<16384x1024xf32, #tpu.memory_space<hbm>> -> memref<32x1024xf32, #tpu.memory_space<hbm>>
      tpu.enqueue_dma source(%arg11 : memref<32x1024xf32, #tpu.memory_space<vmem>>) target(%dma_start3A_484 : memref<32x1024xf32, #tpu.memory_space<hbm>>) target_semaphore(%run_scoped3A : memref<!tpu.dma_semaphore, #tpu.memory_space<semaphore_mem>>)
      %dma_wait3A_485 = arith.constant 0 : i32
      %dma_wait3A_486 = tpu.memref_slice %arg7[%add3A_226, %dma_wait3A_485] : memref<16384x1024xf32, #tpu.memory_space<hbm>> -> memref<32x1024xf32, #tpu.memory_space<hbm>>
      %dma_wait3A_487 = arith.constant 0 : i32
      %dma_wait3A_488 = tpu.memref_slice %arg7[%add3A_226, %dma_wait3A_487] : memref<16384x1024xf32, #tpu.memory_space<hbm>> -> memref<32x1024xf32, #tpu.memory_space<hbm>>
      tpu.wait_dma2 semaphore(%run_scoped3A : memref<!tpu.dma_semaphore, #tpu.memory_space<semaphore_mem>>) src(%arg11 : memref<32x1024xf32, #tpu.memory_space<vmem>>) dst(%dma_wait3A_488 : memref<32x1024xf32, #tpu.memory_space<hbm>>)
      tpu.yield
    }) : () -> ()
    %dma_start3A_241 = arith.constant 8 : i32
    %dma_start3A_242 = arith.constant 0 : i32
    %dma_start3A_243 = tpu.memref_slice %arg8[%dma_start3A_241, %dma_start3A_242] : memref<16x32xi32, #tpu.memory_space<vmem>> -> memref<1x32xi32, #tpu.memory_space<vmem>>
    %dma_start3A_244 = tpu.memref_squeeze %dma_start3A_243 : memref<1x32xi32, #tpu.memory_space<vmem>> -> memref<32xi32, #tpu.memory_space<vmem>>
    %dma_start3A_245 = arith.constant 0 : i32
    %dma_start3A_246 = arith.constant 0 : i32
    %dma_start3A_247 = tpu.memref_slice %arg4[%dma_start3A_245, %dma_start3A_246] : memref<100000x1024xf32, #tpu.memory_space<hbm>> -> memref<100000x1024xf32, #tpu.memory_space<hbm>>
    tpu.enqueue_indirect_dma source(%dma_start3A_247 : memref<100000x1024xf32, #tpu.memory_space<hbm>>) target(%arg10 : memref<32x1024xf32, #tpu.memory_space<vmem>>) offsets(%dma_start3A_244 : memref<32xi32, #tpu.memory_space<vmem>>) semaphore(%arg12 : memref<!tpu.dma_semaphore, #tpu.memory_space<semaphore_mem>>)
    %dma_start3A_248 = arith.constant 8 : i32
    %dma_start3A_249 = arith.constant 0 : i32
    %dma_start3A_250 = tpu.memref_slice %arg9[%dma_start3A_248, %dma_start3A_249] : memref<16x32xi32, #tpu.memory_space<vmem>> -> memref<1x32xi32, #tpu.memory_space<vmem>>
    %dma_start3A_251 = tpu.memref_squeeze %dma_start3A_250 : memref<1x32xi32, #tpu.memory_space<vmem>> -> memref<32xi32, #tpu.memory_space<vmem>>
    %dma_start3A_252 = arith.constant 0 : i32
    %dma_start3A_253 = arith.constant 0 : i32
    %dma_start3A_254 = tpu.memref_slice %arg5[%dma_start3A_252, %dma_start3A_253] : memref<4096x1024xf32, #tpu.memory_space<hbm>> -> memref<4096x1024xf32, #tpu.memory_space<hbm>>
    tpu.enqueue_indirect_dma source(%dma_start3A_254 : memref<4096x1024xf32, #tpu.memory_space<hbm>>) target(%arg11 : memref<32x1024xf32, #tpu.memory_space<vmem>>) offsets(%dma_start3A_251 : memref<32xi32, #tpu.memory_space<vmem>>) semaphore(%arg13 : memref<!tpu.dma_semaphore, #tpu.memory_space<semaphore_mem>>)
    %add3A_255 = arith.constant 256 : i32
    %add3A_256 = arith.addi %mul3A_2, %add3A_255 : i32
    %dma_wait3A_257 = arith.constant 8 : i32
    %dma_wait3A_258 = arith.constant 0 : i32
    %dma_wait3A_259 = tpu.memref_slice %arg8[%dma_wait3A_257, %dma_wait3A_258] : memref<16x32xi32, #tpu.memory_space<vmem>> -> memref<1x32xi32, #tpu.memory_space<vmem>>
    %dma_wait3A_260 = tpu.memref_squeeze %dma_wait3A_259 : memref<1x32xi32, #tpu.memory_space<vmem>> -> memref<32xi32, #tpu.memory_space<vmem>>
    %dma_wait3A_261 = arith.constant 0 : i32
    %dma_wait3A_262 = arith.constant 0 : i32
    %dma_wait3A_263 = tpu.memref_slice %arg4[%dma_wait3A_261, %dma_wait3A_262] : memref<100000x1024xf32, #tpu.memory_space<hbm>> -> memref<100000x1024xf32, #tpu.memory_space<hbm>>
    tpu.wait_indirect_dma semaphore(%arg12 : memref<!tpu.dma_semaphore, #tpu.memory_space<semaphore_mem>>) src(%dma_wait3A_263 : memref<100000x1024xf32, #tpu.memory_space<hbm>>) dst(%arg10 : memref<32x1024xf32, #tpu.memory_space<vmem>>)
    "tpu.region"() ({
      %run_scoped3A = tpu.sem_alloc : memref<!tpu.dma_semaphore, #tpu.memory_space<semaphore_mem>>
      %dma_start3A_481 = arith.constant 0 : i32
      %dma_start3A_482 = tpu.memref_slice %arg6[%add3A_256, %dma_start3A_481] : memref<16384x1024xf32, #tpu.memory_space<hbm>> -> memref<32x1024xf32, #tpu.memory_space<hbm>>
      %dma_start3A_483 = arith.constant 0 : i32
      %dma_start3A_484 = tpu.memref_slice %arg6[%add3A_256, %dma_start3A_483] : memref<16384x1024xf32, #tpu.memory_space<hbm>> -> memref<32x1024xf32, #tpu.memory_space<hbm>>
      tpu.enqueue_dma source(%arg10 : memref<32x1024xf32, #tpu.memory_space<vmem>>) target(%dma_start3A_484 : memref<32x1024xf32, #tpu.memory_space<hbm>>) target_semaphore(%run_scoped3A : memref<!tpu.dma_semaphore, #tpu.memory_space<semaphore_mem>>)
      %dma_wait3A_485 = arith.constant 0 : i32
      %dma_wait3A_486 = tpu.memref_slice %arg6[%add3A_256, %dma_wait3A_485] : memref<16384x1024xf32, #tpu.memory_space<hbm>> -> memref<32x1024xf32, #tpu.memory_space<hbm>>
      %dma_wait3A_487 = arith.constant 0 : i32
      %dma_wait3A_488 = tpu.memref_slice %arg6[%add3A_256, %dma_wait3A_487] : memref<16384x1024xf32, #tpu.memory_space<hbm>> -> memref<32x1024xf32, #tpu.memory_space<hbm>>
      tpu.wait_dma2 semaphore(%run_scoped3A : memref<!tpu.dma_semaphore, #tpu.memory_space<semaphore_mem>>) src(%arg10 : memref<32x1024xf32, #tpu.memory_space<vmem>>) dst(%dma_wait3A_488 : memref<32x1024xf32, #tpu.memory_space<hbm>>)
      tpu.yield
    }) : () -> ()
    %dma_wait3A_264 = arith.constant 8 : i32
    %dma_wait3A_265 = arith.constant 0 : i32
    %dma_wait3A_266 = tpu.memref_slice %arg9[%dma_wait3A_264, %dma_wait3A_265] : memref<16x32xi32, #tpu.memory_space<vmem>> -> memref<1x32xi32, #tpu.memory_space<vmem>>
    %dma_wait3A_267 = tpu.memref_squeeze %dma_wait3A_266 : memref<1x32xi32, #tpu.memory_space<vmem>> -> memref<32xi32, #tpu.memory_space<vmem>>
    %dma_wait3A_268 = arith.constant 0 : i32
    %dma_wait3A_269 = arith.constant 0 : i32
    %dma_wait3A_270 = tpu.memref_slice %arg5[%dma_wait3A_268, %dma_wait3A_269] : memref<4096x1024xf32, #tpu.memory_space<hbm>> -> memref<4096x1024xf32, #tpu.memory_space<hbm>>
    tpu.wait_indirect_dma semaphore(%arg13 : memref<!tpu.dma_semaphore, #tpu.memory_space<semaphore_mem>>) src(%dma_wait3A_270 : memref<4096x1024xf32, #tpu.memory_space<hbm>>) dst(%arg11 : memref<32x1024xf32, #tpu.memory_space<vmem>>)
    "tpu.region"() ({
      %run_scoped3A = tpu.sem_alloc : memref<!tpu.dma_semaphore, #tpu.memory_space<semaphore_mem>>
      %dma_start3A_481 = arith.constant 0 : i32
      %dma_start3A_482 = tpu.memref_slice %arg7[%add3A_256, %dma_start3A_481] : memref<16384x1024xf32, #tpu.memory_space<hbm>> -> memref<32x1024xf32, #tpu.memory_space<hbm>>
      %dma_start3A_483 = arith.constant 0 : i32
      %dma_start3A_484 = tpu.memref_slice %arg7[%add3A_256, %dma_start3A_483] : memref<16384x1024xf32, #tpu.memory_space<hbm>> -> memref<32x1024xf32, #tpu.memory_space<hbm>>
      tpu.enqueue_dma source(%arg11 : memref<32x1024xf32, #tpu.memory_space<vmem>>) target(%dma_start3A_484 : memref<32x1024xf32, #tpu.memory_space<hbm>>) target_semaphore(%run_scoped3A : memref<!tpu.dma_semaphore, #tpu.memory_space<semaphore_mem>>)
      %dma_wait3A_485 = arith.constant 0 : i32
      %dma_wait3A_486 = tpu.memref_slice %arg7[%add3A_256, %dma_wait3A_485] : memref<16384x1024xf32, #tpu.memory_space<hbm>> -> memref<32x1024xf32, #tpu.memory_space<hbm>>
      %dma_wait3A_487 = arith.constant 0 : i32
      %dma_wait3A_488 = tpu.memref_slice %arg7[%add3A_256, %dma_wait3A_487] : memref<16384x1024xf32, #tpu.memory_space<hbm>> -> memref<32x1024xf32, #tpu.memory_space<hbm>>
      tpu.wait_dma2 semaphore(%run_scoped3A : memref<!tpu.dma_semaphore, #tpu.memory_space<semaphore_mem>>) src(%arg11 : memref<32x1024xf32, #tpu.memory_space<vmem>>) dst(%dma_wait3A_488 : memref<32x1024xf32, #tpu.memory_space<hbm>>)
      tpu.yield
    }) : () -> ()
    %dma_start3A_271 = arith.constant 9 : i32
    %dma_start3A_272 = arith.constant 0 : i32
    %dma_start3A_273 = tpu.memref_slice %arg8[%dma_start3A_271, %dma_start3A_272] : memref<16x32xi32, #tpu.memory_space<vmem>> -> memref<1x32xi32, #tpu.memory_space<vmem>>
    %dma_start3A_274 = tpu.memref_squeeze %dma_start3A_273 : memref<1x32xi32, #tpu.memory_space<vmem>> -> memref<32xi32, #tpu.memory_space<vmem>>
    %dma_start3A_275 = arith.constant 0 : i32
    %dma_start3A_276 = arith.constant 0 : i32
    %dma_start3A_277 = tpu.memref_slice %arg4[%dma_start3A_275, %dma_start3A_276] : memref<100000x1024xf32, #tpu.memory_space<hbm>> -> memref<100000x1024xf32, #tpu.memory_space<hbm>>
    tpu.enqueue_indirect_dma source(%dma_start3A_277 : memref<100000x1024xf32, #tpu.memory_space<hbm>>) target(%arg10 : memref<32x1024xf32, #tpu.memory_space<vmem>>) offsets(%dma_start3A_274 : memref<32xi32, #tpu.memory_space<vmem>>) semaphore(%arg12 : memref<!tpu.dma_semaphore, #tpu.memory_space<semaphore_mem>>)
    %dma_start3A_278 = arith.constant 9 : i32
    %dma_start3A_279 = arith.constant 0 : i32
    %dma_start3A_280 = tpu.memref_slice %arg9[%dma_start3A_278, %dma_start3A_279] : memref<16x32xi32, #tpu.memory_space<vmem>> -> memref<1x32xi32, #tpu.memory_space<vmem>>
    %dma_start3A_281 = tpu.memref_squeeze %dma_start3A_280 : memref<1x32xi32, #tpu.memory_space<vmem>> -> memref<32xi32, #tpu.memory_space<vmem>>
    %dma_start3A_282 = arith.constant 0 : i32
    %dma_start3A_283 = arith.constant 0 : i32
    %dma_start3A_284 = tpu.memref_slice %arg5[%dma_start3A_282, %dma_start3A_283] : memref<4096x1024xf32, #tpu.memory_space<hbm>> -> memref<4096x1024xf32, #tpu.memory_space<hbm>>
    tpu.enqueue_indirect_dma source(%dma_start3A_284 : memref<4096x1024xf32, #tpu.memory_space<hbm>>) target(%arg11 : memref<32x1024xf32, #tpu.memory_space<vmem>>) offsets(%dma_start3A_281 : memref<32xi32, #tpu.memory_space<vmem>>) semaphore(%arg13 : memref<!tpu.dma_semaphore, #tpu.memory_space<semaphore_mem>>)
    %add3A_285 = arith.constant 288 : i32
    %add3A_286 = arith.addi %mul3A_2, %add3A_285 : i32
    %dma_wait3A_287 = arith.constant 9 : i32
    %dma_wait3A_288 = arith.constant 0 : i32
    %dma_wait3A_289 = tpu.memref_slice %arg8[%dma_wait3A_287, %dma_wait3A_288] : memref<16x32xi32, #tpu.memory_space<vmem>> -> memref<1x32xi32, #tpu.memory_space<vmem>>
    %dma_wait3A_290 = tpu.memref_squeeze %dma_wait3A_289 : memref<1x32xi32, #tpu.memory_space<vmem>> -> memref<32xi32, #tpu.memory_space<vmem>>
    %dma_wait3A_291 = arith.constant 0 : i32
    %dma_wait3A_292 = arith.constant 0 : i32
    %dma_wait3A_293 = tpu.memref_slice %arg4[%dma_wait3A_291, %dma_wait3A_292] : memref<100000x1024xf32, #tpu.memory_space<hbm>> -> memref<100000x1024xf32, #tpu.memory_space<hbm>>
    tpu.wait_indirect_dma semaphore(%arg12 : memref<!tpu.dma_semaphore, #tpu.memory_space<semaphore_mem>>) src(%dma_wait3A_293 : memref<100000x1024xf32, #tpu.memory_space<hbm>>) dst(%arg10 : memref<32x1024xf32, #tpu.memory_space<vmem>>)
    "tpu.region"() ({
      %run_scoped3A = tpu.sem_alloc : memref<!tpu.dma_semaphore, #tpu.memory_space<semaphore_mem>>
      %dma_start3A_481 = arith.constant 0 : i32
      %dma_start3A_482 = tpu.memref_slice %arg6[%add3A_286, %dma_start3A_481] : memref<16384x1024xf32, #tpu.memory_space<hbm>> -> memref<32x1024xf32, #tpu.memory_space<hbm>>
      %dma_start3A_483 = arith.constant 0 : i32
      %dma_start3A_484 = tpu.memref_slice %arg6[%add3A_286, %dma_start3A_483] : memref<16384x1024xf32, #tpu.memory_space<hbm>> -> memref<32x1024xf32, #tpu.memory_space<hbm>>
      tpu.enqueue_dma source(%arg10 : memref<32x1024xf32, #tpu.memory_space<vmem>>) target(%dma_start3A_484 : memref<32x1024xf32, #tpu.memory_space<hbm>>) target_semaphore(%run_scoped3A : memref<!tpu.dma_semaphore, #tpu.memory_space<semaphore_mem>>)
      %dma_wait3A_485 = arith.constant 0 : i32
      %dma_wait3A_486 = tpu.memref_slice %arg6[%add3A_286, %dma_wait3A_485] : memref<16384x1024xf32, #tpu.memory_space<hbm>> -> memref<32x1024xf32, #tpu.memory_space<hbm>>
      %dma_wait3A_487 = arith.constant 0 : i32
      %dma_wait3A_488 = tpu.memref_slice %arg6[%add3A_286, %dma_wait3A_487] : memref<16384x1024xf32, #tpu.memory_space<hbm>> -> memref<32x1024xf32, #tpu.memory_space<hbm>>
      tpu.wait_dma2 semaphore(%run_scoped3A : memref<!tpu.dma_semaphore, #tpu.memory_space<semaphore_mem>>) src(%arg10 : memref<32x1024xf32, #tpu.memory_space<vmem>>) dst(%dma_wait3A_488 : memref<32x1024xf32, #tpu.memory_space<hbm>>)
      tpu.yield
    }) : () -> ()
    %dma_wait3A_294 = arith.constant 9 : i32
    %dma_wait3A_295 = arith.constant 0 : i32
    %dma_wait3A_296 = tpu.memref_slice %arg9[%dma_wait3A_294, %dma_wait3A_295] : memref<16x32xi32, #tpu.memory_space<vmem>> -> memref<1x32xi32, #tpu.memory_space<vmem>>
    %dma_wait3A_297 = tpu.memref_squeeze %dma_wait3A_296 : memref<1x32xi32, #tpu.memory_space<vmem>> -> memref<32xi32, #tpu.memory_space<vmem>>
    %dma_wait3A_298 = arith.constant 0 : i32
    %dma_wait3A_299 = arith.constant 0 : i32
    %dma_wait3A_300 = tpu.memref_slice %arg5[%dma_wait3A_298, %dma_wait3A_299] : memref<4096x1024xf32, #tpu.memory_space<hbm>> -> memref<4096x1024xf32, #tpu.memory_space<hbm>>
    tpu.wait_indirect_dma semaphore(%arg13 : memref<!tpu.dma_semaphore, #tpu.memory_space<semaphore_mem>>) src(%dma_wait3A_300 : memref<4096x1024xf32, #tpu.memory_space<hbm>>) dst(%arg11 : memref<32x1024xf32, #tpu.memory_space<vmem>>)
    "tpu.region"() ({
      %run_scoped3A = tpu.sem_alloc : memref<!tpu.dma_semaphore, #tpu.memory_space<semaphore_mem>>
      %dma_start3A_481 = arith.constant 0 : i32
      %dma_start3A_482 = tpu.memref_slice %arg7[%add3A_286, %dma_start3A_481] : memref<16384x1024xf32, #tpu.memory_space<hbm>> -> memref<32x1024xf32, #tpu.memory_space<hbm>>
      %dma_start3A_483 = arith.constant 0 : i32
      %dma_start3A_484 = tpu.memref_slice %arg7[%add3A_286, %dma_start3A_483] : memref<16384x1024xf32, #tpu.memory_space<hbm>> -> memref<32x1024xf32, #tpu.memory_space<hbm>>
      tpu.enqueue_dma source(%arg11 : memref<32x1024xf32, #tpu.memory_space<vmem>>) target(%dma_start3A_484 : memref<32x1024xf32, #tpu.memory_space<hbm>>) target_semaphore(%run_scoped3A : memref<!tpu.dma_semaphore, #tpu.memory_space<semaphore_mem>>)
      %dma_wait3A_485 = arith.constant 0 : i32
      %dma_wait3A_486 = tpu.memref_slice %arg7[%add3A_286, %dma_wait3A_485] : memref<16384x1024xf32, #tpu.memory_space<hbm>> -> memref<32x1024xf32, #tpu.memory_space<hbm>>
      %dma_wait3A_487 = arith.constant 0 : i32
      %dma_wait3A_488 = tpu.memref_slice %arg7[%add3A_286, %dma_wait3A_487] : memref<16384x1024xf32, #tpu.memory_space<hbm>> -> memref<32x1024xf32, #tpu.memory_space<hbm>>
      tpu.wait_dma2 semaphore(%run_scoped3A : memref<!tpu.dma_semaphore, #tpu.memory_space<semaphore_mem>>) src(%arg11 : memref<32x1024xf32, #tpu.memory_space<vmem>>) dst(%dma_wait3A_488 : memref<32x1024xf32, #tpu.memory_space<hbm>>)
      tpu.yield
    }) : () -> ()
    %dma_start3A_301 = arith.constant 10 : i32
    %dma_start3A_302 = arith.constant 0 : i32
    %dma_start3A_303 = tpu.memref_slice %arg8[%dma_start3A_301, %dma_start3A_302] : memref<16x32xi32, #tpu.memory_space<vmem>> -> memref<1x32xi32, #tpu.memory_space<vmem>>
    %dma_start3A_304 = tpu.memref_squeeze %dma_start3A_303 : memref<1x32xi32, #tpu.memory_space<vmem>> -> memref<32xi32, #tpu.memory_space<vmem>>
    %dma_start3A_305 = arith.constant 0 : i32
    %dma_start3A_306 = arith.constant 0 : i32
    %dma_start3A_307 = tpu.memref_slice %arg4[%dma_start3A_305, %dma_start3A_306] : memref<100000x1024xf32, #tpu.memory_space<hbm>> -> memref<100000x1024xf32, #tpu.memory_space<hbm>>
    tpu.enqueue_indirect_dma source(%dma_start3A_307 : memref<100000x1024xf32, #tpu.memory_space<hbm>>) target(%arg10 : memref<32x1024xf32, #tpu.memory_space<vmem>>) offsets(%dma_start3A_304 : memref<32xi32, #tpu.memory_space<vmem>>) semaphore(%arg12 : memref<!tpu.dma_semaphore, #tpu.memory_space<semaphore_mem>>)
    %dma_start3A_308 = arith.constant 10 : i32
    %dma_start3A_309 = arith.constant 0 : i32
    %dma_start3A_310 = tpu.memref_slice %arg9[%dma_start3A_308, %dma_start3A_309] : memref<16x32xi32, #tpu.memory_space<vmem>> -> memref<1x32xi32, #tpu.memory_space<vmem>>
    %dma_start3A_311 = tpu.memref_squeeze %dma_start3A_310 : memref<1x32xi32, #tpu.memory_space<vmem>> -> memref<32xi32, #tpu.memory_space<vmem>>
    %dma_start3A_312 = arith.constant 0 : i32
    %dma_start3A_313 = arith.constant 0 : i32
    %dma_start3A_314 = tpu.memref_slice %arg5[%dma_start3A_312, %dma_start3A_313] : memref<4096x1024xf32, #tpu.memory_space<hbm>> -> memref<4096x1024xf32, #tpu.memory_space<hbm>>
    tpu.enqueue_indirect_dma source(%dma_start3A_314 : memref<4096x1024xf32, #tpu.memory_space<hbm>>) target(%arg11 : memref<32x1024xf32, #tpu.memory_space<vmem>>) offsets(%dma_start3A_311 : memref<32xi32, #tpu.memory_space<vmem>>) semaphore(%arg13 : memref<!tpu.dma_semaphore, #tpu.memory_space<semaphore_mem>>)
    %add3A_315 = arith.constant 320 : i32
    %add3A_316 = arith.addi %mul3A_2, %add3A_315 : i32
    %dma_wait3A_317 = arith.constant 10 : i32
    %dma_wait3A_318 = arith.constant 0 : i32
    %dma_wait3A_319 = tpu.memref_slice %arg8[%dma_wait3A_317, %dma_wait3A_318] : memref<16x32xi32, #tpu.memory_space<vmem>> -> memref<1x32xi32, #tpu.memory_space<vmem>>
    %dma_wait3A_320 = tpu.memref_squeeze %dma_wait3A_319 : memref<1x32xi32, #tpu.memory_space<vmem>> -> memref<32xi32, #tpu.memory_space<vmem>>
    %dma_wait3A_321 = arith.constant 0 : i32
    %dma_wait3A_322 = arith.constant 0 : i32
    %dma_wait3A_323 = tpu.memref_slice %arg4[%dma_wait3A_321, %dma_wait3A_322] : memref<100000x1024xf32, #tpu.memory_space<hbm>> -> memref<100000x1024xf32, #tpu.memory_space<hbm>>
    tpu.wait_indirect_dma semaphore(%arg12 : memref<!tpu.dma_semaphore, #tpu.memory_space<semaphore_mem>>) src(%dma_wait3A_323 : memref<100000x1024xf32, #tpu.memory_space<hbm>>) dst(%arg10 : memref<32x1024xf32, #tpu.memory_space<vmem>>)
    "tpu.region"() ({
      %run_scoped3A = tpu.sem_alloc : memref<!tpu.dma_semaphore, #tpu.memory_space<semaphore_mem>>
      %dma_start3A_481 = arith.constant 0 : i32
      %dma_start3A_482 = tpu.memref_slice %arg6[%add3A_316, %dma_start3A_481] : memref<16384x1024xf32, #tpu.memory_space<hbm>> -> memref<32x1024xf32, #tpu.memory_space<hbm>>
      %dma_start3A_483 = arith.constant 0 : i32
      %dma_start3A_484 = tpu.memref_slice %arg6[%add3A_316, %dma_start3A_483] : memref<16384x1024xf32, #tpu.memory_space<hbm>> -> memref<32x1024xf32, #tpu.memory_space<hbm>>
      tpu.enqueue_dma source(%arg10 : memref<32x1024xf32, #tpu.memory_space<vmem>>) target(%dma_start3A_484 : memref<32x1024xf32, #tpu.memory_space<hbm>>) target_semaphore(%run_scoped3A : memref<!tpu.dma_semaphore, #tpu.memory_space<semaphore_mem>>)
      %dma_wait3A_485 = arith.constant 0 : i32
      %dma_wait3A_486 = tpu.memref_slice %arg6[%add3A_316, %dma_wait3A_485] : memref<16384x1024xf32, #tpu.memory_space<hbm>> -> memref<32x1024xf32, #tpu.memory_space<hbm>>
      %dma_wait3A_487 = arith.constant 0 : i32
      %dma_wait3A_488 = tpu.memref_slice %arg6[%add3A_316, %dma_wait3A_487] : memref<16384x1024xf32, #tpu.memory_space<hbm>> -> memref<32x1024xf32, #tpu.memory_space<hbm>>
      tpu.wait_dma2 semaphore(%run_scoped3A : memref<!tpu.dma_semaphore, #tpu.memory_space<semaphore_mem>>) src(%arg10 : memref<32x1024xf32, #tpu.memory_space<vmem>>) dst(%dma_wait3A_488 : memref<32x1024xf32, #tpu.memory_space<hbm>>)
      tpu.yield
    }) : () -> ()
    %dma_wait3A_324 = arith.constant 10 : i32
    %dma_wait3A_325 = arith.constant 0 : i32
    %dma_wait3A_326 = tpu.memref_slice %arg9[%dma_wait3A_324, %dma_wait3A_325] : memref<16x32xi32, #tpu.memory_space<vmem>> -> memref<1x32xi32, #tpu.memory_space<vmem>>
    %dma_wait3A_327 = tpu.memref_squeeze %dma_wait3A_326 : memref<1x32xi32, #tpu.memory_space<vmem>> -> memref<32xi32, #tpu.memory_space<vmem>>
    %dma_wait3A_328 = arith.constant 0 : i32
    %dma_wait3A_329 = arith.constant 0 : i32
    %dma_wait3A_330 = tpu.memref_slice %arg5[%dma_wait3A_328, %dma_wait3A_329] : memref<4096x1024xf32, #tpu.memory_space<hbm>> -> memref<4096x1024xf32, #tpu.memory_space<hbm>>
    tpu.wait_indirect_dma semaphore(%arg13 : memref<!tpu.dma_semaphore, #tpu.memory_space<semaphore_mem>>) src(%dma_wait3A_330 : memref<4096x1024xf32, #tpu.memory_space<hbm>>) dst(%arg11 : memref<32x1024xf32, #tpu.memory_space<vmem>>)
    "tpu.region"() ({
      %run_scoped3A = tpu.sem_alloc : memref<!tpu.dma_semaphore, #tpu.memory_space<semaphore_mem>>
      %dma_start3A_481 = arith.constant 0 : i32
      %dma_start3A_482 = tpu.memref_slice %arg7[%add3A_316, %dma_start3A_481] : memref<16384x1024xf32, #tpu.memory_space<hbm>> -> memref<32x1024xf32, #tpu.memory_space<hbm>>
      %dma_start3A_483 = arith.constant 0 : i32
      %dma_start3A_484 = tpu.memref_slice %arg7[%add3A_316, %dma_start3A_483] : memref<16384x1024xf32, #tpu.memory_space<hbm>> -> memref<32x1024xf32, #tpu.memory_space<hbm>>
      tpu.enqueue_dma source(%arg11 : memref<32x1024xf32, #tpu.memory_space<vmem>>) target(%dma_start3A_484 : memref<32x1024xf32, #tpu.memory_space<hbm>>) target_semaphore(%run_scoped3A : memref<!tpu.dma_semaphore, #tpu.memory_space<semaphore_mem>>)
      %dma_wait3A_485 = arith.constant 0 : i32
      %dma_wait3A_486 = tpu.memref_slice %arg7[%add3A_316, %dma_wait3A_485] : memref<16384x1024xf32, #tpu.memory_space<hbm>> -> memref<32x1024xf32, #tpu.memory_space<hbm>>
      %dma_wait3A_487 = arith.constant 0 : i32
      %dma_wait3A_488 = tpu.memref_slice %arg7[%add3A_316, %dma_wait3A_487] : memref<16384x1024xf32, #tpu.memory_space<hbm>> -> memref<32x1024xf32, #tpu.memory_space<hbm>>
      tpu.wait_dma2 semaphore(%run_scoped3A : memref<!tpu.dma_semaphore, #tpu.memory_space<semaphore_mem>>) src(%arg11 : memref<32x1024xf32, #tpu.memory_space<vmem>>) dst(%dma_wait3A_488 : memref<32x1024xf32, #tpu.memory_space<hbm>>)
      tpu.yield
    }) : () -> ()
    %dma_start3A_331 = arith.constant 11 : i32
    %dma_start3A_332 = arith.constant 0 : i32
    %dma_start3A_333 = tpu.memref_slice %arg8[%dma_start3A_331, %dma_start3A_332] : memref<16x32xi32, #tpu.memory_space<vmem>> -> memref<1x32xi32, #tpu.memory_space<vmem>>
    %dma_start3A_334 = tpu.memref_squeeze %dma_start3A_333 : memref<1x32xi32, #tpu.memory_space<vmem>> -> memref<32xi32, #tpu.memory_space<vmem>>
    %dma_start3A_335 = arith.constant 0 : i32
    %dma_start3A_336 = arith.constant 0 : i32
    %dma_start3A_337 = tpu.memref_slice %arg4[%dma_start3A_335, %dma_start3A_336] : memref<100000x1024xf32, #tpu.memory_space<hbm>> -> memref<100000x1024xf32, #tpu.memory_space<hbm>>
    tpu.enqueue_indirect_dma source(%dma_start3A_337 : memref<100000x1024xf32, #tpu.memory_space<hbm>>) target(%arg10 : memref<32x1024xf32, #tpu.memory_space<vmem>>) offsets(%dma_start3A_334 : memref<32xi32, #tpu.memory_space<vmem>>) semaphore(%arg12 : memref<!tpu.dma_semaphore, #tpu.memory_space<semaphore_mem>>)
    %dma_start3A_338 = arith.constant 11 : i32
    %dma_start3A_339 = arith.constant 0 : i32
    %dma_start3A_340 = tpu.memref_slice %arg9[%dma_start3A_338, %dma_start3A_339] : memref<16x32xi32, #tpu.memory_space<vmem>> -> memref<1x32xi32, #tpu.memory_space<vmem>>
    %dma_start3A_341 = tpu.memref_squeeze %dma_start3A_340 : memref<1x32xi32, #tpu.memory_space<vmem>> -> memref<32xi32, #tpu.memory_space<vmem>>
    %dma_start3A_342 = arith.constant 0 : i32
    %dma_start3A_343 = arith.constant 0 : i32
    %dma_start3A_344 = tpu.memref_slice %arg5[%dma_start3A_342, %dma_start3A_343] : memref<4096x1024xf32, #tpu.memory_space<hbm>> -> memref<4096x1024xf32, #tpu.memory_space<hbm>>
    tpu.enqueue_indirect_dma source(%dma_start3A_344 : memref<4096x1024xf32, #tpu.memory_space<hbm>>) target(%arg11 : memref<32x1024xf32, #tpu.memory_space<vmem>>) offsets(%dma_start3A_341 : memref<32xi32, #tpu.memory_space<vmem>>) semaphore(%arg13 : memref<!tpu.dma_semaphore, #tpu.memory_space<semaphore_mem>>)
    %add3A_345 = arith.constant 352 : i32
    %add3A_346 = arith.addi %mul3A_2, %add3A_345 : i32
    %dma_wait3A_347 = arith.constant 11 : i32
    %dma_wait3A_348 = arith.constant 0 : i32
    %dma_wait3A_349 = tpu.memref_slice %arg8[%dma_wait3A_347, %dma_wait3A_348] : memref<16x32xi32, #tpu.memory_space<vmem>> -> memref<1x32xi32, #tpu.memory_space<vmem>>
    %dma_wait3A_350 = tpu.memref_squeeze %dma_wait3A_349 : memref<1x32xi32, #tpu.memory_space<vmem>> -> memref<32xi32, #tpu.memory_space<vmem>>
    %dma_wait3A_351 = arith.constant 0 : i32
    %dma_wait3A_352 = arith.constant 0 : i32
    %dma_wait3A_353 = tpu.memref_slice %arg4[%dma_wait3A_351, %dma_wait3A_352] : memref<100000x1024xf32, #tpu.memory_space<hbm>> -> memref<100000x1024xf32, #tpu.memory_space<hbm>>
    tpu.wait_indirect_dma semaphore(%arg12 : memref<!tpu.dma_semaphore, #tpu.memory_space<semaphore_mem>>) src(%dma_wait3A_353 : memref<100000x1024xf32, #tpu.memory_space<hbm>>) dst(%arg10 : memref<32x1024xf32, #tpu.memory_space<vmem>>)
    "tpu.region"() ({
      %run_scoped3A = tpu.sem_alloc : memref<!tpu.dma_semaphore, #tpu.memory_space<semaphore_mem>>
      %dma_start3A_481 = arith.constant 0 : i32
      %dma_start3A_482 = tpu.memref_slice %arg6[%add3A_346, %dma_start3A_481] : memref<16384x1024xf32, #tpu.memory_space<hbm>> -> memref<32x1024xf32, #tpu.memory_space<hbm>>
      %dma_start3A_483 = arith.constant 0 : i32
      %dma_start3A_484 = tpu.memref_slice %arg6[%add3A_346, %dma_start3A_483] : memref<16384x1024xf32, #tpu.memory_space<hbm>> -> memref<32x1024xf32, #tpu.memory_space<hbm>>
      tpu.enqueue_dma source(%arg10 : memref<32x1024xf32, #tpu.memory_space<vmem>>) target(%dma_start3A_484 : memref<32x1024xf32, #tpu.memory_space<hbm>>) target_semaphore(%run_scoped3A : memref<!tpu.dma_semaphore, #tpu.memory_space<semaphore_mem>>)
      %dma_wait3A_485 = arith.constant 0 : i32
      %dma_wait3A_486 = tpu.memref_slice %arg6[%add3A_346, %dma_wait3A_485] : memref<16384x1024xf32, #tpu.memory_space<hbm>> -> memref<32x1024xf32, #tpu.memory_space<hbm>>
      %dma_wait3A_487 = arith.constant 0 : i32
      %dma_wait3A_488 = tpu.memref_slice %arg6[%add3A_346, %dma_wait3A_487] : memref<16384x1024xf32, #tpu.memory_space<hbm>> -> memref<32x1024xf32, #tpu.memory_space<hbm>>
      tpu.wait_dma2 semaphore(%run_scoped3A : memref<!tpu.dma_semaphore, #tpu.memory_space<semaphore_mem>>) src(%arg10 : memref<32x1024xf32, #tpu.memory_space<vmem>>) dst(%dma_wait3A_488 : memref<32x1024xf32, #tpu.memory_space<hbm>>)
      tpu.yield
    }) : () -> ()
    %dma_wait3A_354 = arith.constant 11 : i32
    %dma_wait3A_355 = arith.constant 0 : i32
    %dma_wait3A_356 = tpu.memref_slice %arg9[%dma_wait3A_354, %dma_wait3A_355] : memref<16x32xi32, #tpu.memory_space<vmem>> -> memref<1x32xi32, #tpu.memory_space<vmem>>
    %dma_wait3A_357 = tpu.memref_squeeze %dma_wait3A_356 : memref<1x32xi32, #tpu.memory_space<vmem>> -> memref<32xi32, #tpu.memory_space<vmem>>
    %dma_wait3A_358 = arith.constant 0 : i32
    %dma_wait3A_359 = arith.constant 0 : i32
    %dma_wait3A_360 = tpu.memref_slice %arg5[%dma_wait3A_358, %dma_wait3A_359] : memref<4096x1024xf32, #tpu.memory_space<hbm>> -> memref<4096x1024xf32, #tpu.memory_space<hbm>>
    tpu.wait_indirect_dma semaphore(%arg13 : memref<!tpu.dma_semaphore, #tpu.memory_space<semaphore_mem>>) src(%dma_wait3A_360 : memref<4096x1024xf32, #tpu.memory_space<hbm>>) dst(%arg11 : memref<32x1024xf32, #tpu.memory_space<vmem>>)
    "tpu.region"() ({
      %run_scoped3A = tpu.sem_alloc : memref<!tpu.dma_semaphore, #tpu.memory_space<semaphore_mem>>
      %dma_start3A_481 = arith.constant 0 : i32
      %dma_start3A_482 = tpu.memref_slice %arg7[%add3A_346, %dma_start3A_481] : memref<16384x1024xf32, #tpu.memory_space<hbm>> -> memref<32x1024xf32, #tpu.memory_space<hbm>>
      %dma_start3A_483 = arith.constant 0 : i32
      %dma_start3A_484 = tpu.memref_slice %arg7[%add3A_346, %dma_start3A_483] : memref<16384x1024xf32, #tpu.memory_space<hbm>> -> memref<32x1024xf32, #tpu.memory_space<hbm>>
      tpu.enqueue_dma source(%arg11 : memref<32x1024xf32, #tpu.memory_space<vmem>>) target(%dma_start3A_484 : memref<32x1024xf32, #tpu.memory_space<hbm>>) target_semaphore(%run_scoped3A : memref<!tpu.dma_semaphore, #tpu.memory_space<semaphore_mem>>)
      %dma_wait3A_485 = arith.constant 0 : i32
      %dma_wait3A_486 = tpu.memref_slice %arg7[%add3A_346, %dma_wait3A_485] : memref<16384x1024xf32, #tpu.memory_space<hbm>> -> memref<32x1024xf32, #tpu.memory_space<hbm>>
      %dma_wait3A_487 = arith.constant 0 : i32
      %dma_wait3A_488 = tpu.memref_slice %arg7[%add3A_346, %dma_wait3A_487] : memref<16384x1024xf32, #tpu.memory_space<hbm>> -> memref<32x1024xf32, #tpu.memory_space<hbm>>
      tpu.wait_dma2 semaphore(%run_scoped3A : memref<!tpu.dma_semaphore, #tpu.memory_space<semaphore_mem>>) src(%arg11 : memref<32x1024xf32, #tpu.memory_space<vmem>>) dst(%dma_wait3A_488 : memref<32x1024xf32, #tpu.memory_space<hbm>>)
      tpu.yield
    }) : () -> ()
    %dma_start3A_361 = arith.constant 12 : i32
    %dma_start3A_362 = arith.constant 0 : i32
    %dma_start3A_363 = tpu.memref_slice %arg8[%dma_start3A_361, %dma_start3A_362] : memref<16x32xi32, #tpu.memory_space<vmem>> -> memref<1x32xi32, #tpu.memory_space<vmem>>
    %dma_start3A_364 = tpu.memref_squeeze %dma_start3A_363 : memref<1x32xi32, #tpu.memory_space<vmem>> -> memref<32xi32, #tpu.memory_space<vmem>>
    %dma_start3A_365 = arith.constant 0 : i32
    %dma_start3A_366 = arith.constant 0 : i32
    %dma_start3A_367 = tpu.memref_slice %arg4[%dma_start3A_365, %dma_start3A_366] : memref<100000x1024xf32, #tpu.memory_space<hbm>> -> memref<100000x1024xf32, #tpu.memory_space<hbm>>
    tpu.enqueue_indirect_dma source(%dma_start3A_367 : memref<100000x1024xf32, #tpu.memory_space<hbm>>) target(%arg10 : memref<32x1024xf32, #tpu.memory_space<vmem>>) offsets(%dma_start3A_364 : memref<32xi32, #tpu.memory_space<vmem>>) semaphore(%arg12 : memref<!tpu.dma_semaphore, #tpu.memory_space<semaphore_mem>>)
    %dma_start3A_368 = arith.constant 12 : i32
    %dma_start3A_369 = arith.constant 0 : i32
    %dma_start3A_370 = tpu.memref_slice %arg9[%dma_start3A_368, %dma_start3A_369] : memref<16x32xi32, #tpu.memory_space<vmem>> -> memref<1x32xi32, #tpu.memory_space<vmem>>
    %dma_start3A_371 = tpu.memref_squeeze %dma_start3A_370 : memref<1x32xi32, #tpu.memory_space<vmem>> -> memref<32xi32, #tpu.memory_space<vmem>>
    %dma_start3A_372 = arith.constant 0 : i32
    %dma_start3A_373 = arith.constant 0 : i32
    %dma_start3A_374 = tpu.memref_slice %arg5[%dma_start3A_372, %dma_start3A_373] : memref<4096x1024xf32, #tpu.memory_space<hbm>> -> memref<4096x1024xf32, #tpu.memory_space<hbm>>
    tpu.enqueue_indirect_dma source(%dma_start3A_374 : memref<4096x1024xf32, #tpu.memory_space<hbm>>) target(%arg11 : memref<32x1024xf32, #tpu.memory_space<vmem>>) offsets(%dma_start3A_371 : memref<32xi32, #tpu.memory_space<vmem>>) semaphore(%arg13 : memref<!tpu.dma_semaphore, #tpu.memory_space<semaphore_mem>>)
    %add3A_375 = arith.constant 384 : i32
    %add3A_376 = arith.addi %mul3A_2, %add3A_375 : i32
    %dma_wait3A_377 = arith.constant 12 : i32
    %dma_wait3A_378 = arith.constant 0 : i32
    %dma_wait3A_379 = tpu.memref_slice %arg8[%dma_wait3A_377, %dma_wait3A_378] : memref<16x32xi32, #tpu.memory_space<vmem>> -> memref<1x32xi32, #tpu.memory_space<vmem>>
    %dma_wait3A_380 = tpu.memref_squeeze %dma_wait3A_379 : memref<1x32xi32, #tpu.memory_space<vmem>> -> memref<32xi32, #tpu.memory_space<vmem>>
    %dma_wait3A_381 = arith.constant 0 : i32
    %dma_wait3A_382 = arith.constant 0 : i32
    %dma_wait3A_383 = tpu.memref_slice %arg4[%dma_wait3A_381, %dma_wait3A_382] : memref<100000x1024xf32, #tpu.memory_space<hbm>> -> memref<100000x1024xf32, #tpu.memory_space<hbm>>
    tpu.wait_indirect_dma semaphore(%arg12 : memref<!tpu.dma_semaphore, #tpu.memory_space<semaphore_mem>>) src(%dma_wait3A_383 : memref<100000x1024xf32, #tpu.memory_space<hbm>>) dst(%arg10 : memref<32x1024xf32, #tpu.memory_space<vmem>>)
    "tpu.region"() ({
      %run_scoped3A = tpu.sem_alloc : memref<!tpu.dma_semaphore, #tpu.memory_space<semaphore_mem>>
      %dma_start3A_481 = arith.constant 0 : i32
      %dma_start3A_482 = tpu.memref_slice %arg6[%add3A_376, %dma_start3A_481] : memref<16384x1024xf32, #tpu.memory_space<hbm>> -> memref<32x1024xf32, #tpu.memory_space<hbm>>
      %dma_start3A_483 = arith.constant 0 : i32
      %dma_start3A_484 = tpu.memref_slice %arg6[%add3A_376, %dma_start3A_483] : memref<16384x1024xf32, #tpu.memory_space<hbm>> -> memref<32x1024xf32, #tpu.memory_space<hbm>>
      tpu.enqueue_dma source(%arg10 : memref<32x1024xf32, #tpu.memory_space<vmem>>) target(%dma_start3A_484 : memref<32x1024xf32, #tpu.memory_space<hbm>>) target_semaphore(%run_scoped3A : memref<!tpu.dma_semaphore, #tpu.memory_space<semaphore_mem>>)
      %dma_wait3A_485 = arith.constant 0 : i32
      %dma_wait3A_486 = tpu.memref_slice %arg6[%add3A_376, %dma_wait3A_485] : memref<16384x1024xf32, #tpu.memory_space<hbm>> -> memref<32x1024xf32, #tpu.memory_space<hbm>>
      %dma_wait3A_487 = arith.constant 0 : i32
      %dma_wait3A_488 = tpu.memref_slice %arg6[%add3A_376, %dma_wait3A_487] : memref<16384x1024xf32, #tpu.memory_space<hbm>> -> memref<32x1024xf32, #tpu.memory_space<hbm>>
      tpu.wait_dma2 semaphore(%run_scoped3A : memref<!tpu.dma_semaphore, #tpu.memory_space<semaphore_mem>>) src(%arg10 : memref<32x1024xf32, #tpu.memory_space<vmem>>) dst(%dma_wait3A_488 : memref<32x1024xf32, #tpu.memory_space<hbm>>)
      tpu.yield
    }) : () -> ()
    %dma_wait3A_384 = arith.constant 12 : i32
    %dma_wait3A_385 = arith.constant 0 : i32
    %dma_wait3A_386 = tpu.memref_slice %arg9[%dma_wait3A_384, %dma_wait3A_385] : memref<16x32xi32, #tpu.memory_space<vmem>> -> memref<1x32xi32, #tpu.memory_space<vmem>>
    %dma_wait3A_387 = tpu.memref_squeeze %dma_wait3A_386 : memref<1x32xi32, #tpu.memory_space<vmem>> -> memref<32xi32, #tpu.memory_space<vmem>>
    %dma_wait3A_388 = arith.constant 0 : i32
    %dma_wait3A_389 = arith.constant 0 : i32
    %dma_wait3A_390 = tpu.memref_slice %arg5[%dma_wait3A_388, %dma_wait3A_389] : memref<4096x1024xf32, #tpu.memory_space<hbm>> -> memref<4096x1024xf32, #tpu.memory_space<hbm>>
    tpu.wait_indirect_dma semaphore(%arg13 : memref<!tpu.dma_semaphore, #tpu.memory_space<semaphore_mem>>) src(%dma_wait3A_390 : memref<4096x1024xf32, #tpu.memory_space<hbm>>) dst(%arg11 : memref<32x1024xf32, #tpu.memory_space<vmem>>)
    "tpu.region"() ({
      %run_scoped3A = tpu.sem_alloc : memref<!tpu.dma_semaphore, #tpu.memory_space<semaphore_mem>>
      %dma_start3A_481 = arith.constant 0 : i32
      %dma_start3A_482 = tpu.memref_slice %arg7[%add3A_376, %dma_start3A_481] : memref<16384x1024xf32, #tpu.memory_space<hbm>> -> memref<32x1024xf32, #tpu.memory_space<hbm>>
      %dma_start3A_483 = arith.constant 0 : i32
      %dma_start3A_484 = tpu.memref_slice %arg7[%add3A_376, %dma_start3A_483] : memref<16384x1024xf32, #tpu.memory_space<hbm>> -> memref<32x1024xf32, #tpu.memory_space<hbm>>
      tpu.enqueue_dma source(%arg11 : memref<32x1024xf32, #tpu.memory_space<vmem>>) target(%dma_start3A_484 : memref<32x1024xf32, #tpu.memory_space<hbm>>) target_semaphore(%run_scoped3A : memref<!tpu.dma_semaphore, #tpu.memory_space<semaphore_mem>>)
      %dma_wait3A_485 = arith.constant 0 : i32
      %dma_wait3A_486 = tpu.memref_slice %arg7[%add3A_376, %dma_wait3A_485] : memref<16384x1024xf32, #tpu.memory_space<hbm>> -> memref<32x1024xf32, #tpu.memory_space<hbm>>
      %dma_wait3A_487 = arith.constant 0 : i32
      %dma_wait3A_488 = tpu.memref_slice %arg7[%add3A_376, %dma_wait3A_487] : memref<16384x1024xf32, #tpu.memory_space<hbm>> -> memref<32x1024xf32, #tpu.memory_space<hbm>>
      tpu.wait_dma2 semaphore(%run_scoped3A : memref<!tpu.dma_semaphore, #tpu.memory_space<semaphore_mem>>) src(%arg11 : memref<32x1024xf32, #tpu.memory_space<vmem>>) dst(%dma_wait3A_488 : memref<32x1024xf32, #tpu.memory_space<hbm>>)
      tpu.yield
    }) : () -> ()
    %dma_start3A_391 = arith.constant 13 : i32
    %dma_start3A_392 = arith.constant 0 : i32
    %dma_start3A_393 = tpu.memref_slice %arg8[%dma_start3A_391, %dma_start3A_392] : memref<16x32xi32, #tpu.memory_space<vmem>> -> memref<1x32xi32, #tpu.memory_space<vmem>>
    %dma_start3A_394 = tpu.memref_squeeze %dma_start3A_393 : memref<1x32xi32, #tpu.memory_space<vmem>> -> memref<32xi32, #tpu.memory_space<vmem>>
    %dma_start3A_395 = arith.constant 0 : i32
    %dma_start3A_396 = arith.constant 0 : i32
    %dma_start3A_397 = tpu.memref_slice %arg4[%dma_start3A_395, %dma_start3A_396] : memref<100000x1024xf32, #tpu.memory_space<hbm>> -> memref<100000x1024xf32, #tpu.memory_space<hbm>>
    tpu.enqueue_indirect_dma source(%dma_start3A_397 : memref<100000x1024xf32, #tpu.memory_space<hbm>>) target(%arg10 : memref<32x1024xf32, #tpu.memory_space<vmem>>) offsets(%dma_start3A_394 : memref<32xi32, #tpu.memory_space<vmem>>) semaphore(%arg12 : memref<!tpu.dma_semaphore, #tpu.memory_space<semaphore_mem>>)
    %dma_start3A_398 = arith.constant 13 : i32
    %dma_start3A_399 = arith.constant 0 : i32
    %dma_start3A_400 = tpu.memref_slice %arg9[%dma_start3A_398, %dma_start3A_399] : memref<16x32xi32, #tpu.memory_space<vmem>> -> memref<1x32xi32, #tpu.memory_space<vmem>>
    %dma_start3A_401 = tpu.memref_squeeze %dma_start3A_400 : memref<1x32xi32, #tpu.memory_space<vmem>> -> memref<32xi32, #tpu.memory_space<vmem>>
    %dma_start3A_402 = arith.constant 0 : i32
    %dma_start3A_403 = arith.constant 0 : i32
    %dma_start3A_404 = tpu.memref_slice %arg5[%dma_start3A_402, %dma_start3A_403] : memref<4096x1024xf32, #tpu.memory_space<hbm>> -> memref<4096x1024xf32, #tpu.memory_space<hbm>>
    tpu.enqueue_indirect_dma source(%dma_start3A_404 : memref<4096x1024xf32, #tpu.memory_space<hbm>>) target(%arg11 : memref<32x1024xf32, #tpu.memory_space<vmem>>) offsets(%dma_start3A_401 : memref<32xi32, #tpu.memory_space<vmem>>) semaphore(%arg13 : memref<!tpu.dma_semaphore, #tpu.memory_space<semaphore_mem>>)
    %add3A_405 = arith.constant 416 : i32
    %add3A_406 = arith.addi %mul3A_2, %add3A_405 : i32
    %dma_wait3A_407 = arith.constant 13 : i32
    %dma_wait3A_408 = arith.constant 0 : i32
    %dma_wait3A_409 = tpu.memref_slice %arg8[%dma_wait3A_407, %dma_wait3A_408] : memref<16x32xi32, #tpu.memory_space<vmem>> -> memref<1x32xi32, #tpu.memory_space<vmem>>
    %dma_wait3A_410 = tpu.memref_squeeze %dma_wait3A_409 : memref<1x32xi32, #tpu.memory_space<vmem>> -> memref<32xi32, #tpu.memory_space<vmem>>
    %dma_wait3A_411 = arith.constant 0 : i32
    %dma_wait3A_412 = arith.constant 0 : i32
    %dma_wait3A_413 = tpu.memref_slice %arg4[%dma_wait3A_411, %dma_wait3A_412] : memref<100000x1024xf32, #tpu.memory_space<hbm>> -> memref<100000x1024xf32, #tpu.memory_space<hbm>>
    tpu.wait_indirect_dma semaphore(%arg12 : memref<!tpu.dma_semaphore, #tpu.memory_space<semaphore_mem>>) src(%dma_wait3A_413 : memref<100000x1024xf32, #tpu.memory_space<hbm>>) dst(%arg10 : memref<32x1024xf32, #tpu.memory_space<vmem>>)
    "tpu.region"() ({
      %run_scoped3A = tpu.sem_alloc : memref<!tpu.dma_semaphore, #tpu.memory_space<semaphore_mem>>
      %dma_start3A_481 = arith.constant 0 : i32
      %dma_start3A_482 = tpu.memref_slice %arg6[%add3A_406, %dma_start3A_481] : memref<16384x1024xf32, #tpu.memory_space<hbm>> -> memref<32x1024xf32, #tpu.memory_space<hbm>>
      %dma_start3A_483 = arith.constant 0 : i32
      %dma_start3A_484 = tpu.memref_slice %arg6[%add3A_406, %dma_start3A_483] : memref<16384x1024xf32, #tpu.memory_space<hbm>> -> memref<32x1024xf32, #tpu.memory_space<hbm>>
      tpu.enqueue_dma source(%arg10 : memref<32x1024xf32, #tpu.memory_space<vmem>>) target(%dma_start3A_484 : memref<32x1024xf32, #tpu.memory_space<hbm>>) target_semaphore(%run_scoped3A : memref<!tpu.dma_semaphore, #tpu.memory_space<semaphore_mem>>)
      %dma_wait3A_485 = arith.constant 0 : i32
      %dma_wait3A_486 = tpu.memref_slice %arg6[%add3A_406, %dma_wait3A_485] : memref<16384x1024xf32, #tpu.memory_space<hbm>> -> memref<32x1024xf32, #tpu.memory_space<hbm>>
      %dma_wait3A_487 = arith.constant 0 : i32
      %dma_wait3A_488 = tpu.memref_slice %arg6[%add3A_406, %dma_wait3A_487] : memref<16384x1024xf32, #tpu.memory_space<hbm>> -> memref<32x1024xf32, #tpu.memory_space<hbm>>
      tpu.wait_dma2 semaphore(%run_scoped3A : memref<!tpu.dma_semaphore, #tpu.memory_space<semaphore_mem>>) src(%arg10 : memref<32x1024xf32, #tpu.memory_space<vmem>>) dst(%dma_wait3A_488 : memref<32x1024xf32, #tpu.memory_space<hbm>>)
      tpu.yield
    }) : () -> ()
    %dma_wait3A_414 = arith.constant 13 : i32
    %dma_wait3A_415 = arith.constant 0 : i32
    %dma_wait3A_416 = tpu.memref_slice %arg9[%dma_wait3A_414, %dma_wait3A_415] : memref<16x32xi32, #tpu.memory_space<vmem>> -> memref<1x32xi32, #tpu.memory_space<vmem>>
    %dma_wait3A_417 = tpu.memref_squeeze %dma_wait3A_416 : memref<1x32xi32, #tpu.memory_space<vmem>> -> memref<32xi32, #tpu.memory_space<vmem>>
    %dma_wait3A_418 = arith.constant 0 : i32
    %dma_wait3A_419 = arith.constant 0 : i32
    %dma_wait3A_420 = tpu.memref_slice %arg5[%dma_wait3A_418, %dma_wait3A_419] : memref<4096x1024xf32, #tpu.memory_space<hbm>> -> memref<4096x1024xf32, #tpu.memory_space<hbm>>
    tpu.wait_indirect_dma semaphore(%arg13 : memref<!tpu.dma_semaphore, #tpu.memory_space<semaphore_mem>>) src(%dma_wait3A_420 : memref<4096x1024xf32, #tpu.memory_space<hbm>>) dst(%arg11 : memref<32x1024xf32, #tpu.memory_space<vmem>>)
    "tpu.region"() ({
      %run_scoped3A = tpu.sem_alloc : memref<!tpu.dma_semaphore, #tpu.memory_space<semaphore_mem>>
      %dma_start3A_481 = arith.constant 0 : i32
      %dma_start3A_482 = tpu.memref_slice %arg7[%add3A_406, %dma_start3A_481] : memref<16384x1024xf32, #tpu.memory_space<hbm>> -> memref<32x1024xf32, #tpu.memory_space<hbm>>
      %dma_start3A_483 = arith.constant 0 : i32
      %dma_start3A_484 = tpu.memref_slice %arg7[%add3A_406, %dma_start3A_483] : memref<16384x1024xf32, #tpu.memory_space<hbm>> -> memref<32x1024xf32, #tpu.memory_space<hbm>>
      tpu.enqueue_dma source(%arg11 : memref<32x1024xf32, #tpu.memory_space<vmem>>) target(%dma_start3A_484 : memref<32x1024xf32, #tpu.memory_space<hbm>>) target_semaphore(%run_scoped3A : memref<!tpu.dma_semaphore, #tpu.memory_space<semaphore_mem>>)
      %dma_wait3A_485 = arith.constant 0 : i32
      %dma_wait3A_486 = tpu.memref_slice %arg7[%add3A_406, %dma_wait3A_485] : memref<16384x1024xf32, #tpu.memory_space<hbm>> -> memref<32x1024xf32, #tpu.memory_space<hbm>>
      %dma_wait3A_487 = arith.constant 0 : i32
      %dma_wait3A_488 = tpu.memref_slice %arg7[%add3A_406, %dma_wait3A_487] : memref<16384x1024xf32, #tpu.memory_space<hbm>> -> memref<32x1024xf32, #tpu.memory_space<hbm>>
      tpu.wait_dma2 semaphore(%run_scoped3A : memref<!tpu.dma_semaphore, #tpu.memory_space<semaphore_mem>>) src(%arg11 : memref<32x1024xf32, #tpu.memory_space<vmem>>) dst(%dma_wait3A_488 : memref<32x1024xf32, #tpu.memory_space<hbm>>)
      tpu.yield
    }) : () -> ()
    %dma_start3A_421 = arith.constant 14 : i32
    %dma_start3A_422 = arith.constant 0 : i32
    %dma_start3A_423 = tpu.memref_slice %arg8[%dma_start3A_421, %dma_start3A_422] : memref<16x32xi32, #tpu.memory_space<vmem>> -> memref<1x32xi32, #tpu.memory_space<vmem>>
    %dma_start3A_424 = tpu.memref_squeeze %dma_start3A_423 : memref<1x32xi32, #tpu.memory_space<vmem>> -> memref<32xi32, #tpu.memory_space<vmem>>
    %dma_start3A_425 = arith.constant 0 : i32
    %dma_start3A_426 = arith.constant 0 : i32
    %dma_start3A_427 = tpu.memref_slice %arg4[%dma_start3A_425, %dma_start3A_426] : memref<100000x1024xf32, #tpu.memory_space<hbm>> -> memref<100000x1024xf32, #tpu.memory_space<hbm>>
    tpu.enqueue_indirect_dma source(%dma_start3A_427 : memref<100000x1024xf32, #tpu.memory_space<hbm>>) target(%arg10 : memref<32x1024xf32, #tpu.memory_space<vmem>>) offsets(%dma_start3A_424 : memref<32xi32, #tpu.memory_space<vmem>>) semaphore(%arg12 : memref<!tpu.dma_semaphore, #tpu.memory_space<semaphore_mem>>)
    %dma_start3A_428 = arith.constant 14 : i32
    %dma_start3A_429 = arith.constant 0 : i32
    %dma_start3A_430 = tpu.memref_slice %arg9[%dma_start3A_428, %dma_start3A_429] : memref<16x32xi32, #tpu.memory_space<vmem>> -> memref<1x32xi32, #tpu.memory_space<vmem>>
    %dma_start3A_431 = tpu.memref_squeeze %dma_start3A_430 : memref<1x32xi32, #tpu.memory_space<vmem>> -> memref<32xi32, #tpu.memory_space<vmem>>
    %dma_start3A_432 = arith.constant 0 : i32
    %dma_start3A_433 = arith.constant 0 : i32
    %dma_start3A_434 = tpu.memref_slice %arg5[%dma_start3A_432, %dma_start3A_433] : memref<4096x1024xf32, #tpu.memory_space<hbm>> -> memref<4096x1024xf32, #tpu.memory_space<hbm>>
    tpu.enqueue_indirect_dma source(%dma_start3A_434 : memref<4096x1024xf32, #tpu.memory_space<hbm>>) target(%arg11 : memref<32x1024xf32, #tpu.memory_space<vmem>>) offsets(%dma_start3A_431 : memref<32xi32, #tpu.memory_space<vmem>>) semaphore(%arg13 : memref<!tpu.dma_semaphore, #tpu.memory_space<semaphore_mem>>)
    %add3A_435 = arith.constant 448 : i32
    %add3A_436 = arith.addi %mul3A_2, %add3A_435 : i32
    %dma_wait3A_437 = arith.constant 14 : i32
    %dma_wait3A_438 = arith.constant 0 : i32
    %dma_wait3A_439 = tpu.memref_slice %arg8[%dma_wait3A_437, %dma_wait3A_438] : memref<16x32xi32, #tpu.memory_space<vmem>> -> memref<1x32xi32, #tpu.memory_space<vmem>>
    %dma_wait3A_440 = tpu.memref_squeeze %dma_wait3A_439 : memref<1x32xi32, #tpu.memory_space<vmem>> -> memref<32xi32, #tpu.memory_space<vmem>>
    %dma_wait3A_441 = arith.constant 0 : i32
    %dma_wait3A_442 = arith.constant 0 : i32
    %dma_wait3A_443 = tpu.memref_slice %arg4[%dma_wait3A_441, %dma_wait3A_442] : memref<100000x1024xf32, #tpu.memory_space<hbm>> -> memref<100000x1024xf32, #tpu.memory_space<hbm>>
    tpu.wait_indirect_dma semaphore(%arg12 : memref<!tpu.dma_semaphore, #tpu.memory_space<semaphore_mem>>) src(%dma_wait3A_443 : memref<100000x1024xf32, #tpu.memory_space<hbm>>) dst(%arg10 : memref<32x1024xf32, #tpu.memory_space<vmem>>)
    "tpu.region"() ({
      %run_scoped3A = tpu.sem_alloc : memref<!tpu.dma_semaphore, #tpu.memory_space<semaphore_mem>>
      %dma_start3A_481 = arith.constant 0 : i32
      %dma_start3A_482 = tpu.memref_slice %arg6[%add3A_436, %dma_start3A_481] : memref<16384x1024xf32, #tpu.memory_space<hbm>> -> memref<32x1024xf32, #tpu.memory_space<hbm>>
      %dma_start3A_483 = arith.constant 0 : i32
      %dma_start3A_484 = tpu.memref_slice %arg6[%add3A_436, %dma_start3A_483] : memref<16384x1024xf32, #tpu.memory_space<hbm>> -> memref<32x1024xf32, #tpu.memory_space<hbm>>
      tpu.enqueue_dma source(%arg10 : memref<32x1024xf32, #tpu.memory_space<vmem>>) target(%dma_start3A_484 : memref<32x1024xf32, #tpu.memory_space<hbm>>) target_semaphore(%run_scoped3A : memref<!tpu.dma_semaphore, #tpu.memory_space<semaphore_mem>>)
      %dma_wait3A_485 = arith.constant 0 : i32
      %dma_wait3A_486 = tpu.memref_slice %arg6[%add3A_436, %dma_wait3A_485] : memref<16384x1024xf32, #tpu.memory_space<hbm>> -> memref<32x1024xf32, #tpu.memory_space<hbm>>
      %dma_wait3A_487 = arith.constant 0 : i32
      %dma_wait3A_488 = tpu.memref_slice %arg6[%add3A_436, %dma_wait3A_487] : memref<16384x1024xf32, #tpu.memory_space<hbm>> -> memref<32x1024xf32, #tpu.memory_space<hbm>>
      tpu.wait_dma2 semaphore(%run_scoped3A : memref<!tpu.dma_semaphore, #tpu.memory_space<semaphore_mem>>) src(%arg10 : memref<32x1024xf32, #tpu.memory_space<vmem>>) dst(%dma_wait3A_488 : memref<32x1024xf32, #tpu.memory_space<hbm>>)
      tpu.yield
    }) : () -> ()
    %dma_wait3A_444 = arith.constant 14 : i32
    %dma_wait3A_445 = arith.constant 0 : i32
    %dma_wait3A_446 = tpu.memref_slice %arg9[%dma_wait3A_444, %dma_wait3A_445] : memref<16x32xi32, #tpu.memory_space<vmem>> -> memref<1x32xi32, #tpu.memory_space<vmem>>
    %dma_wait3A_447 = tpu.memref_squeeze %dma_wait3A_446 : memref<1x32xi32, #tpu.memory_space<vmem>> -> memref<32xi32, #tpu.memory_space<vmem>>
    %dma_wait3A_448 = arith.constant 0 : i32
    %dma_wait3A_449 = arith.constant 0 : i32
    %dma_wait3A_450 = tpu.memref_slice %arg5[%dma_wait3A_448, %dma_wait3A_449] : memref<4096x1024xf32, #tpu.memory_space<hbm>> -> memref<4096x1024xf32, #tpu.memory_space<hbm>>
    tpu.wait_indirect_dma semaphore(%arg13 : memref<!tpu.dma_semaphore, #tpu.memory_space<semaphore_mem>>) src(%dma_wait3A_450 : memref<4096x1024xf32, #tpu.memory_space<hbm>>) dst(%arg11 : memref<32x1024xf32, #tpu.memory_space<vmem>>)
    "tpu.region"() ({
      %run_scoped3A = tpu.sem_alloc : memref<!tpu.dma_semaphore, #tpu.memory_space<semaphore_mem>>
      %dma_start3A_481 = arith.constant 0 : i32
      %dma_start3A_482 = tpu.memref_slice %arg7[%add3A_436, %dma_start3A_481] : memref<16384x1024xf32, #tpu.memory_space<hbm>> -> memref<32x1024xf32, #tpu.memory_space<hbm>>
      %dma_start3A_483 = arith.constant 0 : i32
      %dma_start3A_484 = tpu.memref_slice %arg7[%add3A_436, %dma_start3A_483] : memref<16384x1024xf32, #tpu.memory_space<hbm>> -> memref<32x1024xf32, #tpu.memory_space<hbm>>
      tpu.enqueue_dma source(%arg11 : memref<32x1024xf32, #tpu.memory_space<vmem>>) target(%dma_start3A_484 : memref<32x1024xf32, #tpu.memory_space<hbm>>) target_semaphore(%run_scoped3A : memref<!tpu.dma_semaphore, #tpu.memory_space<semaphore_mem>>)
      %dma_wait3A_485 = arith.constant 0 : i32
      %dma_wait3A_486 = tpu.memref_slice %arg7[%add3A_436, %dma_wait3A_485] : memref<16384x1024xf32, #tpu.memory_space<hbm>> -> memref<32x1024xf32, #tpu.memory_space<hbm>>
      %dma_wait3A_487 = arith.constant 0 : i32
      %dma_wait3A_488 = tpu.memref_slice %arg7[%add3A_436, %dma_wait3A_487] : memref<16384x1024xf32, #tpu.memory_space<hbm>> -> memref<32x1024xf32, #tpu.memory_space<hbm>>
      tpu.wait_dma2 semaphore(%run_scoped3A : memref<!tpu.dma_semaphore, #tpu.memory_space<semaphore_mem>>) src(%arg11 : memref<32x1024xf32, #tpu.memory_space<vmem>>) dst(%dma_wait3A_488 : memref<32x1024xf32, #tpu.memory_space<hbm>>)
      tpu.yield
    }) : () -> ()
    %dma_start3A_451 = arith.constant 15 : i32
    %dma_start3A_452 = arith.constant 0 : i32
    %dma_start3A_453 = tpu.memref_slice %arg8[%dma_start3A_451, %dma_start3A_452] : memref<16x32xi32, #tpu.memory_space<vmem>> -> memref<1x32xi32, #tpu.memory_space<vmem>>
    %dma_start3A_454 = tpu.memref_squeeze %dma_start3A_453 : memref<1x32xi32, #tpu.memory_space<vmem>> -> memref<32xi32, #tpu.memory_space<vmem>>
    %dma_start3A_455 = arith.constant 0 : i32
    %dma_start3A_456 = arith.constant 0 : i32
    %dma_start3A_457 = tpu.memref_slice %arg4[%dma_start3A_455, %dma_start3A_456] : memref<100000x1024xf32, #tpu.memory_space<hbm>> -> memref<100000x1024xf32, #tpu.memory_space<hbm>>
    tpu.enqueue_indirect_dma source(%dma_start3A_457 : memref<100000x1024xf32, #tpu.memory_space<hbm>>) target(%arg10 : memref<32x1024xf32, #tpu.memory_space<vmem>>) offsets(%dma_start3A_454 : memref<32xi32, #tpu.memory_space<vmem>>) semaphore(%arg12 : memref<!tpu.dma_semaphore, #tpu.memory_space<semaphore_mem>>)
    %dma_start3A_458 = arith.constant 15 : i32
    %dma_start3A_459 = arith.constant 0 : i32
    %dma_start3A_460 = tpu.memref_slice %arg9[%dma_start3A_458, %dma_start3A_459] : memref<16x32xi32, #tpu.memory_space<vmem>> -> memref<1x32xi32, #tpu.memory_space<vmem>>
    %dma_start3A_461 = tpu.memref_squeeze %dma_start3A_460 : memref<1x32xi32, #tpu.memory_space<vmem>> -> memref<32xi32, #tpu.memory_space<vmem>>
    %dma_start3A_462 = arith.constant 0 : i32
    %dma_start3A_463 = arith.constant 0 : i32
    %dma_start3A_464 = tpu.memref_slice %arg5[%dma_start3A_462, %dma_start3A_463] : memref<4096x1024xf32, #tpu.memory_space<hbm>> -> memref<4096x1024xf32, #tpu.memory_space<hbm>>
    tpu.enqueue_indirect_dma source(%dma_start3A_464 : memref<4096x1024xf32, #tpu.memory_space<hbm>>) target(%arg11 : memref<32x1024xf32, #tpu.memory_space<vmem>>) offsets(%dma_start3A_461 : memref<32xi32, #tpu.memory_space<vmem>>) semaphore(%arg13 : memref<!tpu.dma_semaphore, #tpu.memory_space<semaphore_mem>>)
    %add3A_465 = arith.constant 480 : i32
    %add3A_466 = arith.addi %mul3A_2, %add3A_465 : i32
    %dma_wait3A_467 = arith.constant 15 : i32
    %dma_wait3A_468 = arith.constant 0 : i32
    %dma_wait3A_469 = tpu.memref_slice %arg8[%dma_wait3A_467, %dma_wait3A_468] : memref<16x32xi32, #tpu.memory_space<vmem>> -> memref<1x32xi32, #tpu.memory_space<vmem>>
    %dma_wait3A_470 = tpu.memref_squeeze %dma_wait3A_469 : memref<1x32xi32, #tpu.memory_space<vmem>> -> memref<32xi32, #tpu.memory_space<vmem>>
    %dma_wait3A_471 = arith.constant 0 : i32
    %dma_wait3A_472 = arith.constant 0 : i32
    %dma_wait3A_473 = tpu.memref_slice %arg4[%dma_wait3A_471, %dma_wait3A_472] : memref<100000x1024xf32, #tpu.memory_space<hbm>> -> memref<100000x1024xf32, #tpu.memory_space<hbm>>
    tpu.wait_indirect_dma semaphore(%arg12 : memref<!tpu.dma_semaphore, #tpu.memory_space<semaphore_mem>>) src(%dma_wait3A_473 : memref<100000x1024xf32, #tpu.memory_space<hbm>>) dst(%arg10 : memref<32x1024xf32, #tpu.memory_space<vmem>>)
    "tpu.region"() ({
      %run_scoped3A = tpu.sem_alloc : memref<!tpu.dma_semaphore, #tpu.memory_space<semaphore_mem>>
      %dma_start3A_481 = arith.constant 0 : i32
      %dma_start3A_482 = tpu.memref_slice %arg6[%add3A_466, %dma_start3A_481] : memref<16384x1024xf32, #tpu.memory_space<hbm>> -> memref<32x1024xf32, #tpu.memory_space<hbm>>
      %dma_start3A_483 = arith.constant 0 : i32
      %dma_start3A_484 = tpu.memref_slice %arg6[%add3A_466, %dma_start3A_483] : memref<16384x1024xf32, #tpu.memory_space<hbm>> -> memref<32x1024xf32, #tpu.memory_space<hbm>>
      tpu.enqueue_dma source(%arg10 : memref<32x1024xf32, #tpu.memory_space<vmem>>) target(%dma_start3A_484 : memref<32x1024xf32, #tpu.memory_space<hbm>>) target_semaphore(%run_scoped3A : memref<!tpu.dma_semaphore, #tpu.memory_space<semaphore_mem>>)
      %dma_wait3A_485 = arith.constant 0 : i32
      %dma_wait3A_486 = tpu.memref_slice %arg6[%add3A_466, %dma_wait3A_485] : memref<16384x1024xf32, #tpu.memory_space<hbm>> -> memref<32x1024xf32, #tpu.memory_space<hbm>>
      %dma_wait3A_487 = arith.constant 0 : i32
      %dma_wait3A_488 = tpu.memref_slice %arg6[%add3A_466, %dma_wait3A_487] : memref<16384x1024xf32, #tpu.memory_space<hbm>> -> memref<32x1024xf32, #tpu.memory_space<hbm>>
      tpu.wait_dma2 semaphore(%run_scoped3A : memref<!tpu.dma_semaphore, #tpu.memory_space<semaphore_mem>>) src(%arg10 : memref<32x1024xf32, #tpu.memory_space<vmem>>) dst(%dma_wait3A_488 : memref<32x1024xf32, #tpu.memory_space<hbm>>)
      tpu.yield
    }) : () -> ()
    %dma_wait3A_474 = arith.constant 15 : i32
    %dma_wait3A_475 = arith.constant 0 : i32
    %dma_wait3A_476 = tpu.memref_slice %arg9[%dma_wait3A_474, %dma_wait3A_475] : memref<16x32xi32, #tpu.memory_space<vmem>> -> memref<1x32xi32, #tpu.memory_space<vmem>>
    %dma_wait3A_477 = tpu.memref_squeeze %dma_wait3A_476 : memref<1x32xi32, #tpu.memory_space<vmem>> -> memref<32xi32, #tpu.memory_space<vmem>>
    %dma_wait3A_478 = arith.constant 0 : i32
    %dma_wait3A_479 = arith.constant 0 : i32
    %dma_wait3A_480 = tpu.memref_slice %arg5[%dma_wait3A_478, %dma_wait3A_479] : memref<4096x1024xf32, #tpu.memory_space<hbm>> -> memref<4096x1024xf32, #tpu.memory_space<hbm>>
    tpu.wait_indirect_dma semaphore(%arg13 : memref<!tpu.dma_semaphore, #tpu.memory_space<semaphore_mem>>) src(%dma_wait3A_480 : memref<4096x1024xf32, #tpu.memory_space<hbm>>) dst(%arg11 : memref<32x1024xf32, #tpu.memory_space<vmem>>)
    "tpu.region"() ({
      %run_scoped3A = tpu.sem_alloc : memref<!tpu.dma_semaphore, #tpu.memory_space<semaphore_mem>>
      %dma_start3A_481 = arith.constant 0 : i32
      %dma_start3A_482 = tpu.memref_slice %arg7[%add3A_466, %dma_start3A_481] : memref<16384x1024xf32, #tpu.memory_space<hbm>> -> memref<32x1024xf32, #tpu.memory_space<hbm>>
      %dma_start3A_483 = arith.constant 0 : i32
      %dma_start3A_484 = tpu.memref_slice %arg7[%add3A_466, %dma_start3A_483] : memref<16384x1024xf32, #tpu.memory_space<hbm>> -> memref<32x1024xf32, #tpu.memory_space<hbm>>
      tpu.enqueue_dma source(%arg11 : memref<32x1024xf32, #tpu.memory_space<vmem>>) target(%dma_start3A_484 : memref<32x1024xf32, #tpu.memory_space<hbm>>) target_semaphore(%run_scoped3A : memref<!tpu.dma_semaphore, #tpu.memory_space<semaphore_mem>>)
      %dma_wait3A_485 = arith.constant 0 : i32
      %dma_wait3A_486 = tpu.memref_slice %arg7[%add3A_466, %dma_wait3A_485] : memref<16384x1024xf32, #tpu.memory_space<hbm>> -> memref<32x1024xf32, #tpu.memory_space<hbm>>
      %dma_wait3A_487 = arith.constant 0 : i32
      %dma_wait3A_488 = tpu.memref_slice %arg7[%add3A_466, %dma_wait3A_487] : memref<16384x1024xf32, #tpu.memory_space<hbm>> -> memref<32x1024xf32, #tpu.memory_space<hbm>>
      tpu.wait_dma2 semaphore(%run_scoped3A : memref<!tpu.dma_semaphore, #tpu.memory_space<semaphore_mem>>) src(%arg11 : memref<32x1024xf32, #tpu.memory_space<vmem>>) dst(%dma_wait3A_488 : memref<32x1024xf32, #tpu.memory_space<hbm>>)
      tpu.yield
    }) : () -> ()
    return
  }
}

module attributes {stable_mosaic.version = 14 : i64} {
  func.func @_tc_body(%arg0: i32, %arg1: memref<256x1024xf32, #tpu.memory_space<vmem>>, %arg2: memref<256x1024xf32, #tpu.memory_space<vmem>>, %arg3: memref<256x1xi32, #tpu.memory_space<vmem>>, %arg4: memref<2x1024xf32, #tpu.memory_space<vmem>>, %arg5: memref<1024x4096xbf16, #tpu.memory_space<vmem>>, %arg6: memref<1x4096xf32, #tpu.memory_space<vmem>>, %arg7: memref<1x4096xf32, #tpu.memory_space<vmem>>, %arg8: memref<1x4096xf32, #tpu.memory_space<vmem>>, %arg9: memref<256x4096xf32, #tpu.memory_space<vmem>>) attributes {dimension_semantics = [#tpu.dimension_semantics<arbitrary>], iteration_bounds = array<i64: 64>, scalar_prefetch = 0 : i64, scratch_operands = 0 : i64, tpu.core_type = #tpu.core_type<tc>, window_params = [{transform_indices = @transform_0, window_bounds = array<i64: 256, 1024>}, {transform_indices = @transform_1, window_bounds = array<i64: 256, 1024>}, {transform_indices = @transform_2, window_bounds = array<i64: 256, 1>}, {pipeline_mode = #tpu.pipeline_mode<synchronous>, transform_indices = @transform_3, window_bounds = array<i64: 2, 1024>}, {pipeline_mode = #tpu.pipeline_mode<synchronous>, transform_indices = @transform_4, window_bounds = array<i64: 1024, 4096>}, {pipeline_mode = #tpu.pipeline_mode<synchronous>, transform_indices = @transform_5, window_bounds = array<i64: 1, 4096>}, {pipeline_mode = #tpu.pipeline_mode<synchronous>, transform_indices = @transform_6, window_bounds = array<i64: 1, 4096>}, {pipeline_mode = #tpu.pipeline_mode<synchronous>, transform_indices = @transform_7, window_bounds = array<i64: 1, 4096>}, {transform_indices = @transform_8, window_bounds = array<i64: 256, 4096>}]} {
    %get3A = arith.constant 0 : index
    %get3A_0 = arith.constant 0 : index
    %get3A_1 = vector.load %arg1[%get3A, %get3A_0] : memref<256x1024xf32, #tpu.memory_space<vmem>>, vector<256x1024xf32>
    %get3A_2 = arith.constant 0 : index
    %get3A_3 = arith.constant 0 : index
    %get3A_4 = vector.load %arg2[%get3A_2, %get3A_3] : memref<256x1024xf32, #tpu.memory_space<vmem>>, vector<256x1024xf32>
    %add3A = arith.addf %get3A_1, %get3A_4 : vector<256x1024xf32>
    %get3A_5 = arith.constant 0 : index
    %get3A_6 = arith.constant 0 : index
    %get3A_7 = vector.load %arg4[%get3A_5, %get3A_6] : memref<2x1024xf32, #tpu.memory_space<vmem>>, vector<2x1024xf32>
    %get3A_8 = arith.constant 0 : index
    %get3A_9 = arith.constant 0 : index
    %get3A_10 = vector.load %arg3[%get3A_8, %get3A_9] : memref<256x1xi32, #tpu.memory_space<vmem>>, vector<256x1xi32>
    %convert_element_type3A = arith.sitofp %get3A_10 : vector<256x1xi32> to vector<256x1xf32>
    %slice3A = vector.extract_strided_slice %get3A_7 {offsets = [0, 0], sizes = [1, 1024], strides = [1, 1]} : vector<2x1024xf32> to vector<1x1024xf32>
    %add3A_11 = vector.broadcast %slice3A : vector<1x1024xf32> to vector<256x1024xf32>
    %add3A_12 = arith.addf %add3A, %add3A_11 : vector<256x1024xf32>
    %slice3A_13 = vector.extract_strided_slice %get3A_7 {offsets = [1, 0], sizes = [1, 1024], strides = [1, 1]} : vector<2x1024xf32> to vector<1x1024xf32>
    %slice3A_14 = vector.extract_strided_slice %get3A_7 {offsets = [0, 0], sizes = [1, 1024], strides = [1, 1]} : vector<2x1024xf32> to vector<1x1024xf32>
    %sub3A = arith.subf %slice3A_13, %slice3A_14 : vector<1x1024xf32>
    %mul3A = vector.broadcast %convert_element_type3A : vector<256x1xf32> to vector<256x1024xf32>
    %mul3A_15 = vector.broadcast %sub3A : vector<1x1024xf32> to vector<256x1024xf32>
    %mul3A_16 = arith.mulf %mul3A, %mul3A_15 : vector<256x1024xf32>
    %add3A_17 = arith.addf %add3A_12, %mul3A_16 : vector<256x1024xf32>
    %convert_element_type3A_18 = arith.truncf %add3A_17 : vector<256x1024xf32> to vector<256x1024xbf16>
    %get3A_19 = arith.constant 0 : index
    %get3A_20 = arith.constant 0 : index
    %get3A_21 = vector.load %arg5[%get3A_19, %get3A_20] : memref<1024x4096xbf16, #tpu.memory_space<vmem>>, vector<1024x4096xbf16>
    %dot_general3A = arith.constant dense<0.000000e+00> : vector<256x4096xf32>
    %dot_general3A_22 = tpu.matmul %convert_element_type3A_18, %get3A_21, %dot_general3A {dimension_numbers = #tpu.dot_dimension_numbers<[1], [0], [0], [1], [0, 0, 1, 1], [], []>, transpose_lhs_hint = false} : vector<256x1024xbf16>, vector<1024x4096xbf16>, vector<256x4096xf32> -> vector<256x4096xf32>
    %get3A_23 = arith.constant 0 : index
    %get3A_24 = arith.constant 0 : index
    %get3A_25 = vector.load %arg6[%get3A_23, %get3A_24] : memref<1x4096xf32, #tpu.memory_space<vmem>>, vector<1x4096xf32>
    %add3A_26 = vector.broadcast %get3A_25 : vector<1x4096xf32> to vector<256x4096xf32>
    %add3A_27 = arith.addf %dot_general3A_22, %add3A_26 : vector<256x4096xf32>
    %reduce_sum3A = arith.constant dense<0.000000e+00> : vector<256xf32>
    %reduce_sum3A_28 = vector.multi_reduction <add>, %add3A_27, %reduce_sum3A [1] : vector<256x4096xf32> to vector<256xf32>
    %broadcast_in_dim3A = vector.shape_cast %reduce_sum3A_28 : vector<256xf32> to vector<256x1xf32>
    %div3A = arith.constant 4.096000e+03 : f32
    %div3A_29 = vector.broadcast %div3A : f32 to vector<256x1xf32>
    %div3A_30 = arith.divf %broadcast_in_dim3A, %div3A_29 : vector<256x1xf32>
    %mul3A_31 = arith.mulf %add3A_27, %add3A_27 : vector<256x4096xf32>
    %reduce_sum3A_32 = arith.constant dense<0.000000e+00> : vector<256xf32>
    %reduce_sum3A_33 = vector.multi_reduction <add>, %mul3A_31, %reduce_sum3A_32 [1] : vector<256x4096xf32> to vector<256xf32>
    %broadcast_in_dim3A_34 = vector.shape_cast %reduce_sum3A_33 : vector<256xf32> to vector<256x1xf32>
    %div3A_35 = arith.constant 4.096000e+03 : f32
    %div3A_36 = vector.broadcast %div3A_35 : f32 to vector<256x1xf32>
    %div3A_37 = arith.divf %broadcast_in_dim3A_34, %div3A_36 : vector<256x1xf32>
    %mul3A_38 = arith.mulf %div3A_30, %div3A_30 : vector<256x1xf32>
    %sub3A_39 = arith.subf %div3A_37, %mul3A_38 : vector<256x1xf32>
    %add3A_40 = arith.constant 9.99999974E-6 : f32
    %add3A_41 = vector.broadcast %add3A_40 : f32 to vector<256x1xf32>
    %add3A_42 = arith.addf %sub3A_39, %add3A_41 : vector<256x1xf32>
    %rsqrt3A = math.rsqrt %add3A_42 : vector<256x1xf32>
    %get3A_43 = arith.constant 0 : index
    %get3A_44 = arith.constant 0 : index
    %get3A_45 = vector.load %arg7[%get3A_43, %get3A_44] : memref<1x4096xf32, #tpu.memory_space<vmem>>, vector<1x4096xf32>
    %mul3A_46 = vector.broadcast %rsqrt3A : vector<256x1xf32> to vector<256x4096xf32>
    %mul3A_47 = vector.broadcast %get3A_45 : vector<1x4096xf32> to vector<256x4096xf32>
    %mul3A_48 = arith.mulf %mul3A_46, %mul3A_47 : vector<256x4096xf32>
    %mul3A_49 = arith.mulf %add3A_27, %mul3A_48 : vector<256x4096xf32>
    %get3A_50 = arith.constant 0 : index
    %get3A_51 = arith.constant 0 : index
    %get3A_52 = vector.load %arg8[%get3A_50, %get3A_51] : memref<1x4096xf32, #tpu.memory_space<vmem>>, vector<1x4096xf32>
    %mul3A_53 = vector.broadcast %div3A_30 : vector<256x1xf32> to vector<256x4096xf32>
    %mul3A_54 = arith.mulf %mul3A_53, %mul3A_48 : vector<256x4096xf32>
    %sub3A_55 = vector.broadcast %get3A_52 : vector<1x4096xf32> to vector<256x4096xf32>
    %sub3A_56 = arith.subf %sub3A_55, %mul3A_54 : vector<256x4096xf32>
    %add3A_57 = arith.addf %mul3A_49, %sub3A_56 : vector<256x4096xf32>
    %swap3A = arith.constant 0 : index
    %swap3A_58 = arith.constant 0 : index
    %swap3A_59 = vector.load %arg9[%swap3A, %swap3A_58] : memref<256x4096xf32, #tpu.memory_space<vmem>>, vector<256x4096xf32>
    tpu.vector_store %arg9[%swap3A, %swap3A_58], %add3A_57 {strides = array<i32>} : memref<256x4096xf32, #tpu.memory_space<vmem>>, vector<256x4096xf32>,
    return
  }
  func.func @transform_0(%arg0: i32) -> (i32, i32) {
    %c0_i32 = arith.constant 0 : i32
    %c0_i32_0 = arith.constant 0 : i32
    return %arg0, %c0_i32 : i32, i32
  }
  func.func @transform_1(%arg0: i32) -> (i32, i32) {
    %c0_i32 = arith.constant 0 : i32
    %c0_i32_0 = arith.constant 0 : i32
    return %arg0, %c0_i32 : i32, i32
  }
  func.func @transform_2(%arg0: i32) -> (i32, i32) {
    %c0_i32 = arith.constant 0 : i32
    %c0_i32_0 = arith.constant 0 : i32
    return %arg0, %c0_i32 : i32, i32
  }
  func.func @transform_3(%arg0: i32) -> (i32, i32) {
    %c0_i32 = arith.constant 0 : i32
    %c0_i32_0 = arith.constant 0 : i32
    %c0_i32_1 = arith.constant 0 : i32
    return %c0_i32, %c0_i32_0 : i32, i32
  }
  func.func @transform_4(%arg0: i32) -> (i32, i32) {
    %c0_i32 = arith.constant 0 : i32
    %c0_i32_0 = arith.constant 0 : i32
    %c0_i32_1 = arith.constant 0 : i32
    return %c0_i32, %c0_i32_0 : i32, i32
  }
  func.func @transform_5(%arg0: i32) -> (i32, i32) {
    %c0_i32 = arith.constant 0 : i32
    %c0_i32_0 = arith.constant 0 : i32
    %c0_i32_1 = arith.constant 0 : i32
    return %c0_i32, %c0_i32_0 : i32, i32
  }
  func.func @transform_6(%arg0: i32) -> (i32, i32) {
    %c0_i32 = arith.constant 0 : i32
    %c0_i32_0 = arith.constant 0 : i32
    %c0_i32_1 = arith.constant 0 : i32
    return %c0_i32, %c0_i32_0 : i32, i32
  }
  func.func @transform_7(%arg0: i32) -> (i32, i32) {
    %c0_i32 = arith.constant 0 : i32
    %c0_i32_0 = arith.constant 0 : i32
    %c0_i32_1 = arith.constant 0 : i32
    return %c0_i32, %c0_i32_0 : i32, i32
  }
  func.func @transform_8(%arg0: i32) -> (i32, i32) {
    %c0_i32 = arith.constant 0 : i32
    %c0_i32_0 = arith.constant 0 : i32
    return %arg0, %c0_i32 : i32, i32
  }
}

</mosaic_0001>

<sc_bundles>
// kernel: kernel.4.cloned.1.call-start
scs
__scs_entry_jumppad:
0x0: {  	(pc) =	sbr.rel $0x88, $3  }
0x1: {  	(tag) =	ssettag $0x0;
	lr =	simm.s32 $0x1  }
0x2: {  	[smem:$0x3F97] =	sst lr;
	_ =	strace $0xD0000000  }
0x3: {  	_ = 	snop  }
0x4: {  	_ = 	snop  }
0x5: {  	_ = 	snop  }
0x6: {  	_ = 	snop  }
0x7: {  	_ = 	snop  }
__scs_overlays_trampoline_lowered:
0x8: {  	[smem:$0x3FA6] =	sst s0  }
0x9: {  	[smem:$0x3FA7] =	sst s1  }
0xa: {  	[smem:$0x3FA8] =	sst s2  }
0xb: {  	[smem:$0x3FA9] =	sst s3  }
0xc: {  	[smem:$0x3FAA] =	sst s4  }
0xd: {  	[smem:$0x3FAB] =	sst s5  }
0xe: {  	[smem:$0x3FAC] =	sst s6  }
0xf: {  	[smem:$0x3FAD] =	sst s7  }
0x10: {  	[smem:$0x3FAE] =	sst s8  }
0x11: {  	[smem:$0x3FAF] =	sst s9;
	s0 =	simm.s32 @!p0 $0x0  }
0x12: {  	s1 =	sld [smem:$0x3F95];
	s0 =	simm.s32 @p0 $0x1  }
0x13: {  	[smem:$0x3FB0] =	sst s0;
	s0 =	simm.s32 @!p1 $0x0  }
0x14: {  	s2 =	sld [smem:$0x3F94];
	s0 =	simm.s32 @p1 $0x1  }
0x15: {  	[smem:$0x3FB1] =	sst s0;
	s0 =	simm.s32 @!p2 $0x0  }
0x16: {  	s3 =	sld [smem:$0x3FDB];
	s0 =	simm.s32 @p2 $0x1  }
0x17: {  	s4 =	simm.s32 $0x1BF5;
	[smem:$0x3FB3] =	sst s0  }
0x18: {  	s0 =	sld [smem:$0x3F96];
	_ =	swait.ge [sflag:s4], $0x0  }
0x19: {  	s7 =	sld [smem:$0x3F97]  }
0x1a: {  	s8 =	sadd.s32 $0xFFFFE003, lr  }
0x1b: {  	s9 =	sadd.s32 $0xFFFFFEF7, lr;
	s5 =	simm.s32 $0xFFFFFFFF;
	p2 =	slt.u32 s8, $0xFFFFF086  }
0x1c: {  	p1 =	slt.u32 s9, $0xF7A;
	s5 =	simm.s32 @!p2 $0x0  }
0x1d: {  	s5 =	simm.s32 @p1 $0x1;
	p0 =	seq.s32 s7, s2  }
0x1e: {  	s7 =	smul.u32 @!p0 $0xF7A, s2;
	p2 =	seq.s32 @!p0 s5, $0x0  }
0x1f: {  	s9 =	smul.u32 $0xF7A, s1;
	s8 =	simm.s32 @!p0 $0x1BF5;
	p2 =	por !p2, p0  }
0x20: {  	[sflag:s8] =	ssyncset.s32 @!p0 $0xFFFFF086;
	s6 =	sadd.s32 @!p0 s3, s7;
	s7 =	simm.s32 @!p0 $0x108  }
0x21: {  	s3 =	sadd.s32 s3, s9;
	s6 =	sadd.s32 @!p0 $0x88, s6;
	s7 =	simm.s32 @p2 $0x1082  }
0x22: {  	[simem:s7], [sflag:s8] =	dma.local @!p0 [hbm:s6], $0xF7A  }
0x23: {  	s9 =	sor.u32 $0xD0000000, s2;
	s6 =	simm.s32 $0x108;
	_ =	swait.ge @!p0 [sflag:s8], $0x0  }
0x24: {  	s3 =	sadd.s32 $0x88, s3;
	s6 =	simm.s32 @!p1 $0x1082;
	[sflag:s4] =	ssyncset.s32 $0xFFFFF086  }
0x25: {  	[simem:s6], [sflag:s4] =	dma.local [hbm:s3], $0xF7A  }
0x26: {  	[smem:$0x3F97] =	sst s1;
	(tag) =	ssettag s2;
	_ =	strace s9  }
0x27: {  	s1 =	sld [smem:$0x3FA7]  }
0x28: {  	s2 =	sld [smem:$0x3FA8]  }
0x29: {  	s4 =	sld [smem:$0x3FAA]  }
0x2a: {  	p0 =	seq.s32 s5, $0x0;
	s5 =	sld [smem:$0x3FAB]  }
0x2b: {  	s6 =	sld [smem:$0x3FAC]  }
0x2c: {  	s7 =	sld [smem:$0x3FAD]  }
0x2d: {  	s3 =	simm.s32 $0x108;
	s8 =	sld [smem:$0x3FAE]  }
0x2e: {  	s3 =	simm.s32 @!p0 $0x1082;
	s9 =	sld [smem:$0x3FAF]  }
0x2f: {  	lr =	sadd.s32 s0, s3;
	s0 =	sld [smem:$0x3FA6]  }
0x30: {  	s3 =	sld [smem:$0x3FA9]  }
0x31: {  	[smem:$0x3FB2] =	sst s10  }
0x32: {  	s10 =	sld [smem:$0x3FB0];
	_ =	sdelay $0x3  }
0x33: {  	p0 =	seq.s32 s10, $0x1;
	s10 =	sld [smem:$0x3FB2];
	_ =	sdelay $0x3  }
0x34: {  	[smem:$0x3FB2] =	sst s10  }
0x35: {  	s10 =	sld [smem:$0x3FB1];
	_ =	sdelay $0x3  }
0x36: {  	p1 =	seq.s32 s10, $0x1;
	s10 =	sld [smem:$0x3FB2];
	_ =	sdelay $0x3  }
0x37: {  	[smem:$0x3FB2] =	sst s10  }
0x38: {  	s10 =	sld [smem:$0x3FB3]  }
0x39: {  	_ = 	snop;
	(pc) =	sbr.ind lr, $3  }
0x3a: {  	_ = 	snop  }
0x3b: {  	_ = 	snop  }
0x3c: {  	p2 =	seq.s32 s10, $0x1;
	s10 =	sld [smem:$0x3FB2]  }
0x3d: {  	_ =	shalt  }
0x3e: {  	_ =	shalt  }
0x3f: {  	_ =	shalt  }
0x40: {  	_ =	shalt  }
0x41: {  	_ =	shalt  }
0x42: {  	_ =	shalt  }
0x43: {  	_ =	shalt  }
0x44: {  	_ =	shalt  }
0x45: {  	_ =	shalt  }
0x46: {  	_ =	shalt  }
0x47: {  	_ =	shalt  }
0x48: {  	_ =	shalt  }
0x49: {  	_ =	shalt  }
0x4a: {  	_ =	shalt  }
0x4b: {  	_ =	shalt  }
0x4c: {  	_ =	shalt  }
0x4d: {  	_ =	shalt  }
0x4e: {  	_ =	shalt  }
0x4f: {  	_ =	shalt  }
0x50: {  	_ =	shalt  }
0x51: {  	_ =	shalt  }
0x52: {  	_ =	shalt  }
0x53: {  	_ =	shalt  }
0x54: {  	_ =	shalt  }
0x55: {  	_ =	shalt  }
0x56: {  	_ =	shalt  }
0x57: {  	_ =	shalt  }
0x58: {  	_ =	shalt  }
0x59: {  	_ =	shalt  }
0x5a: {  	_ =	shalt  }
0x5b: {  	_ =	shalt  }
0x5c: {  	_ =	shalt  }
0x5d: {  	_ =	shalt  }
0x5e: {  	_ =	shalt  }
0x5f: {  	_ =	shalt  }
0x60: {  	_ =	shalt  }
0x61: {  	_ =	shalt  }
0x62: {  	_ =	shalt  }
0x63: {  	_ =	shalt  }
0x64: {  	_ =	shalt  }
0x65: {  	_ =	shalt  }
0x66: {  	_ =	shalt  }
0x67: {  	_ =	shalt  }
0x68: {  	_ =	shalt  }
0x69: {  	_ =	shalt  }
0x6a: {  	_ =	shalt  }
0x6b: {  	_ =	shalt  }
0x6c: {  	_ =	shalt  }
0x6d: {  	_ =	shalt  }
0x6e: {  	_ =	shalt  }
0x6f: {  	_ =	shalt  }
0x70: {  	_ =	shalt  }
0x71: {  	_ =	shalt  }
0x72: {  	_ =	shalt  }
0x73: {  	_ =	shalt  }
0x74: {  	_ =	shalt  }
0x75: {  	_ =	shalt  }
0x76: {  	_ =	shalt  }
0x77: {  	_ =	shalt  }
0x78: {  	_ =	shalt  }
0x79: {  	_ =	shalt  }
0x7a: {  	_ =	shalt  }
0x7b: {  	_ =	shalt  }
0x7c: {  	_ =	shalt  }
0x7d: {  	_ =	shalt  }
0x7e: {  	_ =	shalt  }
0x7f: {  	_ =	shalt  }
0x80: {  	_ =	shalt  }
0x81: {  	_ =	shalt  }
0x82: {  	_ =	shalt  }
0x83: {  	_ =	shalt  }
0x84: {  	_ =	shalt  }
0x85: {  	_ =	shalt  }
0x86: {  	_ =	shalt  }
0x87: {  	_ =	shalt  }
.Lfunc_end0:
.L_simem_size_0:
called_computation_lowered:
.L_overlay_start_0:
0x88: {  	s2 =	sld [smem:$0x3FD9]  }
0x89: {  	s3 =	sld [smem:$0x3FFE];
	_ =	sdelay $0x1  }
0x8a: {  	s1 =	srdreg.scid  }
0x8b: {  	s0 =	sand.u32 $0x1, s1  }
0x8c: {  	s17 =	sshll.u32 s0, $0xA;
	s2 =	sadd.s32 s3, s2  }
0x8d: {  	s2 =	sadd.s32 s2, s17  }
0x8e: {  	[smem:$0x3FBE] =	sst s2  }
0x8f: {  	_ = 	snop  }
0x90: {  	s2 =	sld [smem:$0x3FC6]  }
0x91: {  	s18 =	sld [smem:$0x3FC5]  }
0x92: {  	s4 =	sld [smem:$0x3FD0];
	(tm) =	ssettm $0x1  }
0x93: {  	s5 =	sld [smem:$0x3FFB];
	_ =	sdelay $0x3  }
0x94: {  	_ =	strace s5  }
0x95: {  	s5 =	sld [smem:$0x3FFC];
	_ =	sdelay $0x3  }
0x96: {  	_ =	strace s5  }
0x97: {  	s5 =	sld [smem:$0x3FFD];
	_ =	sdelay $0x3  }
0x98: {  	_ =	strace s5  }
0x99: {  	_ =	strace $0x8FFFFFFF  }
0x9a: {  	s19 =	sld [smem:$0x3FDB];
	_ =	sdelay $0x1  }
0x9b: {  	s6 =	simm.s32 $_scs_section_size  }
0x9c: {  	s7 =	simm.s32 $_size__tile_overlayer_lowered;
	s8 =	simm.s32 $_tile_overlayer_lowered  }
0x9d: {  	s22 =	simm.s32 $0x1BFF;
	s21 =	sshll.u32 s8, $0x1;
	s5 =	sadd.s32 s6, s19  }
0x9e: {  	s9 =	simm.s32 $0x0;
	s20 =	sshll.u32 s7, $0x1;
	s7 =	sadd.s32 s21, s5  }
0x9f: {  	[timem:s9], [sflag:s22] =	dma.local [hbm:s7], s20  }
0xa0: {  	_ =	swait.ge [sflag:s22], s20  }
0xa1: {  	s6 =	ssub.s32 $0x0, s20;
	[sflag:s22] =	ssyncset.done $0x0  }
0xa2: {  	[sflag:s22] =	ssyncadd.s32 s6;
	_ =	sdelay $0x1  }
0xa3: {  	s23 =	simm.s32 $0x1B8B  }
0xa4: {  	_ =	swait.ge [sflag:s23], $0x1  }
0xa5: {  	[sflag:s23] =	ssyncset.done $0x0  }
0xa6: {  	s25 =	simm.s32 $0x1B8E;
	s24 =	sld [smem:$0x3FFE];
	[sflag:s23] =	ssyncadd.s32 $0xFFFFFFFF  }
0xa7: {  	s26 =	simm.s32 $execute0_lowered;
	[smem:$0x3FD2] =	sst s25  }
0xa8: {  	s7 =	sshll.u32 s26, $0x1;
	_ =	strace $0x80000046;
	[dreg:$0x1] =	wrdreg $0xFFFFFFFF  }
0xa9: {  	s28 =	simm.s32 $_size_execute0_lowered;
	s5 =	sadd.s32 s5, s7;
	[dreg:$0x0] =	wrdreg $0x0  }
0xaa: {  	s7 =	sshll.u32 s28, $0x1;
	[dreg:$0x2] =	wrdreg s5  }
0xab: {  	[dreg:$0x3] =	wrdreg s7  }
0xac: {  	[dreg:$0x4] =	wrdreg $0xC0  }
0xad: {  	_ =	task [dreg:s9], $0x5FFFF  }
0xae: {  	[dreg:$0x1] =	wrdreg $0xFFFFFFFF  }
0xaf: {  	[dreg:$0x0] =	wrdreg $0x60  }
0xb0: {  	[dreg:$0x2] =	wrdreg s4  }
0xb1: {  	[dreg:$0x3] =	wrdreg s24  }
0xb2: {  	[dreg:$0x4] =	wrdreg s2  }
0xb3: {  	[dreg:$0x5] =	wrdreg s18  }
0xb4: {  	[dreg:$0x6] =	wrdreg $0x9  }
0xb5: {  	_ =	task.clear_ibuf [dreg:s9], $0x7FFFF;
	_ =	strace $0x90000046  }
0xb6: {  	s29 =	simm.s32 $0x9;
	_ =	strace $0x80000048  }
0xb7: {  	_ =	swait.ge [sflag:s29], $0x1  }
0xb8: {  	[sflag:s29] =	ssyncadd.s32 $0xFFFFFFFF  }
0xb9: {  	_ =	strace $0x90000048  }
0xba: {  	_ =	sfence  }
0xbb: {  	s30 =	sld [smem:$0x0];
	_ =	sdelay $0x2  }
0xbc: {  	s31 =	sshll.u32 s1, $0xD;
	s1 =	sshrl.u32 s1, $0x2  }
0xbd: {  	s3 =	sand.u32 $0x4000, s31;
	s1 =	sadd.s32 s1, s30  }
0xbe: {  	s0 =	sor.u32 s3, s0;
	s1 =	sshll.u32 s1, $0x11  }
0xbf: {  	s0 =	sor.u32 s1, s0  }
0xc0: {  	s0 =	sadd.s32 $0x8F2B, s0  }
0xc1: {  	[sflag:s0] =	ssyncadd.remote.s32 $0x1  }
0xc2: {  	_ =	sfence.sel $0xFFFF  }
0xc3: {  	[dreg:$0x0] =	wrdreg $0xFFFFFFFF;
	(pc) =	sbr.abs _section_cstart, $3  }
0xc4: {  	[dreg:$0x1] =	wrdreg $0xFFFFFFFF  }
0xc5: {  	_ =	task.clear_ibuf [dreg:s9], $0x2FFFF;
	_ =	strace $0x9FFFFFFF  }
0xc6: {  	(tm) =	ssettm $0x7FFFFFFF  }
0xc7: {  	_ =	shalt  }
tec
execute0_lowered:
.L_overlay_start_1:
0x0: {  	(tag) =	ssettag $0x1  }
0x1: {  	s1 =	rddreg [dreg:$0x0]  }
0x2: {  	s5 =	rddreg [dreg:$0x1]  }
0x3: {  	s0 =	srdreg.scid;
	s7 =	stileid.u32  }
0x4: {  	s2 =	rddreg [dreg:$0x2];
	s6 =	sand.u32 $0x1, s0;
	s29 =	sshll.u32 s7, $0x1  }
0x5: {  	s3 =	rddreg [dreg:$0x3];
	s4 =	simm.s32 $0x0;
	s7 =	sor.u32 s6, s29  }
0x6: {  	[smem:$0x7FF] =	sst s4;
	s0 =	sadd.s32 $0x3200, s5;
	s8 =	sshll.u32 s7, $0x8  }
0x7: {  	_ =	strace $0x80000047;
	s9 =	sadd.s32 s8, s5;
	s1 =	sadd.s32 s1, s8  }
0x8: {  	[dreg:$0x5] =	wrdreg s1;
	s31 =	sadd.s32 $0x1200, s9;
	s9 =	sshll.u32 s7, $0x10  }
0x9: {  	s1 =	sadd.s32 $0x203200, s5;
	[dreg:$0x6] =	wrdreg s31;
	s7 =	sadd.s32 s0, s9  }
0xa: {  	s8 =	sadd.s32 s1, s9;
	s12 =	sor.u32 $0x2000, s9;
	[dreg:$0x7] =	wrdreg s7  }
0xb: {  	[dreg:$0x8] =	wrdreg s8;
	s13 =	sadd.s32 s0, s12  }
0xc: {  	s15 =	sor.u32 $0x3000, s9;
	s14 =	sadd.s32 s1, s12;
	[dreg:$0xb] =	wrdreg s13  }
0xd: {  	s16 =	sadd.s32 s0, s15;
	[dreg:$0xc] =	wrdreg s14  }
0xe: {  	s18 =	sor.u32 $0x4000, s9;
	s17 =	sadd.s32 s1, s15;
	[dreg:$0xd] =	wrdreg s16  }
0xf: {  	s19 =	sadd.s32 s0, s18;
	[dreg:$0xe] =	wrdreg s17  }
0x10: {  	s21 =	sor.u32 $0x5000, s9;
	s20 =	sadd.s32 s1, s18;
	[dreg:$0xf] =	wrdreg s19  }
0x11: {  	s22 =	sadd.s32 s0, s21;
	[dreg:$0x10] =	wrdreg s20  }
0x12: {  	s24 =	sor.u32 $0x6000, s9;
	s23 =	sadd.s32 s1, s21;
	[dreg:$0x11] =	wrdreg s22  }
0x13: {  	s30 =	simm.s32 $0x9000;
	s25 =	sadd.s32 s0, s24;
	[dreg:$0x12] =	wrdreg s23  }
0x14: {  	s29 =	sor.u32 $0x7000, s9;
	s26 =	sadd.s32 s1, s24;
	[dreg:$0x13] =	wrdreg s25  }
0x15: {  	s7 =	sor.u32 $0x1000, s9;
	s31 =	sadd.s32 s0, s29;
	[dreg:$0x14] =	wrdreg s26  }
0x16: {  	s6 =	ssub.s32 $0x2, s6;
	s10 =	sadd.s32 s0, s7;
	[dreg:$0x15] =	wrdreg s31  }
0x17: {  	s5 =	sadd.s32 $0x100, s2;
	s11 =	sadd.s32 s1, s7;
	[dreg:$0x9] =	wrdreg s10  }
0x18: {  	s12 =	sor.u32 $0x9000, s9;
	s7 =	sadd.s32 s1, s29;
	[dreg:$0xa] =	wrdreg s11  }
0x19: {  	s8 =	sor.u32 $0x8000, s9;
	s14 =	sadd.s32 s0, s12;
	[dreg:$0x16] =	wrdreg s7  }
0x1a: {  	s21 =	sor.u32 $0xC000, s9;
	s15 =	sadd.s32 s1, s12;
	[dreg:$0x19] =	wrdreg s14  }
0x1b: {  	s13 =	sshrl.u32 s6, $0x1;
	s22 =	sadd.s32 s0, s21;
	[dreg:$0x1a] =	wrdreg s15  }
0x1c: {  	s16 =	sor.u32 $0xA000, s9;
	s31 =	simm.s32 $0x800;
	[dreg:$0x1f] =	wrdreg s22  }
0x1d: {  	s19 =	sor.u32 $0xB000, s9;
	s10 =	sadd.s32 s0, s8;
	[smem:$0x7FD] =	sst s31  }
0x1e: {  	s12 =	sor.u32 $0xE000, s9;
	s11 =	sadd.s32 s1, s8;
	[dreg:$0x17] =	wrdreg s10  }
0x1f: {  	s26 =	sor.u32 $0xF000, s9;
	s17 =	sadd.s32 s0, s16;
	[dreg:$0x18] =	wrdreg s11  }
0x20: {  	s18 =	sadd.s32 s1, s16;
	s20 =	sadd.s32 s0, s19;
	[dreg:$0x1b] =	wrdreg s17  }
0x21: {  	s7 =	sadd.s32 s1, s19;
	s8 =	sadd.s32 s1, s21;
	[dreg:$0x1c] =	wrdreg s18  }
0x22: {  	s24 =	sadd.s32 s0, s12;
	s25 =	sadd.s32 s1, s12;
	[dreg:$0x1d] =	wrdreg s20  }
0x23: {  	s29 =	sadd.s32 s1, s26;
	s12 =	simm.s32 $0x3;
	[dreg:$0x1e] =	wrdreg s7  }
0x24: {  	s11 =	ssub.s32 s6, s13;
	s6 =	sadd.s32 $0x200, s2;
	[smem:$0x7F6] =	sst s8  }
0x25: {  	s10 =	sor.u32 $0xD000, s9;
	s7 =	sadd.s32 $0x300, s2;
	[smem:$0x7F9] =	sst s24  }
0x26: {  	s8 =	sadd.s32 $0x100, s3;
	s9 =	sadd.s32 $0x200, s3;
	[smem:$0x7FA] =	sst s25  }
0x27: {  	[smem:$0x7FC] =	sst s29;
	s24 =	simm.s32 $0x1000;
	s23 =	sadd.s32 s0, s10  }
0x28: {  	v2 =	vlaneseq.u32;
	s25 =	simm.s32 $0x1;
	s10 =	sadd.s32 s1, s10;
	[smem:$0x7F7] =	sst s23  }
0x29: {  	vm0 =	vmmov $0xffff;
	v1 =	vshrl.u32 v2, $0x3;
	s0 =	sadd.s32 s0, s26;
	s28 =	smax.u32 s11, $0x1;
	[smem:$0x7F8] =	sst s10  }
0x2a: {  	v0 =	vand.u32 $0x7, v2;
	v2 =	vor.u32 $0x8, v2;
	v1 =	vmul.u32 $0x8, v1;
	s26 =	simm.s32 $0x2;
	s10 =	sadd.s32 $0x300, s3;
	[smem:$0x7FB] =	sst s0  }
.LBB2_1:
0x2b: {  	[smem:$0x7F5] =	sst s28  }
0x2c: {  	s28 =	rddreg [dreg:$0x5]  }
0x2d: {  	[tilespmem:s4], [sflag:$0x3] =	stream.linear.gather [hbm4b:s28+s4], $0x800, $0x38;
	[tilespmem:$0x11000] =	vst v63  }
0x2e: {  	_ =	swait.ge [sflag:s12], $0x800  }
0x2f: {  	s29 =	sld [smem:$0x7FD]  }
0x30: {  	[sflag:s12] =	ssyncset.done $0x0  }
0x31: {  	s28 =	rddreg [dreg:$0x6];
	[sflag:s12] =	ssyncadd.s32 $0xFFFFF800  }
0x32: {  	[tilespmem:s29], [sflag:$0x3] =	stream.linear.gather [hbm4b:s28+s4], $0x800, $0x38;
	[tilespmem:$0x11000] =	vst v63  }
0x33: {  	_ =	swait.ge [sflag:s12], $0x800  }
0x34: {  	[sflag:s12] =	ssyncset.done $0x0  }
0x35: {  	[sflag:s12] =	ssyncadd.s32 $0xFFFFF800  }
0x36: {  	v3 =	vld [tilespmem:$0x0];
	_ =	sdelay $0x4  }
0x37: {  	v4 =	vshll.u32 v3, $0x3  }
0x38: {  	v3 =	vand.u32 $0x7, v3;
	v4 =	vand.u32 $0xFFFFFFC0, v4  }
0x39: {  	v3 =	vor.u32 v3, v4  }
0x3a: {  	v4 =	vperm.xlane v3, v0;
	_ =	sdelay $0x1  }
0x3b: {  	v4 =	vadd.s32 v1, v4;
	_ =	sdelay $0x4  }
0x3c: {  	[tilespmem:s24], [sflag:$0x1] =	stream.indirect_vreg.gather [hbm4b:s2+s4], $0x80, v4, vm0, $0xb8;
	[tilespmem:$0x11000] =	vst v63  }
0x3d: {  	s0 =	simm.s32 $0x1800;
	v3 =	vperm.xlane v3, v2  }
0x3e: {  	[tilespmem:s0], [sflag:$0x1] =	stream.indirect_vreg.gather [hbm4b:s5+s4], $0x80, v4, vm0, $0xb8;
	[tilespmem:$0x11000] =	vst v63  }
0x3f: {  	s16 =	simm.s32 $0x2000;
	v3 =	vadd.s32 v1, v3  }
0x40: {  	[tilespmem:s16], [sflag:$0x1] =	stream.indirect_vreg.gather [hbm4b:s6+s4], $0x80, v4, vm0, $0xb8;
	[tilespmem:$0x11000] =	vst v63  }
0x41: {  	s17 =	simm.s32 $0x2800  }
0x42: {  	[tilespmem:s17], [sflag:$0x1] =	stream.indirect_vreg.gather [hbm4b:s7+s4], $0x80, v4, vm0, $0xb8;
	[tilespmem:$0x11000] =	vst v63  }
0x43: {  	s18 =	simm.s32 $0x3000  }
0x44: {  	[tilespmem:s18], [sflag:$0x1] =	stream.indirect_vreg.gather [hbm4b:s2+s4], $0x80, v3, vm0, $0xb8;
	[tilespmem:$0x11000] =	vst v63  }
0x45: {  	s19 =	simm.s32 $0x3800  }
0x46: {  	[tilespmem:s19], [sflag:$0x1] =	stream.indirect_vreg.gather [hbm4b:s5+s4], $0x80, v3, vm0, $0xb8;
	[tilespmem:$0x11000] =	vst v63  }
0x47: {  	s20 =	simm.s32 $0x4000  }
0x48: {  	[tilespmem:s20], [sflag:$0x1] =	stream.indirect_vreg.gather [hbm4b:s6+s4], $0x80, v3, vm0, $0xb8;
	[tilespmem:$0x11000] =	vst v63  }
0x49: {  	s21 =	simm.s32 $0x4800  }
0x4a: {  	[tilespmem:s21], [sflag:$0x1] =	stream.indirect_vreg.gather [hbm4b:s7+s4], $0x80, v3, vm0, $0xb8;
	[tilespmem:$0x11000] =	vst v63  }
0x4b: {  	v3 =	vld [tilespmem:$0x10];
	_ =	sdelay $0x4  }
0x4c: {  	v57 =	vshll.u32 v3, $0x3  }
0x4d: {  	v3 =	vand.u32 $0x7, v3;
	v4 =	vand.u32 $0xFFFFFFC0, v57  }
0x4e: {  	v3 =	vor.u32 v3, v4  }
0x4f: {  	v4 =	vperm.xlane v3, v0;
	_ =	sdelay $0x1  }
0x50: {  	v4 =	vadd.s32 v1, v4;
	_ =	sdelay $0x3  }
0x51: {  	s22 =	simm.s32 $0x5000  }
0x52: {  	[tilespmem:s22], [sflag:$0x1] =	stream.indirect_vreg.gather [hbm4b:s2+s4], $0x80, v4, vm0, $0xb8;
	[tilespmem:$0x11000] =	vst v63  }
0x53: {  	s23 =	simm.s32 $0x5800;
	v3 =	vperm.xlane v3, v2  }
0x54: {  	[tilespmem:s23], [sflag:$0x1] =	stream.indirect_vreg.gather [hbm4b:s5+s4], $0x80, v4, vm0, $0xb8;
	[tilespmem:$0x11000] =	vst v63  }
0x55: {  	s29 =	simm.s32 $0x6000;
	v3 =	vadd.s32 v1, v3  }
0x56: {  	[tilespmem:s29], [sflag:$0x1] =	stream.indirect_vreg.gather [hbm4b:s6+s4], $0x80, v4, vm0, $0xb8;
	[tilespmem:$0x11000] =	vst v63  }
0x57: {  	s31 =	simm.s32 $0x6800  }
0x58: {  	[tilespmem:s31], [sflag:$0x1] =	stream.indirect_vreg.gather [hbm4b:s7+s4], $0x80, v4, vm0, $0xb8;
	[tilespmem:$0x11000] =	vst v63  }
0x59: {  	s13 =	simm.s32 $0x7000  }
0x5a: {  	[tilespmem:s13], [sflag:$0x1] =	stream.indirect_vreg.gather [hbm4b:s2+s4], $0x80, v3, vm0, $0xb8;
	[tilespmem:$0x11000] =	vst v63  }
0x5b: {  	s17 =	simm.s32 $0x7800  }
0x5c: {  	[tilespmem:s17], [sflag:$0x1] =	stream.indirect_vreg.gather [hbm4b:s5+s4], $0x80, v3, vm0, $0xb8;
	[tilespmem:$0x11000] =	vst v63  }
0x5d: {  	s18 =	simm.s32 $0x8000  }
0x5e: {  	[tilespmem:s18], [sflag:$0x1] =	stream.indirect_vreg.gather [hbm4b:s6+s4], $0x80, v3, vm0, $0xb8;
	[tilespmem:$0x11000] =	vst v63  }
0x5f: {  	s19 =	simm.s32 $0x8800  }
0x60: {  	[tilespmem:s19], [sflag:$0x1] =	stream.indirect_vreg.gather [hbm4b:s7+s4], $0x80, v3, vm0, $0xb8;
	[tilespmem:$0x11000] =	vst v63  }
0x61: {  	v3 =	vld [tilespmem:$0x800];
	_ =	sdelay $0x4  }
0x62: {  	v58 =	vshll.u32 v3, $0x3  }
0x63: {  	v3 =	vand.u32 $0x7, v3;
	v4 =	vand.u32 $0xFFFFFFC0, v58  }
0x64: {  	v3 =	vor.u32 v3, v4  }
0x65: {  	v4 =	vperm.xlane v3, v0;
	_ =	sdelay $0x1  }
0x66: {  	v4 =	vadd.s32 v1, v4;
	_ =	sdelay $0x4  }
0x67: {  	[tilespmem:s30], [sflag:$0x2] =	stream.indirect_vreg.gather [hbm4b:s3+s4], $0x80, v4, vm0, $0xb8;
	[tilespmem:$0x11000] =	vst v63  }
0x68: {  	s20 =	simm.s32 $0x9800;
	v3 =	vperm.xlane v3, v2  }
0x69: {  	[tilespmem:s20], [sflag:$0x2] =	stream.indirect_vreg.gather [hbm4b:s8+s4], $0x80, v4, vm0, $0xb8;
	[tilespmem:$0x11000] =	vst v63  }
0x6a: {  	s28 =	simm.s32 $0xA000;
	v3 =	vadd.s32 v1, v3  }
0x6b: {  	[tilespmem:s28], [sflag:$0x2] =	stream.indirect_vreg.gather [hbm4b:s9+s4], $0x80, v4, vm0, $0xb8;
	[tilespmem:$0x11000] =	vst v63  }
0x6c: {  	s28 =	simm.s32 $0xA800  }
0x6d: {  	[tilespmem:s28], [sflag:$0x2] =	stream.indirect_vreg.gather [hbm4b:s10+s4], $0x80, v4, vm0, $0xb8;
	[tilespmem:$0x11000] =	vst v63  }
0x6e: {  	s28 =	simm.s32 $0xB000  }
0x6f: {  	[tilespmem:s28], [sflag:$0x2] =	stream.indirect_vreg.gather [hbm4b:s3+s4], $0x80, v3, vm0, $0xb8;
	[tilespmem:$0x11000] =	vst v63  }
0x70: {  	s28 =	simm.s32 $0xB800  }
0x71: {  	[tilespmem:s28], [sflag:$0x2] =	stream.indirect_vreg.gather [hbm4b:s8+s4], $0x80, v3, vm0, $0xb8;
	[tilespmem:$0x11000] =	vst v63  }
0x72: {  	s28 =	simm.s32 $0xC000  }
0x73: {  	[tilespmem:s28], [sflag:$0x2] =	stream.indirect_vreg.gather [hbm4b:s9+s4], $0x80, v3, vm0, $0xb8;
	[tilespmem:$0x11000] =	vst v63  }
0x74: {  	s28 =	simm.s32 $0xC800  }
0x75: {  	[tilespmem:s28], [sflag:$0x2] =	stream.indirect_vreg.gather [hbm4b:s10+s4], $0x80, v3, vm0, $0xb8;
	[tilespmem:$0x11000] =	vst v63  }
0x76: {  	v3 =	vld [tilespmem:$0x810];
	_ =	sdelay $0x4  }
0x77: {  	v59 =	vshll.u32 v3, $0x3  }
0x78: {  	v3 =	vand.u32 $0x7, v3;
	v4 =	vand.u32 $0xFFFFFFC0, v59  }
0x79: {  	v3 =	vor.u32 v3, v4  }
0x7a: {  	v4 =	vperm.xlane v3, v0;
	_ =	sdelay $0x1  }
0x7b: {  	v4 =	vadd.s32 v1, v4;
	_ =	sdelay $0x3  }
0x7c: {  	s28 =	simm.s32 $0xD000  }
0x7d: {  	[tilespmem:s28], [sflag:$0x2] =	stream.indirect_vreg.gather [hbm4b:s3+s4], $0x80, v4, vm0, $0xb8;
	[tilespmem:$0x11000] =	vst v63  }
0x7e: {  	v3 =	vperm.xlane v3, v2;
	s28 =	simm.s32 $0xD800  }
0x7f: {  	[tilespmem:s28], [sflag:$0x2] =	stream.indirect_vreg.gather [hbm4b:s8+s4], $0x80, v4, vm0, $0xb8;
	[tilespmem:$0x11000] =	vst v63  }
0x80: {  	v3 =	vadd.s32 v1, v3;
	s28 =	simm.s32 $0xE000  }
0x81: {  	[tilespmem:s28], [sflag:$0x2] =	stream.indirect_vreg.gather [hbm4b:s9+s4], $0x80, v4, vm0, $0xb8;
	[tilespmem:$0x11000] =	vst v63  }
0x82: {  	s28 =	simm.s32 $0xE800  }
0x83: {  	[tilespmem:s28], [sflag:$0x2] =	stream.indirect_vreg.gather [hbm4b:s10+s4], $0x80, v4, vm0, $0xb8;
	[tilespmem:$0x11000] =	vst v63  }
0x84: {  	s28 =	simm.s32 $0xF000  }
0x85: {  	[tilespmem:s28], [sflag:$0x2] =	stream.indirect_vreg.gather [hbm4b:s3+s4], $0x80, v3, vm0, $0xb8;
	[tilespmem:$0x11000] =	vst v63  }
0x86: {  	s28 =	simm.s32 $0xF800  }
0x87: {  	[tilespmem:s28], [sflag:$0x2] =	stream.indirect_vreg.gather [hbm4b:s8+s4], $0x80, v3, vm0, $0xb8;
	[tilespmem:$0x11000] =	vst v63  }
0x88: {  	s28 =	simm.s32 $0x10000  }
0x89: {  	[tilespmem:s28], [sflag:$0x2] =	stream.indirect_vreg.gather [hbm4b:s9+s4], $0x80, v3, vm0, $0xb8;
	[tilespmem:$0x11000] =	vst v63  }
0x8a: {  	s28 =	simm.s32 $0x10800  }
0x8b: {  	[tilespmem:s28], [sflag:$0x2] =	stream.indirect_vreg.gather [hbm4b:s10+s4], $0x80, v3, vm0, $0xb8;
	[tilespmem:$0x11000] =	vst v63  }
0x8c: {  	_ =	swait.ge [sflag:s25], $0x8000  }
0x8d: {  	[sflag:s25] =	ssyncset.done $0x0  }
0x8e: {  	s28 =	rddreg [dreg:$0x7];
	[sflag:s25] =	ssyncadd.s32 $0xFFFF8000  }
0x8f: {  	[hbm4b:s28+s4] =	stream.linear.scatter [tilespmem:s24], [sflag:$0x3], $0x8000, $0x38;
	[tilespmem:$0x11000] =	vst v63  }
0x90: {  	_ =	swait.ge [sflag:s12], $0x8000  }
0x91: {  	[sflag:s12] =	ssyncset.done $0x0  }
0x92: {  	[sflag:s12] =	ssyncadd.s32 $0xFFFF8000  }
0x93: {  	_ =	swait.ge [sflag:s26], $0x8000  }
0x94: {  	[sflag:s26] =	ssyncset.done $0x0  }
0x95: {  	s28 =	rddreg [dreg:$0x8];
	[sflag:s26] =	ssyncadd.s32 $0xFFFF8000  }
0x96: {  	[hbm4b:s28+s4] =	stream.linear.scatter [tilespmem:s30], [sflag:$0x3], $0x8000, $0x38;
	[tilespmem:$0x11000] =	vst v63  }
0x97: {  	_ =	swait.ge [sflag:s12], $0x8000  }
0x98: {  	[sflag:s12] =	ssyncset.done $0x0  }
0x99: {  	[sflag:s12] =	ssyncadd.s32 $0xFFFF8000  }
0x9a: {  	v3 =	vld [tilespmem:$0x80];
	_ =	sdelay $0x4  }
0x9b: {  	v60 =	vshll.u32 v3, $0x3  }
0x9c: {  	v3 =	vand.u32 $0x7, v3;
	v4 =	vand.u32 $0xFFFFFFC0, v60  }
0x9d: {  	v3 =	vor.u32 v3, v4  }
0x9e: {  	v4 =	vperm.xlane v3, v0;
	_ =	sdelay $0x1  }
0x9f: {  	v4 =	vadd.s32 v1, v4;
	_ =	sdelay $0x4  }
0xa0: {  	[tilespmem:s24], [sflag:$0x1] =	stream.indirect_vreg.gather [hbm4b:s2+s4], $0x80, v4, vm0, $0xb8;
	[tilespmem:$0x11000] =	vst v63  }
0xa1: {  	s11 =	simm.s32 $0x1800;
	v3 =	vperm.xlane v3, v2  }
0xa2: {  	[tilespmem:s11], [sflag:$0x1] =	stream.indirect_vreg.gather [hbm4b:s5+s4], $0x80, v4, vm0, $0xb8;
	[tilespmem:$0x11000] =	vst v63  }
0xa3: {  	s1 =	simm.s32 $0x2000;
	v3 =	vadd.s32 v1, v3  }
0xa4: {  	[tilespmem:s1], [sflag:$0x1] =	stream.indirect_vreg.gather [hbm4b:s6+s4], $0x80, v4, vm0, $0xb8;
	[tilespmem:$0x11000] =	vst v63  }
0xa5: {  	s0 =	simm.s32 $0x2800  }
0xa6: {  	[tilespmem:s0], [sflag:$0x1] =	stream.indirect_vreg.gather [hbm4b:s7+s4], $0x80, v4, vm0, $0xb8;
	[tilespmem:$0x11000] =	vst v63  }
0xa7: {  	s1 =	simm.s32 $0x3000  }
0xa8: {  	[tilespmem:s1], [sflag:$0x1] =	stream.indirect_vreg.gather [hbm4b:s2+s4], $0x80, v3, vm0, $0xb8;
	[tilespmem:$0x11000] =	vst v63  }
0xa9: {  	s11 =	simm.s32 $0x3800  }
0xaa: {  	[tilespmem:s11], [sflag:$0x1] =	stream.indirect_vreg.gather [hbm4b:s5+s4], $0x80, v3, vm0, $0xb8;
	[tilespmem:$0x11000] =	vst v63  }
0xab: {  	s13 =	simm.s32 $0x4000  }
0xac: {  	[tilespmem:s13], [sflag:$0x1] =	stream.indirect_vreg.gather [hbm4b:s6+s4], $0x80, v3, vm0, $0xb8;
	[tilespmem:$0x11000] =	vst v63  }
0xad: {  	s14 =	simm.s32 $0x4800  }
0xae: {  	[tilespmem:s14], [sflag:$0x1] =	stream.indirect_vreg.gather [hbm4b:s7+s4], $0x80, v3, vm0, $0xb8;
	[tilespmem:$0x11000] =	vst v63  }
0xaf: {  	v3 =	vld [tilespmem:$0x90];
	_ =	sdelay $0x4  }
0xb0: {  	v61 =	vshll.u32 v3, $0x3  }
0xb1: {  	v3 =	vand.u32 $0x7, v3;
	v4 =	vand.u32 $0xFFFFFFC0, v61  }
0xb2: {  	v3 =	vor.u32 v3, v4  }
0xb3: {  	v4 =	vperm.xlane v3, v0;
	_ =	sdelay $0x1  }
0xb4: {  	v4 =	vadd.s32 v1, v4;
	_ =	sdelay $0x3  }
0xb5: {  	s15 =	simm.s32 $0x5000  }
0xb6: {  	[tilespmem:s15], [sflag:$0x1] =	stream.indirect_vreg.gather [hbm4b:s2+s4], $0x80, v4, vm0, $0xb8;
	[tilespmem:$0x11000] =	vst v63  }
0xb7: {  	s16 =	simm.s32 $0x5800;
	v3 =	vperm.xlane v3, v2  }
0xb8: {  	[tilespmem:s16], [sflag:$0x1] =	stream.indirect_vreg.gather [hbm4b:s5+s4], $0x80, v4, vm0, $0xb8;
	[tilespmem:$0x11000] =	vst v63  }
0xb9: {  	s14 =	simm.s32 $0x6000;
	v3 =	vadd.s32 v1, v3  }
0xba: {  	[tilespmem:s14], [sflag:$0x1] =	stream.indirect_vreg.gather [hbm4b:s6+s4], $0x80, v4, vm0, $0xb8;
	[tilespmem:$0x11000] =	vst v63  }
0xbb: {  	s15 =	simm.s32 $0x6800  }
0xbc: {  	[tilespmem:s15], [sflag:$0x1] =	stream.indirect_vreg.gather [hbm4b:s7+s4], $0x80, v4, vm0, $0xb8;
	[tilespmem:$0x11000] =	vst v63  }
0xbd: {  	s16 =	simm.s32 $0x7000  }
0xbe: {  	[tilespmem:s16], [sflag:$0x1] =	stream.indirect_vreg.gather [hbm4b:s2+s4], $0x80, v3, vm0, $0xb8;
	[tilespmem:$0x11000] =	vst v63  }
0xbf: {  	s17 =	simm.s32 $0x7800  }
0xc0: {  	[tilespmem:s17], [sflag:$0x1] =	stream.indirect_vreg.gather [hbm4b:s5+s4], $0x80, v3, vm0, $0xb8;
	[tilespmem:$0x11000] =	vst v63  }
0xc1: {  	s18 =	simm.s32 $0x8000  }
0xc2: {  	[tilespmem:s18], [sflag:$0x1] =	stream.indirect_vreg.gather [hbm4b:s6+s4], $0x80, v3, vm0, $0xb8;
	[tilespmem:$0x11000] =	vst v63  }
0xc3: {  	s19 =	simm.s32 $0x8800  }
0xc4: {  	[tilespmem:s19], [sflag:$0x1] =	stream.indirect_vreg.gather [hbm4b:s7+s4], $0x80, v3, vm0, $0xb8;
	[tilespmem:$0x11000] =	vst v63  }
0xc5: {  	v3 =	vld [tilespmem:$0x880];
	_ =	sdelay $0x4  }
0xc6: {  	v62 =	vshll.u32 v3, $0x3  }
0xc7: {  	v3 =	vand.u32 $0x7, v3;
	v4 =	vand.u32 $0xFFFFFFC0, v62  }
0xc8: {  	v3 =	vor.u32 v3, v4  }
0xc9: {  	v4 =	vperm.xlane v3, v0;
	_ =	sdelay $0x1  }
0xca: {  	v4 =	vadd.s32 v1, v4;
	_ =	sdelay $0x4  }
0xcb: {  	[tilespmem:s30], [sflag:$0x2] =	stream.indirect_vreg.gather [hbm4b:s3+s4], $0x80, v4, vm0, $0xb8;
	[tilespmem:$0x11000] =	vst v63  }
0xcc: {  	s29 =	simm.s32 $0x9800;
	v3 =	vperm.xlane v3, v2  }
0xcd: {  	[tilespmem:s29], [sflag:$0x2] =	stream.indirect_vreg.gather [hbm4b:s8+s4], $0x80, v4, vm0, $0xb8;
	[tilespmem:$0x11000] =	vst v63  }
0xce: {  	s31 =	simm.s32 $0xA000;
	v3 =	vadd.s32 v1, v3  }
0xcf: {  	[tilespmem:s31], [sflag:$0x2] =	stream.indirect_vreg.gather [hbm4b:s9+s4], $0x80, v4, vm0, $0xb8;
	[tilespmem:$0x11000] =	vst v63  }
0xd0: {  	s28 =	simm.s32 $0xA800  }
0xd1: {  	[tilespmem:s28], [sflag:$0x2] =	stream.indirect_vreg.gather [hbm4b:s10+s4], $0x80, v4, vm0, $0xb8;
	[tilespmem:$0x11000] =	vst v63  }
0xd2: {  	s28 =	simm.s32 $0xB000  }
0xd3: {  	[tilespmem:s28], [sflag:$0x2] =	stream.indirect_vreg.gather [hbm4b:s3+s4], $0x80, v3, vm0, $0xb8;
	[tilespmem:$0x11000] =	vst v63  }
0xd4: {  	s28 =	simm.s32 $0xB800  }
0xd5: {  	[tilespmem:s28], [sflag:$0x2] =	stream.indirect_vreg.gather [hbm4b:s8+s4], $0x80, v3, vm0, $0xb8;
	[tilespmem:$0x11000] =	vst v63  }
0xd6: {  	s28 =	simm.s32 $0xC000  }
0xd7: {  	[tilespmem:s28], [sflag:$0x2] =	stream.indirect_vreg.gather [hbm4b:s9+s4], $0x80, v3, vm0, $0xb8;
	[tilespmem:$0x11000] =	vst v63  }
0xd8: {  	s23 =	simm.s32 $0xC800  }
0xd9: {  	[tilespmem:s23], [sflag:$0x2] =	stream.indirect_vreg.gather [hbm4b:s10+s4], $0x80, v3, vm0, $0xb8;
	[tilespmem:$0x11000] =	vst v63  }
0xda: {  	v3 =	vld [tilespmem:$0x890];
	_ =	sdelay $0x4  }
0xdb: {  	v63 =	vshll.u32 v3, $0x3  }
0xdc: {  	v3 =	vand.u32 $0x7, v3;
	v4 =	vand.u32 $0xFFFFFFC0, v63  }
0xdd: {  	v3 =	vor.u32 v3, v4  }
0xde: {  	v4 =	vperm.xlane v3, v0;
	_ =	sdelay $0x1  }
0xdf: {  	v4 =	vadd.s32 v1, v4;
	_ =	sdelay $0x3  }
0xe0: {  	s20 =	simm.s32 $0xD000  }
0xe1: {  	[tilespmem:s20], [sflag:$0x2] =	stream.indirect_vreg.gather [hbm4b:s3+s4], $0x80, v4, vm0, $0xb8;
	[tilespmem:$0x11000] =	vst v63  }
0xe2: {  	s21 =	simm.s32 $0xD800;
	v3 =	vperm.xlane v3, v2  }
0xe3: {  	[tilespmem:s21], [sflag:$0x2] =	stream.indirect_vreg.gather [hbm4b:s8+s4], $0x80, v4, vm0, $0xb8;
	[tilespmem:$0x11000] =	vst v63  }
0xe4: {  	v3 =	vadd.s32 v1, v3;
	s21 =	simm.s32 $0xE000  }
0xe5: {  	[tilespmem:s21], [sflag:$0x2] =	stream.indirect_vreg.gather [hbm4b:s9+s4], $0x80, v4, vm0, $0xb8;
	[tilespmem:$0x11000] =	vst v63  }
0xe6: {  	s23 =	simm.s32 $0xE800  }
0xe7: {  	[tilespmem:s23], [sflag:$0x2] =	stream.indirect_vreg.gather [hbm4b:s10+s4], $0x80, v4, vm0, $0xb8;
	[tilespmem:$0x11000] =	vst v63  }
0xe8: {  	s23 =	simm.s32 $0xF000  }
0xe9: {  	[tilespmem:s23], [sflag:$0x2] =	stream.indirect_vreg.gather [hbm4b:s3+s4], $0x80, v3, vm0, $0xb8;
	[tilespmem:$0x11000] =	vst v63  }
0xea: {  	s28 =	simm.s32 $0xF800  }
0xeb: {  	[tilespmem:s28], [sflag:$0x2] =	stream.indirect_vreg.gather [hbm4b:s8+s4], $0x80, v3, vm0, $0xb8;
	[tilespmem:$0x11000] =	vst v63  }
0xec: {  	s28 =	simm.s32 $0x10000  }
0xed: {  	[tilespmem:s28], [sflag:$0x2] =	stream.indirect_vreg.gather [hbm4b:s9+s4], $0x80, v3, vm0, $0xb8;
	[tilespmem:$0x11000] =	vst v63  }
0xee: {  	s22 =	simm.s32 $0x10800  }
0xef: {  	[tilespmem:s22], [sflag:$0x2] =	stream.indirect_vreg.gather [hbm4b:s10+s4], $0x80, v3, vm0, $0xb8;
	[tilespmem:$0x11000] =	vst v63  }
0xf0: {  	_ =	swait.ge [sflag:s25], $0x8000  }
0xf1: {  	[sflag:s25] =	ssyncset.done $0x0  }
0xf2: {  	s28 =	rddreg [dreg:$0x9];
	[sflag:s25] =	ssyncadd.s32 $0xFFFF8000  }
0xf3: {  	[hbm4b:s28+s4] =	stream.linear.scatter [tilespmem:s24], [sflag:$0x3], $0x8000, $0x38;
	[tilespmem:$0x11000] =	vst v63  }
0xf4: {  	_ =	swait.ge [sflag:s12], $0x8000  }
0xf5: {  	[sflag:s12] =	ssyncset.done $0x0  }
0xf6: {  	[sflag:s12] =	ssyncadd.s32 $0xFFFF8000  }
0xf7: {  	_ =	swait.ge [sflag:s26], $0x8000  }
0xf8: {  	[sflag:s26] =	ssyncset.done $0x0  }
0xf9: {  	s28 =	rddreg [dreg:$0xa];
	[sflag:s26] =	ssyncadd.s32 $0xFFFF8000  }
0xfa: {  	[hbm4b:s28+s4] =	stream.linear.scatter [tilespmem:s30], [sflag:$0x3], $0x8000, $0x38;
	[tilespmem:$0x11000] =	vst v63  }
0xfb: {  	_ =	swait.ge [sflag:s12], $0x8000  }
0xfc: {  	[sflag:s12] =	ssyncset.done $0x0  }
0xfd: {  	[sflag:s12] =	ssyncadd.s32 $0xFFFF8000  }
0xfe: {  	v3 =	vld [tilespmem:$0x100];
	_ =	sdelay $0x4  }
0xff: {  	v8 =	vshll.u32 v3, $0x3  }
0x100: {  	v3 =	vand.u32 $0x7, v3;
	v4 =	vand.u32 $0xFFFFFFC0, v8  }
0x101: {  	v3 =	vor.u32 v3, v4  }
0x102: {  	v4 =	vperm.xlane v3, v0;
	_ =	sdelay $0x1  }
0x103: {  	v4 =	vadd.s32 v1, v4;
	_ =	sdelay $0x4  }
0x104: {  	[tilespmem:s24], [sflag:$0x1] =	stream.indirect_vreg.gather [hbm4b:s2+s4], $0x80, v4, vm0, $0xb8;
	[tilespmem:$0x11000] =	vst v63  }
0x105: {  	s28 =	simm.s32 $0x1800;
	v3 =	vperm.xlane v3, v2  }
0x106: {  	[tilespmem:s28], [sflag:$0x1] =	stream.indirect_vreg.gather [hbm4b:s5+s4], $0x80, v4, vm0, $0xb8;
	[tilespmem:$0x11000] =	vst v63  }
0x107: {  	v3 =	vadd.s32 v1, v3;
	s28 =	simm.s32 $0x2000  }
0x108: {  	[tilespmem:s28], [sflag:$0x1] =	stream.indirect_vreg.gather [hbm4b:s6+s4], $0x80, v4, vm0, $0xb8;
	[tilespmem:$0x11000] =	vst v63  }
0x109: {  	_ = 	snop  }
0x10a: {  	[tilespmem:s0], [sflag:$0x1] =	stream.indirect_vreg.gather [hbm4b:s7+s4], $0x80, v4, vm0, $0xb8;
	[tilespmem:$0x11000] =	vst v63  }
0x10b: {  	_ = 	snop  }
0x10c: {  	[tilespmem:s1], [sflag:$0x1] =	stream.indirect_vreg.gather [hbm4b:s2+s4], $0x80, v3, vm0, $0xb8;
	[tilespmem:$0x11000] =	vst v63  }
0x10d: {  	_ = 	snop  }
0x10e: {  	[tilespmem:s11], [sflag:$0x1] =	stream.indirect_vreg.gather [hbm4b:s5+s4], $0x80, v3, vm0, $0xb8;
	[tilespmem:$0x11000] =	vst v63  }
0x10f: {  	_ = 	snop  }
0x110: {  	[tilespmem:s13], [sflag:$0x1] =	stream.indirect_vreg.gather [hbm4b:s6+s4], $0x80, v3, vm0, $0xb8;
	[tilespmem:$0x11000] =	vst v63  }
0x111: {  	s28 =	simm.s32 $0x4800  }
0x112: {  	[tilespmem:s28], [sflag:$0x1] =	stream.indirect_vreg.gather [hbm4b:s7+s4], $0x80, v3, vm0, $0xb8;
	[tilespmem:$0x11000] =	vst v63  }
0x113: {  	v3 =	vld [tilespmem:$0x110];
	_ =	sdelay $0x4  }
0x114: {  	v9 =	vshll.u32 v3, $0x3  }
0x115: {  	v3 =	vand.u32 $0x7, v3;
	v4 =	vand.u32 $0xFFFFFFC0, v9  }
0x116: {  	v3 =	vor.u32 v3, v4  }
0x117: {  	v4 =	vperm.xlane v3, v0;
	_ =	sdelay $0x1  }
0x118: {  	v4 =	vadd.s32 v1, v4;
	_ =	sdelay $0x3  }
0x119: {  	s28 =	simm.s32 $0x5000  }
0x11a: {  	[tilespmem:s28], [sflag:$0x1] =	stream.indirect_vreg.gather [hbm4b:s2+s4], $0x80, v4, vm0, $0xb8;
	[tilespmem:$0x11000] =	vst v63  }
0x11b: {  	v3 =	vperm.xlane v3, v2;
	s28 =	simm.s32 $0x5800  }
0x11c: {  	[tilespmem:s28], [sflag:$0x1] =	stream.indirect_vreg.gather [hbm4b:s5+s4], $0x80, v4, vm0, $0xb8;
	[tilespmem:$0x11000] =	vst v63  }
0x11d: {  	v3 =	vadd.s32 v1, v3  }
0x11e: {  	[tilespmem:s14], [sflag:$0x1] =	stream.indirect_vreg.gather [hbm4b:s6+s4], $0x80, v4, vm0, $0xb8;
	[tilespmem:$0x11000] =	vst v63  }
0x11f: {  	_ = 	snop  }
0x120: {  	[tilespmem:s15], [sflag:$0x1] =	stream.indirect_vreg.gather [hbm4b:s7+s4], $0x80, v4, vm0, $0xb8;
	[tilespmem:$0x11000] =	vst v63  }
0x121: {  	_ = 	snop  }
0x122: {  	[tilespmem:s16], [sflag:$0x1] =	stream.indirect_vreg.gather [hbm4b:s2+s4], $0x80, v3, vm0, $0xb8;
	[tilespmem:$0x11000] =	vst v63  }
0x123: {  	_ = 	snop  }
0x124: {  	[tilespmem:s17], [sflag:$0x1] =	stream.indirect_vreg.gather [hbm4b:s5+s4], $0x80, v3, vm0, $0xb8;
	[tilespmem:$0x11000] =	vst v63  }
0x125: {  	_ = 	snop  }
0x126: {  	[tilespmem:s18], [sflag:$0x1] =	stream.indirect_vreg.gather [hbm4b:s6+s4], $0x80, v3, vm0, $0xb8;
	[tilespmem:$0x11000] =	vst v63  }
0x127: {  	_ = 	snop  }
0x128: {  	[tilespmem:s19], [sflag:$0x1] =	stream.indirect_vreg.gather [hbm4b:s7+s4], $0x80, v3, vm0, $0xb8;
	[tilespmem:$0x11000] =	vst v63  }
0x129: {  	v3 =	vld [tilespmem:$0x900];
	_ =	sdelay $0x4  }
0x12a: {  	v10 =	vshll.u32 v3, $0x3  }
0x12b: {  	v3 =	vand.u32 $0x7, v3;
	v4 =	vand.u32 $0xFFFFFFC0, v10  }
0x12c: {  	v3 =	vor.u32 v3, v4  }
0x12d: {  	v4 =	vperm.xlane v3, v0;
	_ =	sdelay $0x1  }
0x12e: {  	v4 =	vadd.s32 v1, v4;
	_ =	sdelay $0x4  }
0x12f: {  	[tilespmem:s30], [sflag:$0x2] =	stream.indirect_vreg.gather [hbm4b:s3+s4], $0x80, v4, vm0, $0xb8;
	[tilespmem:$0x11000] =	vst v63  }
0x130: {  	s28 =	simm.s32 $0x9800;
	v3 =	vperm.xlane v3, v2  }
0x131: {  	[tilespmem:s28], [sflag:$0x2] =	stream.indirect_vreg.gather [hbm4b:s8+s4], $0x80, v4, vm0, $0xb8;
	[tilespmem:$0x11000] =	vst v63  }
0x132: {  	s29 =	simm.s32 $0xA000;
	v3 =	vadd.s32 v1, v3  }
0x133: {  	[tilespmem:s29], [sflag:$0x2] =	stream.indirect_vreg.gather [hbm4b:s9+s4], $0x80, v4, vm0, $0xb8;
	[tilespmem:$0x11000] =	vst v63  }
0x134: {  	s31 =	simm.s32 $0xA800  }
0x135: {  	[tilespmem:s31], [sflag:$0x2] =	stream.indirect_vreg.gather [hbm4b:s10+s4], $0x80, v4, vm0, $0xb8;
	[tilespmem:$0x11000] =	vst v63  }
0x136: {  	s28 =	simm.s32 $0xB000  }
0x137: {  	[tilespmem:s28], [sflag:$0x2] =	stream.indirect_vreg.gather [hbm4b:s3+s4], $0x80, v3, vm0, $0xb8;
	[tilespmem:$0x11000] =	vst v63  }
0x138: {  	s28 =	simm.s32 $0xB800  }
0x139: {  	[tilespmem:s28], [sflag:$0x2] =	stream.indirect_vreg.gather [hbm4b:s8+s4], $0x80, v3, vm0, $0xb8;
	[tilespmem:$0x11000] =	vst v63  }
0x13a: {  	s28 =	simm.s32 $0xC000  }
0x13b: {  	[tilespmem:s28], [sflag:$0x2] =	stream.indirect_vreg.gather [hbm4b:s9+s4], $0x80, v3, vm0, $0xb8;
	[tilespmem:$0x11000] =	vst v63  }
0x13c: {  	s28 =	simm.s32 $0xC800  }
0x13d: {  	[tilespmem:s28], [sflag:$0x2] =	stream.indirect_vreg.gather [hbm4b:s10+s4], $0x80, v3, vm0, $0xb8;
	[tilespmem:$0x11000] =	vst v63  }
0x13e: {  	v3 =	vld [tilespmem:$0x910];
	_ =	sdelay $0x4  }
0x13f: {  	v11 =	vshll.u32 v3, $0x3  }
0x140: {  	v3 =	vand.u32 $0x7, v3;
	v4 =	vand.u32 $0xFFFFFFC0, v11  }
0x141: {  	v3 =	vor.u32 v3, v4  }
0x142: {  	v4 =	vperm.xlane v3, v0;
	_ =	sdelay $0x1  }
0x143: {  	v4 =	vadd.s32 v1, v4;
	_ =	sdelay $0x3  }
0x144: {  	s28 =	simm.s32 $0xD000  }
0x145: {  	[tilespmem:s28], [sflag:$0x2] =	stream.indirect_vreg.gather [hbm4b:s3+s4], $0x80, v4, vm0, $0xb8;
	[tilespmem:$0x11000] =	vst v63  }
0x146: {  	v3 =	vperm.xlane v3, v2;
	s28 =	simm.s32 $0xD800  }
0x147: {  	[tilespmem:s28], [sflag:$0x2] =	stream.indirect_vreg.gather [hbm4b:s8+s4], $0x80, v4, vm0, $0xb8;
	[tilespmem:$0x11000] =	vst v63  }
0x148: {  	s20 =	simm.s32 $0xE000;
	v3 =	vadd.s32 v1, v3  }
0x149: {  	[tilespmem:s20], [sflag:$0x2] =	stream.indirect_vreg.gather [hbm4b:s9+s4], $0x80, v4, vm0, $0xb8;
	[tilespmem:$0x11000] =	vst v63  }
0x14a: {  	s21 =	simm.s32 $0xE800  }
0x14b: {  	[tilespmem:s21], [sflag:$0x2] =	stream.indirect_vreg.gather [hbm4b:s10+s4], $0x80, v4, vm0, $0xb8;
	[tilespmem:$0x11000] =	vst v63  }
0x14c: {  	s23 =	simm.s32 $0xF000  }
0x14d: {  	[tilespmem:s23], [sflag:$0x2] =	stream.indirect_vreg.gather [hbm4b:s3+s4], $0x80, v3, vm0, $0xb8;
	[tilespmem:$0x11000] =	vst v63  }
0x14e: {  	s28 =	simm.s32 $0xF800  }
0x14f: {  	[tilespmem:s28], [sflag:$0x2] =	stream.indirect_vreg.gather [hbm4b:s8+s4], $0x80, v3, vm0, $0xb8;
	[tilespmem:$0x11000] =	vst v63  }
0x150: {  	s28 =	simm.s32 $0x10000  }
0x151: {  	[tilespmem:s28], [sflag:$0x2] =	stream.indirect_vreg.gather [hbm4b:s9+s4], $0x80, v3, vm0, $0xb8;
	[tilespmem:$0x11000] =	vst v63  }
0x152: {  	s22 =	simm.s32 $0x10800  }
0x153: {  	[tilespmem:s22], [sflag:$0x2] =	stream.indirect_vreg.gather [hbm4b:s10+s4], $0x80, v3, vm0, $0xb8;
	[tilespmem:$0x11000] =	vst v63  }
0x154: {  	_ =	swait.ge [sflag:s25], $0x8000  }
0x155: {  	[sflag:s25] =	ssyncset.done $0x0  }
0x156: {  	s28 =	rddreg [dreg:$0xb];
	[sflag:s25] =	ssyncadd.s32 $0xFFFF8000  }
0x157: {  	[hbm4b:s28+s4] =	stream.linear.scatter [tilespmem:s24], [sflag:$0x3], $0x8000, $0x38;
	[tilespmem:$0x11000] =	vst v63  }
0x158: {  	_ =	swait.ge [sflag:s12], $0x8000  }
0x159: {  	[sflag:s12] =	ssyncset.done $0x0  }
0x15a: {  	[sflag:s12] =	ssyncadd.s32 $0xFFFF8000  }
0x15b: {  	_ =	swait.ge [sflag:s26], $0x8000  }
0x15c: {  	[sflag:s26] =	ssyncset.done $0x0  }
0x15d: {  	s28 =	rddreg [dreg:$0xc];
	[sflag:s26] =	ssyncadd.s32 $0xFFFF8000  }
0x15e: {  	[hbm4b:s28+s4] =	stream.linear.scatter [tilespmem:s30], [sflag:$0x3], $0x8000, $0x38;
	[tilespmem:$0x11000] =	vst v63  }
0x15f: {  	_ =	swait.ge [sflag:s12], $0x8000  }
0x160: {  	[sflag:s12] =	ssyncset.done $0x0  }
0x161: {  	[sflag:s12] =	ssyncadd.s32 $0xFFFF8000  }
0x162: {  	v3 =	vld [tilespmem:$0x180];
	_ =	sdelay $0x4  }
0x163: {  	v12 =	vshll.u32 v3, $0x3  }
0x164: {  	v3 =	vand.u32 $0x7, v3;
	v4 =	vand.u32 $0xFFFFFFC0, v12  }
0x165: {  	v3 =	vor.u32 v3, v4  }
0x166: {  	v4 =	vperm.xlane v3, v0;
	_ =	sdelay $0x1  }
0x167: {  	v4 =	vadd.s32 v1, v4;
	_ =	sdelay $0x4  }
0x168: {  	[tilespmem:s24], [sflag:$0x1] =	stream.indirect_vreg.gather [hbm4b:s2+s4], $0x80, v4, vm0, $0xb8;
	[tilespmem:$0x11000] =	vst v63  }
0x169: {  	s28 =	simm.s32 $0x1800;
	v3 =	vperm.xlane v3, v2  }
0x16a: {  	[tilespmem:s28], [sflag:$0x1] =	stream.indirect_vreg.gather [hbm4b:s5+s4], $0x80, v4, vm0, $0xb8;
	[tilespmem:$0x11000] =	vst v63  }
0x16b: {  	v3 =	vadd.s32 v1, v3;
	s28 =	simm.s32 $0x2000  }
0x16c: {  	[tilespmem:s28], [sflag:$0x1] =	stream.indirect_vreg.gather [hbm4b:s6+s4], $0x80, v4, vm0, $0xb8;
	[tilespmem:$0x11000] =	vst v63  }
0x16d: {  	s0 =	simm.s32 $0x2800  }
0x16e: {  	[tilespmem:s0], [sflag:$0x1] =	stream.indirect_vreg.gather [hbm4b:s7+s4], $0x80, v4, vm0, $0xb8;
	[tilespmem:$0x11000] =	vst v63  }
0x16f: {  	s1 =	simm.s32 $0x3000  }
0x170: {  	[tilespmem:s1], [sflag:$0x1] =	stream.indirect_vreg.gather [hbm4b:s2+s4], $0x80, v3, vm0, $0xb8;
	[tilespmem:$0x11000] =	vst v63  }
0x171: {  	s11 =	simm.s32 $0x3800  }
0x172: {  	[tilespmem:s11], [sflag:$0x1] =	stream.indirect_vreg.gather [hbm4b:s5+s4], $0x80, v3, vm0, $0xb8;
	[tilespmem:$0x11000] =	vst v63  }
0x173: {  	s13 =	simm.s32 $0x4000  }
0x174: {  	[tilespmem:s13], [sflag:$0x1] =	stream.indirect_vreg.gather [hbm4b:s6+s4], $0x80, v3, vm0, $0xb8;
	[tilespmem:$0x11000] =	vst v63  }
0x175: {  	s28 =	simm.s32 $0x4800  }
0x176: {  	[tilespmem:s28], [sflag:$0x1] =	stream.indirect_vreg.gather [hbm4b:s7+s4], $0x80, v3, vm0, $0xb8;
	[tilespmem:$0x11000] =	vst v63  }
0x177: {  	v3 =	vld [tilespmem:$0x190];
	_ =	sdelay $0x4  }
0x178: {  	v13 =	vshll.u32 v3, $0x3  }
0x179: {  	v3 =	vand.u32 $0x7, v3;
	v4 =	vand.u32 $0xFFFFFFC0, v13  }
0x17a: {  	v3 =	vor.u32 v3, v4  }
0x17b: {  	v4 =	vperm.xlane v3, v0;
	_ =	sdelay $0x1  }
0x17c: {  	v4 =	vadd.s32 v1, v4;
	_ =	sdelay $0x3  }
0x17d: {  	s28 =	simm.s32 $0x5000  }
0x17e: {  	[tilespmem:s28], [sflag:$0x1] =	stream.indirect_vreg.gather [hbm4b:s2+s4], $0x80, v4, vm0, $0xb8;
	[tilespmem:$0x11000] =	vst v63  }
0x17f: {  	v3 =	vperm.xlane v3, v2;
	s28 =	simm.s32 $0x5800  }
0x180: {  	[tilespmem:s28], [sflag:$0x1] =	stream.indirect_vreg.gather [hbm4b:s5+s4], $0x80, v4, vm0, $0xb8;
	[tilespmem:$0x11000] =	vst v63  }
0x181: {  	s14 =	simm.s32 $0x6000;
	v3 =	vadd.s32 v1, v3  }
0x182: {  	[tilespmem:s14], [sflag:$0x1] =	stream.indirect_vreg.gather [hbm4b:s6+s4], $0x80, v4, vm0, $0xb8;
	[tilespmem:$0x11000] =	vst v63  }
0x183: {  	s15 =	simm.s32 $0x6800  }
0x184: {  	[tilespmem:s15], [sflag:$0x1] =	stream.indirect_vreg.gather [hbm4b:s7+s4], $0x80, v4, vm0, $0xb8;
	[tilespmem:$0x11000] =	vst v63  }
0x185: {  	s16 =	simm.s32 $0x7000  }
0x186: {  	[tilespmem:s16], [sflag:$0x1] =	stream.indirect_vreg.gather [hbm4b:s2+s4], $0x80, v3, vm0, $0xb8;
	[tilespmem:$0x11000] =	vst v63  }
0x187: {  	s17 =	simm.s32 $0x7800  }
0x188: {  	[tilespmem:s17], [sflag:$0x1] =	stream.indirect_vreg.gather [hbm4b:s5+s4], $0x80, v3, vm0, $0xb8;
	[tilespmem:$0x11000] =	vst v63  }
0x189: {  	s18 =	simm.s32 $0x8000  }
0x18a: {  	[tilespmem:s18], [sflag:$0x1] =	stream.indirect_vreg.gather [hbm4b:s6+s4], $0x80, v3, vm0, $0xb8;
	[tilespmem:$0x11000] =	vst v63  }
0x18b: {  	s19 =	simm.s32 $0x8800  }
0x18c: {  	[tilespmem:s19], [sflag:$0x1] =	stream.indirect_vreg.gather [hbm4b:s7+s4], $0x80, v3, vm0, $0xb8;
	[tilespmem:$0x11000] =	vst v63  }
0x18d: {  	v3 =	vld [tilespmem:$0x980];
	_ =	sdelay $0x4  }
0x18e: {  	v14 =	vshll.u32 v3, $0x3  }
0x18f: {  	v3 =	vand.u32 $0x7, v3;
	v4 =	vand.u32 $0xFFFFFFC0, v14  }
0x190: {  	v3 =	vor.u32 v3, v4  }
0x191: {  	v4 =	vperm.xlane v3, v0;
	_ =	sdelay $0x1  }
0x192: {  	v4 =	vadd.s32 v1, v4;
	_ =	sdelay $0x4  }
0x193: {  	[tilespmem:s30], [sflag:$0x2] =	stream.indirect_vreg.gather [hbm4b:s3+s4], $0x80, v4, vm0, $0xb8;
	[tilespmem:$0x11000] =	vst v63  }
0x194: {  	s28 =	simm.s32 $0x9800;
	v3 =	vperm.xlane v3, v2  }
0x195: {  	[tilespmem:s28], [sflag:$0x2] =	stream.indirect_vreg.gather [hbm4b:s8+s4], $0x80, v4, vm0, $0xb8;
	[tilespmem:$0x11000] =	vst v63  }
0x196: {  	s29 =	simm.s32 $0xA000;
	v3 =	vadd.s32 v1, v3  }
0x197: {  	[tilespmem:s29], [sflag:$0x2] =	stream.indirect_vreg.gather [hbm4b:s9+s4], $0x80, v4, vm0, $0xb8;
	[tilespmem:$0x11000] =	vst v63  }
0x198: {  	s31 =	simm.s32 $0xA800  }
0x199: {  	[tilespmem:s31], [sflag:$0x2] =	stream.indirect_vreg.gather [hbm4b:s10+s4], $0x80, v4, vm0, $0xb8;
	[tilespmem:$0x11000] =	vst v63  }
0x19a: {  	s28 =	simm.s32 $0xB000  }
0x19b: {  	[tilespmem:s28], [sflag:$0x2] =	stream.indirect_vreg.gather [hbm4b:s3+s4], $0x80, v3, vm0, $0xb8;
	[tilespmem:$0x11000] =	vst v63  }
0x19c: {  	s28 =	simm.s32 $0xB800  }
0x19d: {  	[tilespmem:s28], [sflag:$0x2] =	stream.indirect_vreg.gather [hbm4b:s8+s4], $0x80, v3, vm0, $0xb8;
	[tilespmem:$0x11000] =	vst v63  }
0x19e: {  	s28 =	simm.s32 $0xC000  }
0x19f: {  	[tilespmem:s28], [sflag:$0x2] =	stream.indirect_vreg.gather [hbm4b:s9+s4], $0x80, v3, vm0, $0xb8;
	[tilespmem:$0x11000] =	vst v63  }
0x1a0: {  	s28 =	simm.s32 $0xC800  }
0x1a1: {  	[tilespmem:s28], [sflag:$0x2] =	stream.indirect_vreg.gather [hbm4b:s10+s4], $0x80, v3, vm0, $0xb8;
	[tilespmem:$0x11000] =	vst v63  }
0x1a2: {  	v3 =	vld [tilespmem:$0x990];
	_ =	sdelay $0x4  }
0x1a3: {  	v15 =	vshll.u32 v3, $0x3  }
0x1a4: {  	v3 =	vand.u32 $0x7, v3;
	v4 =	vand.u32 $0xFFFFFFC0, v15  }
0x1a5: {  	v3 =	vor.u32 v3, v4  }
0x1a6: {  	v4 =	vperm.xlane v3, v0;
	_ =	sdelay $0x1  }
0x1a7: {  	v4 =	vadd.s32 v1, v4;
	_ =	sdelay $0x3  }
0x1a8: {  	s28 =	simm.s32 $0xD000  }
0x1a9: {  	[tilespmem:s28], [sflag:$0x2] =	stream.indirect_vreg.gather [hbm4b:s3+s4], $0x80, v4, vm0, $0xb8;
	[tilespmem:$0x11000] =	vst v63  }
0x1aa: {  	v3 =	vperm.xlane v3, v2;
	s28 =	simm.s32 $0xD800  }
0x1ab: {  	[tilespmem:s28], [sflag:$0x2] =	stream.indirect_vreg.gather [hbm4b:s8+s4], $0x80, v4, vm0, $0xb8;
	[tilespmem:$0x11000] =	vst v63  }
0x1ac: {  	s20 =	simm.s32 $0xE000;
	v3 =	vadd.s32 v1, v3  }
0x1ad: {  	[tilespmem:s20], [sflag:$0x2] =	stream.indirect_vreg.gather [hbm4b:s9+s4], $0x80, v4, vm0, $0xb8;
	[tilespmem:$0x11000] =	vst v63  }
0x1ae: {  	s21 =	simm.s32 $0xE800  }
0x1af: {  	[tilespmem:s21], [sflag:$0x2] =	stream.indirect_vreg.gather [hbm4b:s10+s4], $0x80, v4, vm0, $0xb8;
	[tilespmem:$0x11000] =	vst v63  }
0x1b0: {  	s23 =	simm.s32 $0xF000  }
0x1b1: {  	[tilespmem:s23], [sflag:$0x2] =	stream.indirect_vreg.gather [hbm4b:s3+s4], $0x80, v3, vm0, $0xb8;
	[tilespmem:$0x11000] =	vst v63  }
0x1b2: {  	s28 =	simm.s32 $0xF800  }
0x1b3: {  	[tilespmem:s28], [sflag:$0x2] =	stream.indirect_vreg.gather [hbm4b:s8+s4], $0x80, v3, vm0, $0xb8;
	[tilespmem:$0x11000] =	vst v63  }
0x1b4: {  	s28 =	simm.s32 $0x10000  }
0x1b5: {  	[tilespmem:s28], [sflag:$0x2] =	stream.indirect_vreg.gather [hbm4b:s9+s4], $0x80, v3, vm0, $0xb8;
	[tilespmem:$0x11000] =	vst v63  }
0x1b6: {  	s22 =	simm.s32 $0x10800  }
0x1b7: {  	[tilespmem:s22], [sflag:$0x2] =	stream.indirect_vreg.gather [hbm4b:s10+s4], $0x80, v3, vm0, $0xb8;
	[tilespmem:$0x11000] =	vst v63  }
0x1b8: {  	_ =	swait.ge [sflag:s25], $0x8000  }
0x1b9: {  	[sflag:s25] =	ssyncset.done $0x0  }
0x1ba: {  	s28 =	rddreg [dreg:$0xd];
	[sflag:s25] =	ssyncadd.s32 $0xFFFF8000  }
0x1bb: {  	[hbm4b:s28+s4] =	stream.linear.scatter [tilespmem:s24], [sflag:$0x3], $0x8000, $0x38;
	[tilespmem:$0x11000] =	vst v63  }
0x1bc: {  	_ =	swait.ge [sflag:s12], $0x8000  }
0x1bd: {  	[sflag:s12] =	ssyncset.done $0x0  }
0x1be: {  	[sflag:s12] =	ssyncadd.s32 $0xFFFF8000  }
0x1bf: {  	_ =	swait.ge [sflag:s26], $0x8000  }
0x1c0: {  	[sflag:s26] =	ssyncset.done $0x0  }
0x1c1: {  	s28 =	rddreg [dreg:$0xe];
	[sflag:s26] =	ssyncadd.s32 $0xFFFF8000  }
0x1c2: {  	[hbm4b:s28+s4] =	stream.linear.scatter [tilespmem:s30], [sflag:$0x3], $0x8000, $0x38;
	[tilespmem:$0x11000] =	vst v63  }
0x1c3: {  	_ =	swait.ge [sflag:s12], $0x8000  }
0x1c4: {  	[sflag:s12] =	ssyncset.done $0x0  }
0x1c5: {  	[sflag:s12] =	ssyncadd.s32 $0xFFFF8000  }
0x1c6: {  	v3 =	vld [tilespmem:$0x200];
	_ =	sdelay $0x4  }
0x1c7: {  	v16 =	vshll.u32 v3, $0x3  }
0x1c8: {  	v3 =	vand.u32 $0x7, v3;
	v4 =	vand.u32 $0xFFFFFFC0, v16  }
0x1c9: {  	v3 =	vor.u32 v3, v4  }
0x1ca: {  	v4 =	vperm.xlane v3, v0;
	_ =	sdelay $0x1  }
0x1cb: {  	v4 =	vadd.s32 v1, v4;
	_ =	sdelay $0x4  }
0x1cc: {  	[tilespmem:s24], [sflag:$0x1] =	stream.indirect_vreg.gather [hbm4b:s2+s4], $0x80, v4, vm0, $0xb8;
	[tilespmem:$0x11000] =	vst v63  }
0x1cd: {  	s28 =	simm.s32 $0x1800;
	v3 =	vperm.xlane v3, v2  }
0x1ce: {  	[tilespmem:s28], [sflag:$0x1] =	stream.indirect_vreg.gather [hbm4b:s5+s4], $0x80, v4, vm0, $0xb8;
	[tilespmem:$0x11000] =	vst v63  }
0x1cf: {  	v3 =	vadd.s32 v1, v3;
	s28 =	simm.s32 $0x2000  }
0x1d0: {  	[tilespmem:s28], [sflag:$0x1] =	stream.indirect_vreg.gather [hbm4b:s6+s4], $0x80, v4, vm0, $0xb8;
	[tilespmem:$0x11000] =	vst v63  }
0x1d1: {  	s0 =	simm.s32 $0x2800  }
0x1d2: {  	[tilespmem:s0], [sflag:$0x1] =	stream.indirect_vreg.gather [hbm4b:s7+s4], $0x80, v4, vm0, $0xb8;
	[tilespmem:$0x11000] =	vst v63  }
0x1d3: {  	s1 =	simm.s32 $0x3000  }
0x1d4: {  	[tilespmem:s1], [sflag:$0x1] =	stream.indirect_vreg.gather [hbm4b:s2+s4], $0x80, v3, vm0, $0xb8;
	[tilespmem:$0x11000] =	vst v63  }
0x1d5: {  	s11 =	simm.s32 $0x3800  }
0x1d6: {  	[tilespmem:s11], [sflag:$0x1] =	stream.indirect_vreg.gather [hbm4b:s5+s4], $0x80, v3, vm0, $0xb8;
	[tilespmem:$0x11000] =	vst v63  }
0x1d7: {  	s13 =	simm.s32 $0x4000  }
0x1d8: {  	[tilespmem:s13], [sflag:$0x1] =	stream.indirect_vreg.gather [hbm4b:s6+s4], $0x80, v3, vm0, $0xb8;
	[tilespmem:$0x11000] =	vst v63  }
0x1d9: {  	s28 =	simm.s32 $0x4800  }
0x1da: {  	[tilespmem:s28], [sflag:$0x1] =	stream.indirect_vreg.gather [hbm4b:s7+s4], $0x80, v3, vm0, $0xb8;
	[tilespmem:$0x11000] =	vst v63  }
0x1db: {  	v3 =	vld [tilespmem:$0x210];
	_ =	sdelay $0x4  }
0x1dc: {  	v17 =	vshll.u32 v3, $0x3  }
0x1dd: {  	v3 =	vand.u32 $0x7, v3;
	v4 =	vand.u32 $0xFFFFFFC0, v17  }
0x1de: {  	v3 =	vor.u32 v3, v4  }
0x1df: {  	v4 =	vperm.xlane v3, v0;
	_ =	sdelay $0x1  }
0x1e0: {  	v4 =	vadd.s32 v1, v4;
	_ =	sdelay $0x3  }
0x1e1: {  	s28 =	simm.s32 $0x5000  }
0x1e2: {  	[tilespmem:s28], [sflag:$0x1] =	stream.indirect_vreg.gather [hbm4b:s2+s4], $0x80, v4, vm0, $0xb8;
	[tilespmem:$0x11000] =	vst v63  }
0x1e3: {  	v3 =	vperm.xlane v3, v2;
	s28 =	simm.s32 $0x5800  }
0x1e4: {  	[tilespmem:s28], [sflag:$0x1] =	stream.indirect_vreg.gather [hbm4b:s5+s4], $0x80, v4, vm0, $0xb8;
	[tilespmem:$0x11000] =	vst v63  }
0x1e5: {  	s14 =	simm.s32 $0x6000;
	v3 =	vadd.s32 v1, v3  }
0x1e6: {  	[tilespmem:s14], [sflag:$0x1] =	stream.indirect_vreg.gather [hbm4b:s6+s4], $0x80, v4, vm0, $0xb8;
	[tilespmem:$0x11000] =	vst v63  }
0x1e7: {  	s15 =	simm.s32 $0x6800  }
0x1e8: {  	[tilespmem:s15], [sflag:$0x1] =	stream.indirect_vreg.gather [hbm4b:s7+s4], $0x80, v4, vm0, $0xb8;
	[tilespmem:$0x11000] =	vst v63  }
0x1e9: {  	s16 =	simm.s32 $0x7000  }
0x1ea: {  	[tilespmem:s16], [sflag:$0x1] =	stream.indirect_vreg.gather [hbm4b:s2+s4], $0x80, v3, vm0, $0xb8;
	[tilespmem:$0x11000] =	vst v63  }
0x1eb: {  	s17 =	simm.s32 $0x7800  }
0x1ec: {  	[tilespmem:s17], [sflag:$0x1] =	stream.indirect_vreg.gather [hbm4b:s5+s4], $0x80, v3, vm0, $0xb8;
	[tilespmem:$0x11000] =	vst v63  }
0x1ed: {  	s18 =	simm.s32 $0x8000  }
0x1ee: {  	[tilespmem:s18], [sflag:$0x1] =	stream.indirect_vreg.gather [hbm4b:s6+s4], $0x80, v3, vm0, $0xb8;
	[tilespmem:$0x11000] =	vst v63  }
0x1ef: {  	s19 =	simm.s32 $0x8800  }
0x1f0: {  	[tilespmem:s19], [sflag:$0x1] =	stream.indirect_vreg.gather [hbm4b:s7+s4], $0x80, v3, vm0, $0xb8;
	[tilespmem:$0x11000] =	vst v63  }
0x1f1: {  	v3 =	vld [tilespmem:$0xA00];
	_ =	sdelay $0x4  }
0x1f2: {  	v18 =	vshll.u32 v3, $0x3  }
0x1f3: {  	v3 =	vand.u32 $0x7, v3;
	v4 =	vand.u32 $0xFFFFFFC0, v18  }
0x1f4: {  	v3 =	vor.u32 v3, v4  }
0x1f5: {  	v4 =	vperm.xlane v3, v0;
	_ =	sdelay $0x1  }
0x1f6: {  	v4 =	vadd.s32 v1, v4;
	_ =	sdelay $0x4  }
0x1f7: {  	[tilespmem:s30], [sflag:$0x2] =	stream.indirect_vreg.gather [hbm4b:s3+s4], $0x80, v4, vm0, $0xb8;
	[tilespmem:$0x11000] =	vst v63  }
0x1f8: {  	s28 =	simm.s32 $0x9800;
	v3 =	vperm.xlane v3, v2  }
0x1f9: {  	[tilespmem:s28], [sflag:$0x2] =	stream.indirect_vreg.gather [hbm4b:s8+s4], $0x80, v4, vm0, $0xb8;
	[tilespmem:$0x11000] =	vst v63  }
0x1fa: {  	s29 =	simm.s32 $0xA000;
	v3 =	vadd.s32 v1, v3  }
0x1fb: {  	[tilespmem:s29], [sflag:$0x2] =	stream.indirect_vreg.gather [hbm4b:s9+s4], $0x80, v4, vm0, $0xb8;
	[tilespmem:$0x11000] =	vst v63  }
0x1fc: {  	s31 =	simm.s32 $0xA800  }
0x1fd: {  	[tilespmem:s31], [sflag:$0x2] =	stream.indirect_vreg.gather [hbm4b:s10+s4], $0x80, v4, vm0, $0xb8;
	[tilespmem:$0x11000] =	vst v63  }
0x1fe: {  	s28 =	simm.s32 $0xB000  }
0x1ff: {  	[tilespmem:s28], [sflag:$0x2] =	stream.indirect_vreg.gather [hbm4b:s3+s4], $0x80, v3, vm0, $0xb8;
	[tilespmem:$0x11000] =	vst v63  }
0x200: {  	s28 =	simm.s32 $0xB800  }
0x201: {  	[tilespmem:s28], [sflag:$0x2] =	stream.indirect_vreg.gather [hbm4b:s8+s4], $0x80, v3, vm0, $0xb8;
	[tilespmem:$0x11000] =	vst v63  }
0x202: {  	s28 =	simm.s32 $0xC000  }
0x203: {  	[tilespmem:s28], [sflag:$0x2] =	stream.indirect_vreg.gather [hbm4b:s9+s4], $0x80, v3, vm0, $0xb8;
	[tilespmem:$0x11000] =	vst v63  }
0x204: {  	s28 =	simm.s32 $0xC800  }
0x205: {  	[tilespmem:s28], [sflag:$0x2] =	stream.indirect_vreg.gather [hbm4b:s10+s4], $0x80, v3, vm0, $0xb8;
	[tilespmem:$0x11000] =	vst v63  }
0x206: {  	v3 =	vld [tilespmem:$0xA10];
	_ =	sdelay $0x4  }
0x207: {  	v19 =	vshll.u32 v3, $0x3  }
0x208: {  	v3 =	vand.u32 $0x7, v3;
	v4 =	vand.u32 $0xFFFFFFC0, v19  }
0x209: {  	v3 =	vor.u32 v3, v4  }
0x20a: {  	v4 =	vperm.xlane v3, v0;
	_ =	sdelay $0x1  }
0x20b: {  	v4 =	vadd.s32 v1, v4;
	_ =	sdelay $0x3  }
0x20c: {  	s28 =	simm.s32 $0xD000  }
0x20d: {  	[tilespmem:s28], [sflag:$0x2] =	stream.indirect_vreg.gather [hbm4b:s3+s4], $0x80, v4, vm0, $0xb8;
	[tilespmem:$0x11000] =	vst v63  }
0x20e: {  	v3 =	vperm.xlane v3, v2;
	s28 =	simm.s32 $0xD800  }
0x20f: {  	[tilespmem:s28], [sflag:$0x2] =	stream.indirect_vreg.gather [hbm4b:s8+s4], $0x80, v4, vm0, $0xb8;
	[tilespmem:$0x11000] =	vst v63  }
0x210: {  	s20 =	simm.s32 $0xE000;
	v3 =	vadd.s32 v1, v3  }
0x211: {  	[tilespmem:s20], [sflag:$0x2] =	stream.indirect_vreg.gather [hbm4b:s9+s4], $0x80, v4, vm0, $0xb8;
	[tilespmem:$0x11000] =	vst v63  }
0x212: {  	s21 =	simm.s32 $0xE800  }
0x213: {  	[tilespmem:s21], [sflag:$0x2] =	stream.indirect_vreg.gather [hbm4b:s10+s4], $0x80, v4, vm0, $0xb8;
	[tilespmem:$0x11000] =	vst v63  }
0x214: {  	s23 =	simm.s32 $0xF000  }
0x215: {  	[tilespmem:s23], [sflag:$0x2] =	stream.indirect_vreg.gather [hbm4b:s3+s4], $0x80, v3, vm0, $0xb8;
	[tilespmem:$0x11000] =	vst v63  }
0x216: {  	s28 =	simm.s32 $0xF800  }
0x217: {  	[tilespmem:s28], [sflag:$0x2] =	stream.indirect_vreg.gather [hbm4b:s8+s4], $0x80, v3, vm0, $0xb8;
	[tilespmem:$0x11000] =	vst v63  }
0x218: {  	s28 =	simm.s32 $0x10000  }
0x219: {  	[tilespmem:s28], [sflag:$0x2] =	stream.indirect_vreg.gather [hbm4b:s9+s4], $0x80, v3, vm0, $0xb8;
	[tilespmem:$0x11000] =	vst v63  }
0x21a: {  	s22 =	simm.s32 $0x10800  }
0x21b: {  	[tilespmem:s22], [sflag:$0x2] =	stream.indirect_vreg.gather [hbm4b:s10+s4], $0x80, v3, vm0, $0xb8;
	[tilespmem:$0x11000] =	vst v63  }
0x21c: {  	_ =	swait.ge [sflag:s25], $0x8000  }
0x21d: {  	[sflag:s25] =	ssyncset.done $0x0  }
0x21e: {  	s28 =	rddreg [dreg:$0xf];
	[sflag:s25] =	ssyncadd.s32 $0xFFFF8000  }
0x21f: {  	[hbm4b:s28+s4] =	stream.linear.scatter [tilespmem:s24], [sflag:$0x3], $0x8000, $0x38;
	[tilespmem:$0x11000] =	vst v63  }
0x220: {  	_ =	swait.ge [sflag:s12], $0x8000  }
0x221: {  	[sflag:s12] =	ssyncset.done $0x0  }
0x222: {  	[sflag:s12] =	ssyncadd.s32 $0xFFFF8000  }
0x223: {  	_ =	swait.ge [sflag:s26], $0x8000  }
0x224: {  	[sflag:s26] =	ssyncset.done $0x0  }
0x225: {  	s28 =	rddreg [dreg:$0x10];
	[sflag:s26] =	ssyncadd.s32 $0xFFFF8000  }
0x226: {  	[hbm4b:s28+s4] =	stream.linear.scatter [tilespmem:s30], [sflag:$0x3], $0x8000, $0x38;
	[tilespmem:$0x11000] =	vst v63  }
0x227: {  	_ =	swait.ge [sflag:s12], $0x8000  }
0x228: {  	[sflag:s12] =	ssyncset.done $0x0  }
0x229: {  	[sflag:s12] =	ssyncadd.s32 $0xFFFF8000  }
0x22a: {  	v3 =	vld [tilespmem:$0x280];
	_ =	sdelay $0x4  }
0x22b: {  	v20 =	vshll.u32 v3, $0x3  }
0x22c: {  	v3 =	vand.u32 $0x7, v3;
	v4 =	vand.u32 $0xFFFFFFC0, v20  }
0x22d: {  	v3 =	vor.u32 v3, v4  }
0x22e: {  	v4 =	vperm.xlane v3, v0;
	_ =	sdelay $0x1  }
0x22f: {  	v4 =	vadd.s32 v1, v4;
	_ =	sdelay $0x4  }
0x230: {  	[tilespmem:s24], [sflag:$0x1] =	stream.indirect_vreg.gather [hbm4b:s2+s4], $0x80, v4, vm0, $0xb8;
	[tilespmem:$0x11000] =	vst v63  }
0x231: {  	s28 =	simm.s32 $0x1800;
	v3 =	vperm.xlane v3, v2  }
0x232: {  	[tilespmem:s28], [sflag:$0x1] =	stream.indirect_vreg.gather [hbm4b:s5+s4], $0x80, v4, vm0, $0xb8;
	[tilespmem:$0x11000] =	vst v63  }
0x233: {  	v3 =	vadd.s32 v1, v3;
	s28 =	simm.s32 $0x2000  }
0x234: {  	[tilespmem:s28], [sflag:$0x1] =	stream.indirect_vreg.gather [hbm4b:s6+s4], $0x80, v4, vm0, $0xb8;
	[tilespmem:$0x11000] =	vst v63  }
0x235: {  	s0 =	simm.s32 $0x2800  }
0x236: {  	[tilespmem:s0], [sflag:$0x1] =	stream.indirect_vreg.gather [hbm4b:s7+s4], $0x80, v4, vm0, $0xb8;
	[tilespmem:$0x11000] =	vst v63  }
0x237: {  	s1 =	simm.s32 $0x3000  }
0x238: {  	[tilespmem:s1], [sflag:$0x1] =	stream.indirect_vreg.gather [hbm4b:s2+s4], $0x80, v3, vm0, $0xb8;
	[tilespmem:$0x11000] =	vst v63  }
0x239: {  	s11 =	simm.s32 $0x3800  }
0x23a: {  	[tilespmem:s11], [sflag:$0x1] =	stream.indirect_vreg.gather [hbm4b:s5+s4], $0x80, v3, vm0, $0xb8;
	[tilespmem:$0x11000] =	vst v63  }
0x23b: {  	s13 =	simm.s32 $0x4000  }
0x23c: {  	[tilespmem:s13], [sflag:$0x1] =	stream.indirect_vreg.gather [hbm4b:s6+s4], $0x80, v3, vm0, $0xb8;
	[tilespmem:$0x11000] =	vst v63  }
0x23d: {  	s28 =	simm.s32 $0x4800  }
0x23e: {  	[tilespmem:s28], [sflag:$0x1] =	stream.indirect_vreg.gather [hbm4b:s7+s4], $0x80, v3, vm0, $0xb8;
	[tilespmem:$0x11000] =	vst v63  }
0x23f: {  	v3 =	vld [tilespmem:$0x290];
	_ =	sdelay $0x4  }
0x240: {  	v21 =	vshll.u32 v3, $0x3  }
0x241: {  	v3 =	vand.u32 $0x7, v3;
	v4 =	vand.u32 $0xFFFFFFC0, v21  }
0x242: {  	v3 =	vor.u32 v3, v4  }
0x243: {  	v4 =	vperm.xlane v3, v0;
	_ =	sdelay $0x1  }
0x244: {  	v4 =	vadd.s32 v1, v4;
	_ =	sdelay $0x3  }
0x245: {  	s28 =	simm.s32 $0x5000  }
0x246: {  	[tilespmem:s28], [sflag:$0x1] =	stream.indirect_vreg.gather [hbm4b:s2+s4], $0x80, v4, vm0, $0xb8;
	[tilespmem:$0x11000] =	vst v63  }
0x247: {  	v3 =	vperm.xlane v3, v2;
	s28 =	simm.s32 $0x5800  }
0x248: {  	[tilespmem:s28], [sflag:$0x1] =	stream.indirect_vreg.gather [hbm4b:s5+s4], $0x80, v4, vm0, $0xb8;
	[tilespmem:$0x11000] =	vst v63  }
0x249: {  	s14 =	simm.s32 $0x6000;
	v3 =	vadd.s32 v1, v3  }
0x24a: {  	[tilespmem:s14], [sflag:$0x1] =	stream.indirect_vreg.gather [hbm4b:s6+s4], $0x80, v4, vm0, $0xb8;
	[tilespmem:$0x11000] =	vst v63  }
0x24b: {  	s15 =	simm.s32 $0x6800  }
0x24c: {  	[tilespmem:s15], [sflag:$0x1] =	stream.indirect_vreg.gather [hbm4b:s7+s4], $0x80, v4, vm0, $0xb8;
	[tilespmem:$0x11000] =	vst v63  }
0x24d: {  	s16 =	simm.s32 $0x7000  }
0x24e: {  	[tilespmem:s16], [sflag:$0x1] =	stream.indirect_vreg.gather [hbm4b:s2+s4], $0x80, v3, vm0, $0xb8;
	[tilespmem:$0x11000] =	vst v63  }
0x24f: {  	s17 =	simm.s32 $0x7800  }
0x250: {  	[tilespmem:s17], [sflag:$0x1] =	stream.indirect_vreg.gather [hbm4b:s5+s4], $0x80, v3, vm0, $0xb8;
	[tilespmem:$0x11000] =	vst v63  }
0x251: {  	s18 =	simm.s32 $0x8000  }
0x252: {  	[tilespmem:s18], [sflag:$0x1] =	stream.indirect_vreg.gather [hbm4b:s6+s4], $0x80, v3, vm0, $0xb8;
	[tilespmem:$0x11000] =	vst v63  }
0x253: {  	s19 =	simm.s32 $0x8800  }
0x254: {  	[tilespmem:s19], [sflag:$0x1] =	stream.indirect_vreg.gather [hbm4b:s7+s4], $0x80, v3, vm0, $0xb8;
	[tilespmem:$0x11000] =	vst v63  }
0x255: {  	v3 =	vld [tilespmem:$0xA80];
	_ =	sdelay $0x4  }
0x256: {  	v22 =	vshll.u32 v3, $0x3  }
0x257: {  	v3 =	vand.u32 $0x7, v3;
	v4 =	vand.u32 $0xFFFFFFC0, v22  }
0x258: {  	v3 =	vor.u32 v3, v4  }
0x259: {  	v4 =	vperm.xlane v3, v0;
	_ =	sdelay $0x1  }
0x25a: {  	v4 =	vadd.s32 v1, v4;
	_ =	sdelay $0x4  }
0x25b: {  	[tilespmem:s30], [sflag:$0x2] =	stream.indirect_vreg.gather [hbm4b:s3+s4], $0x80, v4, vm0, $0xb8;
	[tilespmem:$0x11000] =	vst v63  }
0x25c: {  	s28 =	simm.s32 $0x9800;
	v3 =	vperm.xlane v3, v2  }
0x25d: {  	[tilespmem:s28], [sflag:$0x2] =	stream.indirect_vreg.gather [hbm4b:s8+s4], $0x80, v4, vm0, $0xb8;
	[tilespmem:$0x11000] =	vst v63  }
0x25e: {  	s29 =	simm.s32 $0xA000;
	v3 =	vadd.s32 v1, v3  }
0x25f: {  	[tilespmem:s29], [sflag:$0x2] =	stream.indirect_vreg.gather [hbm4b:s9+s4], $0x80, v4, vm0, $0xb8;
	[tilespmem:$0x11000] =	vst v63  }
0x260: {  	s31 =	simm.s32 $0xA800  }
0x261: {  	[tilespmem:s31], [sflag:$0x2] =	stream.indirect_vreg.gather [hbm4b:s10+s4], $0x80, v4, vm0, $0xb8;
	[tilespmem:$0x11000] =	vst v63  }
0x262: {  	s28 =	simm.s32 $0xB000  }
0x263: {  	[tilespmem:s28], [sflag:$0x2] =	stream.indirect_vreg.gather [hbm4b:s3+s4], $0x80, v3, vm0, $0xb8;
	[tilespmem:$0x11000] =	vst v63  }
0x264: {  	s28 =	simm.s32 $0xB800  }
0x265: {  	[tilespmem:s28], [sflag:$0x2] =	stream.indirect_vreg.gather [hbm4b:s8+s4], $0x80, v3, vm0, $0xb8;
	[tilespmem:$0x11000] =	vst v63  }
0x266: {  	s28 =	simm.s32 $0xC000  }
0x267: {  	[tilespmem:s28], [sflag:$0x2] =	stream.indirect_vreg.gather [hbm4b:s9+s4], $0x80, v3, vm0, $0xb8;
	[tilespmem:$0x11000] =	vst v63  }
0x268: {  	s28 =	simm.s32 $0xC800  }
0x269: {  	[tilespmem:s28], [sflag:$0x2] =	stream.indirect_vreg.gather [hbm4b:s10+s4], $0x80, v3, vm0, $0xb8;
	[tilespmem:$0x11000] =	vst v63  }
0x26a: {  	v3 =	vld [tilespmem:$0xA90];
	_ =	sdelay $0x4  }
0x26b: {  	v23 =	vshll.u32 v3, $0x3  }
0x26c: {  	v3 =	vand.u32 $0x7, v3;
	v4 =	vand.u32 $0xFFFFFFC0, v23  }
0x26d: {  	v3 =	vor.u32 v3, v4  }
0x26e: {  	v4 =	vperm.xlane v3, v0;
	_ =	sdelay $0x1  }
0x26f: {  	v4 =	vadd.s32 v1, v4;
	_ =	sdelay $0x3  }
0x270: {  	s28 =	simm.s32 $0xD000  }
0x271: {  	[tilespmem:s28], [sflag:$0x2] =	stream.indirect_vreg.gather [hbm4b:s3+s4], $0x80, v4, vm0, $0xb8;
	[tilespmem:$0x11000] =	vst v63  }
0x272: {  	v3 =	vperm.xlane v3, v2;
	s28 =	simm.s32 $0xD800  }
0x273: {  	[tilespmem:s28], [sflag:$0x2] =	stream.indirect_vreg.gather [hbm4b:s8+s4], $0x80, v4, vm0, $0xb8;
	[tilespmem:$0x11000] =	vst v63  }
0x274: {  	s20 =	simm.s32 $0xE000;
	v3 =	vadd.s32 v1, v3  }
0x275: {  	[tilespmem:s20], [sflag:$0x2] =	stream.indirect_vreg.gather [hbm4b:s9+s4], $0x80, v4, vm0, $0xb8;
	[tilespmem:$0x11000] =	vst v63  }
0x276: {  	s21 =	simm.s32 $0xE800  }
0x277: {  	[tilespmem:s21], [sflag:$0x2] =	stream.indirect_vreg.gather [hbm4b:s10+s4], $0x80, v4, vm0, $0xb8;
	[tilespmem:$0x11000] =	vst v63  }
0x278: {  	s23 =	simm.s32 $0xF000  }
0x279: {  	[tilespmem:s23], [sflag:$0x2] =	stream.indirect_vreg.gather [hbm4b:s3+s4], $0x80, v3, vm0, $0xb8;
	[tilespmem:$0x11000] =	vst v63  }
0x27a: {  	s28 =	simm.s32 $0xF800  }
0x27b: {  	[tilespmem:s28], [sflag:$0x2] =	stream.indirect_vreg.gather [hbm4b:s8+s4], $0x80, v3, vm0, $0xb8;
	[tilespmem:$0x11000] =	vst v63  }
0x27c: {  	s28 =	simm.s32 $0x10000  }
0x27d: {  	[tilespmem:s28], [sflag:$0x2] =	stream.indirect_vreg.gather [hbm4b:s9+s4], $0x80, v3, vm0, $0xb8;
	[tilespmem:$0x11000] =	vst v63  }
0x27e: {  	s22 =	simm.s32 $0x10800  }
0x27f: {  	[tilespmem:s22], [sflag:$0x2] =	stream.indirect_vreg.gather [hbm4b:s10+s4], $0x80, v3, vm0, $0xb8;
	[tilespmem:$0x11000] =	vst v63  }
0x280: {  	_ =	swait.ge [sflag:s25], $0x8000  }
0x281: {  	[sflag:s25] =	ssyncset.done $0x0  }
0x282: {  	s28 =	rddreg [dreg:$0x11];
	[sflag:s25] =	ssyncadd.s32 $0xFFFF8000  }
0x283: {  	[hbm4b:s28+s4] =	stream.linear.scatter [tilespmem:s24], [sflag:$0x3], $0x8000, $0x38;
	[tilespmem:$0x11000] =	vst v63  }
0x284: {  	_ =	swait.ge [sflag:s12], $0x8000  }
0x285: {  	[sflag:s12] =	ssyncset.done $0x0  }
0x286: {  	[sflag:s12] =	ssyncadd.s32 $0xFFFF8000  }
0x287: {  	_ =	swait.ge [sflag:s26], $0x8000  }
0x288: {  	[sflag:s26] =	ssyncset.done $0x0  }
0x289: {  	s28 =	rddreg [dreg:$0x12];
	[sflag:s26] =	ssyncadd.s32 $0xFFFF8000  }
0x28a: {  	[hbm4b:s28+s4] =	stream.linear.scatter [tilespmem:s30], [sflag:$0x3], $0x8000, $0x38;
	[tilespmem:$0x11000] =	vst v63  }
0x28b: {  	_ =	swait.ge [sflag:s12], $0x8000  }
0x28c: {  	[sflag:s12] =	ssyncset.done $0x0  }
0x28d: {  	[sflag:s12] =	ssyncadd.s32 $0xFFFF8000  }
0x28e: {  	v3 =	vld [tilespmem:$0x300];
	_ =	sdelay $0x4  }
0x28f: {  	v24 =	vshll.u32 v3, $0x3  }
0x290: {  	v3 =	vand.u32 $0x7, v3;
	v4 =	vand.u32 $0xFFFFFFC0, v24  }
0x291: {  	v3 =	vor.u32 v3, v4  }
0x292: {  	v4 =	vperm.xlane v3, v0;
	_ =	sdelay $0x1  }
0x293: {  	v4 =	vadd.s32 v1, v4;
	_ =	sdelay $0x4  }
0x294: {  	[tilespmem:s24], [sflag:$0x1] =	stream.indirect_vreg.gather [hbm4b:s2+s4], $0x80, v4, vm0, $0xb8;
	[tilespmem:$0x11000] =	vst v63  }
0x295: {  	s28 =	simm.s32 $0x1800;
	v3 =	vperm.xlane v3, v2  }
0x296: {  	[tilespmem:s28], [sflag:$0x1] =	stream.indirect_vreg.gather [hbm4b:s5+s4], $0x80, v4, vm0, $0xb8;
	[tilespmem:$0x11000] =	vst v63  }
0x297: {  	v3 =	vadd.s32 v1, v3;
	s28 =	simm.s32 $0x2000  }
0x298: {  	[tilespmem:s28], [sflag:$0x1] =	stream.indirect_vreg.gather [hbm4b:s6+s4], $0x80, v4, vm0, $0xb8;
	[tilespmem:$0x11000] =	vst v63  }
0x299: {  	s0 =	simm.s32 $0x2800  }
0x29a: {  	[tilespmem:s0], [sflag:$0x1] =	stream.indirect_vreg.gather [hbm4b:s7+s4], $0x80, v4, vm0, $0xb8;
	[tilespmem:$0x11000] =	vst v63  }
0x29b: {  	s1 =	simm.s32 $0x3000  }
0x29c: {  	[tilespmem:s1], [sflag:$0x1] =	stream.indirect_vreg.gather [hbm4b:s2+s4], $0x80, v3, vm0, $0xb8;
	[tilespmem:$0x11000] =	vst v63  }
0x29d: {  	s11 =	simm.s32 $0x3800  }
0x29e: {  	[tilespmem:s11], [sflag:$0x1] =	stream.indirect_vreg.gather [hbm4b:s5+s4], $0x80, v3, vm0, $0xb8;
	[tilespmem:$0x11000] =	vst v63  }
0x29f: {  	s13 =	simm.s32 $0x4000  }
0x2a0: {  	[tilespmem:s13], [sflag:$0x1] =	stream.indirect_vreg.gather [hbm4b:s6+s4], $0x80, v3, vm0, $0xb8;
	[tilespmem:$0x11000] =	vst v63  }
0x2a1: {  	s28 =	simm.s32 $0x4800  }
0x2a2: {  	[tilespmem:s28], [sflag:$0x1] =	stream.indirect_vreg.gather [hbm4b:s7+s4], $0x80, v3, vm0, $0xb8;
	[tilespmem:$0x11000] =	vst v63  }
0x2a3: {  	v3 =	vld [tilespmem:$0x310];
	_ =	sdelay $0x4  }
0x2a4: {  	v25 =	vshll.u32 v3, $0x3  }
0x2a5: {  	v3 =	vand.u32 $0x7, v3;
	v4 =	vand.u32 $0xFFFFFFC0, v25  }
0x2a6: {  	v3 =	vor.u32 v3, v4  }
0x2a7: {  	v4 =	vperm.xlane v3, v0;
	_ =	sdelay $0x1  }
0x2a8: {  	v4 =	vadd.s32 v1, v4;
	_ =	sdelay $0x3  }
0x2a9: {  	s28 =	simm.s32 $0x5000  }
0x2aa: {  	[tilespmem:s28], [sflag:$0x1] =	stream.indirect_vreg.gather [hbm4b:s2+s4], $0x80, v4, vm0, $0xb8;
	[tilespmem:$0x11000] =	vst v63  }
0x2ab: {  	v3 =	vperm.xlane v3, v2;
	s28 =	simm.s32 $0x5800  }
0x2ac: {  	[tilespmem:s28], [sflag:$0x1] =	stream.indirect_vreg.gather [hbm4b:s5+s4], $0x80, v4, vm0, $0xb8;
	[tilespmem:$0x11000] =	vst v63  }
0x2ad: {  	s14 =	simm.s32 $0x6000;
	v3 =	vadd.s32 v1, v3  }
0x2ae: {  	[tilespmem:s14], [sflag:$0x1] =	stream.indirect_vreg.gather [hbm4b:s6+s4], $0x80, v4, vm0, $0xb8;
	[tilespmem:$0x11000] =	vst v63  }
0x2af: {  	s15 =	simm.s32 $0x6800  }
0x2b0: {  	[tilespmem:s15], [sflag:$0x1] =	stream.indirect_vreg.gather [hbm4b:s7+s4], $0x80, v4, vm0, $0xb8;
	[tilespmem:$0x11000] =	vst v63  }
0x2b1: {  	s16 =	simm.s32 $0x7000  }
0x2b2: {  	[tilespmem:s16], [sflag:$0x1] =	stream.indirect_vreg.gather [hbm4b:s2+s4], $0x80, v3, vm0, $0xb8;
	[tilespmem:$0x11000] =	vst v63  }
0x2b3: {  	s17 =	simm.s32 $0x7800  }
0x2b4: {  	[tilespmem:s17], [sflag:$0x1] =	stream.indirect_vreg.gather [hbm4b:s5+s4], $0x80, v3, vm0, $0xb8;
	[tilespmem:$0x11000] =	vst v63  }
0x2b5: {  	s18 =	simm.s32 $0x8000  }
0x2b6: {  	[tilespmem:s18], [sflag:$0x1] =	stream.indirect_vreg.gather [hbm4b:s6+s4], $0x80, v3, vm0, $0xb8;
	[tilespmem:$0x11000] =	vst v63  }
0x2b7: {  	s19 =	simm.s32 $0x8800  }
0x2b8: {  	[tilespmem:s19], [sflag:$0x1] =	stream.indirect_vreg.gather [hbm4b:s7+s4], $0x80, v3, vm0, $0xb8;
	[tilespmem:$0x11000] =	vst v63  }
0x2b9: {  	v3 =	vld [tilespmem:$0xB00];
	_ =	sdelay $0x4  }
0x2ba: {  	v26 =	vshll.u32 v3, $0x3  }
0x2bb: {  	v3 =	vand.u32 $0x7, v3;
	v4 =	vand.u32 $0xFFFFFFC0, v26  }
0x2bc: {  	v3 =	vor.u32 v3, v4  }
0x2bd: {  	v4 =	vperm.xlane v3, v0;
	_ =	sdelay $0x1  }
0x2be: {  	v4 =	vadd.s32 v1, v4;
	_ =	sdelay $0x4  }
0x2bf: {  	[tilespmem:s30], [sflag:$0x2] =	stream.indirect_vreg.gather [hbm4b:s3+s4], $0x80, v4, vm0, $0xb8;
	[tilespmem:$0x11000] =	vst v63  }
0x2c0: {  	s28 =	simm.s32 $0x9800;
	v3 =	vperm.xlane v3, v2  }
0x2c1: {  	[tilespmem:s28], [sflag:$0x2] =	stream.indirect_vreg.gather [hbm4b:s8+s4], $0x80, v4, vm0, $0xb8;
	[tilespmem:$0x11000] =	vst v63  }
0x2c2: {  	s29 =	simm.s32 $0xA000;
	v3 =	vadd.s32 v1, v3  }
0x2c3: {  	[tilespmem:s29], [sflag:$0x2] =	stream.indirect_vreg.gather [hbm4b:s9+s4], $0x80, v4, vm0, $0xb8;
	[tilespmem:$0x11000] =	vst v63  }
0x2c4: {  	s31 =	simm.s32 $0xA800  }
0x2c5: {  	[tilespmem:s31], [sflag:$0x2] =	stream.indirect_vreg.gather [hbm4b:s10+s4], $0x80, v4, vm0, $0xb8;
	[tilespmem:$0x11000] =	vst v63  }
0x2c6: {  	s28 =	simm.s32 $0xB000  }
0x2c7: {  	[tilespmem:s28], [sflag:$0x2] =	stream.indirect_vreg.gather [hbm4b:s3+s4], $0x80, v3, vm0, $0xb8;
	[tilespmem:$0x11000] =	vst v63  }
0x2c8: {  	s28 =	simm.s32 $0xB800  }
0x2c9: {  	[tilespmem:s28], [sflag:$0x2] =	stream.indirect_vreg.gather [hbm4b:s8+s4], $0x80, v3, vm0, $0xb8;
	[tilespmem:$0x11000] =	vst v63  }
0x2ca: {  	s28 =	simm.s32 $0xC000  }
0x2cb: {  	[tilespmem:s28], [sflag:$0x2] =	stream.indirect_vreg.gather [hbm4b:s9+s4], $0x80, v3, vm0, $0xb8;
	[tilespmem:$0x11000] =	vst v63  }
0x2cc: {  	s28 =	simm.s32 $0xC800  }
0x2cd: {  	[tilespmem:s28], [sflag:$0x2] =	stream.indirect_vreg.gather [hbm4b:s10+s4], $0x80, v3, vm0, $0xb8;
	[tilespmem:$0x11000] =	vst v63  }
0x2ce: {  	v3 =	vld [tilespmem:$0xB10];
	_ =	sdelay $0x4  }
0x2cf: {  	v27 =	vshll.u32 v3, $0x3  }
0x2d0: {  	v3 =	vand.u32 $0x7, v3;
	v4 =	vand.u32 $0xFFFFFFC0, v27  }
0x2d1: {  	v3 =	vor.u32 v3, v4  }
0x2d2: {  	v4 =	vperm.xlane v3, v0;
	_ =	sdelay $0x1  }
0x2d3: {  	v4 =	vadd.s32 v1, v4;
	_ =	sdelay $0x3  }
0x2d4: {  	s28 =	simm.s32 $0xD000  }
0x2d5: {  	[tilespmem:s28], [sflag:$0x2] =	stream.indirect_vreg.gather [hbm4b:s3+s4], $0x80, v4, vm0, $0xb8;
	[tilespmem:$0x11000] =	vst v63  }
0x2d6: {  	v3 =	vperm.xlane v3, v2;
	s28 =	simm.s32 $0xD800  }
0x2d7: {  	[tilespmem:s28], [sflag:$0x2] =	stream.indirect_vreg.gather [hbm4b:s8+s4], $0x80, v4, vm0, $0xb8;
	[tilespmem:$0x11000] =	vst v63  }
0x2d8: {  	s20 =	simm.s32 $0xE000;
	v3 =	vadd.s32 v1, v3  }
0x2d9: {  	[tilespmem:s20], [sflag:$0x2] =	stream.indirect_vreg.gather [hbm4b:s9+s4], $0x80, v4, vm0, $0xb8;
	[tilespmem:$0x11000] =	vst v63  }
0x2da: {  	s21 =	simm.s32 $0xE800  }
0x2db: {  	[tilespmem:s21], [sflag:$0x2] =	stream.indirect_vreg.gather [hbm4b:s10+s4], $0x80, v4, vm0, $0xb8;
	[tilespmem:$0x11000] =	vst v63  }
0x2dc: {  	s23 =	simm.s32 $0xF000  }
0x2dd: {  	[tilespmem:s23], [sflag:$0x2] =	stream.indirect_vreg.gather [hbm4b:s3+s4], $0x80, v3, vm0, $0xb8;
	[tilespmem:$0x11000] =	vst v63  }
0x2de: {  	s28 =	simm.s32 $0xF800  }
0x2df: {  	[tilespmem:s28], [sflag:$0x2] =	stream.indirect_vreg.gather [hbm4b:s8+s4], $0x80, v3, vm0, $0xb8;
	[tilespmem:$0x11000] =	vst v63  }
0x2e0: {  	s28 =	simm.s32 $0x10000  }
0x2e1: {  	[tilespmem:s28], [sflag:$0x2] =	stream.indirect_vreg.gather [hbm4b:s9+s4], $0x80, v3, vm0, $0xb8;
	[tilespmem:$0x11000] =	vst v63  }
0x2e2: {  	s22 =	simm.s32 $0x10800  }
0x2e3: {  	[tilespmem:s22], [sflag:$0x2] =	stream.indirect_vreg.gather [hbm4b:s10+s4], $0x80, v3, vm0, $0xb8;
	[tilespmem:$0x11000] =	vst v63  }
0x2e4: {  	_ =	swait.ge [sflag:s25], $0x8000  }
0x2e5: {  	[sflag:s25] =	ssyncset.done $0x0  }
0x2e6: {  	s28 =	rddreg [dreg:$0x13];
	[sflag:s25] =	ssyncadd.s32 $0xFFFF8000  }
0x2e7: {  	[hbm4b:s28+s4] =	stream.linear.scatter [tilespmem:s24], [sflag:$0x3], $0x8000, $0x38;
	[tilespmem:$0x11000] =	vst v63  }
0x2e8: {  	_ =	swait.ge [sflag:s12], $0x8000  }
0x2e9: {  	[sflag:s12] =	ssyncset.done $0x0  }
0x2ea: {  	[sflag:s12] =	ssyncadd.s32 $0xFFFF8000  }
0x2eb: {  	_ =	swait.ge [sflag:s26], $0x8000  }
0x2ec: {  	[sflag:s26] =	ssyncset.done $0x0  }
0x2ed: {  	s28 =	rddreg [dreg:$0x14];
	[sflag:s26] =	ssyncadd.s32 $0xFFFF8000  }
0x2ee: {  	[hbm4b:s28+s4] =	stream.linear.scatter [tilespmem:s30], [sflag:$0x3], $0x8000, $0x38;
	[tilespmem:$0x11000] =	vst v63  }
0x2ef: {  	_ =	swait.ge [sflag:s12], $0x8000  }
0x2f0: {  	[sflag:s12] =	ssyncset.done $0x0  }
0x2f1: {  	[sflag:s12] =	ssyncadd.s32 $0xFFFF8000  }
0x2f2: {  	v3 =	vld [tilespmem:$0x380];
	_ =	sdelay $0x4  }
0x2f3: {  	v28 =	vshll.u32 v3, $0x3  }
0x2f4: {  	v3 =	vand.u32 $0x7, v3;
	v4 =	vand.u32 $0xFFFFFFC0, v28  }
0x2f5: {  	v3 =	vor.u32 v3, v4  }
0x2f6: {  	v4 =	vperm.xlane v3, v0;
	_ =	sdelay $0x1  }
0x2f7: {  	v4 =	vadd.s32 v1, v4;
	_ =	sdelay $0x4  }
0x2f8: {  	[tilespmem:s24], [sflag:$0x1] =	stream.indirect_vreg.gather [hbm4b:s2+s4], $0x80, v4, vm0, $0xb8;
	[tilespmem:$0x11000] =	vst v63  }
0x2f9: {  	s28 =	simm.s32 $0x1800;
	v3 =	vperm.xlane v3, v2  }
0x2fa: {  	[tilespmem:s28], [sflag:$0x1] =	stream.indirect_vreg.gather [hbm4b:s5+s4], $0x80, v4, vm0, $0xb8;
	[tilespmem:$0x11000] =	vst v63  }
0x2fb: {  	v3 =	vadd.s32 v1, v3;
	s28 =	simm.s32 $0x2000  }
0x2fc: {  	[tilespmem:s28], [sflag:$0x1] =	stream.indirect_vreg.gather [hbm4b:s6+s4], $0x80, v4, vm0, $0xb8;
	[tilespmem:$0x11000] =	vst v63  }
0x2fd: {  	s0 =	simm.s32 $0x2800  }
0x2fe: {  	[tilespmem:s0], [sflag:$0x1] =	stream.indirect_vreg.gather [hbm4b:s7+s4], $0x80, v4, vm0, $0xb8;
	[tilespmem:$0x11000] =	vst v63  }
0x2ff: {  	s1 =	simm.s32 $0x3000  }
0x300: {  	[tilespmem:s1], [sflag:$0x1] =	stream.indirect_vreg.gather [hbm4b:s2+s4], $0x80, v3, vm0, $0xb8;
	[tilespmem:$0x11000] =	vst v63  }
0x301: {  	s11 =	simm.s32 $0x3800  }
0x302: {  	[tilespmem:s11], [sflag:$0x1] =	stream.indirect_vreg.gather [hbm4b:s5+s4], $0x80, v3, vm0, $0xb8;
	[tilespmem:$0x11000] =	vst v63  }
0x303: {  	s13 =	simm.s32 $0x4000  }
0x304: {  	[tilespmem:s13], [sflag:$0x1] =	stream.indirect_vreg.gather [hbm4b:s6+s4], $0x80, v3, vm0, $0xb8;
	[tilespmem:$0x11000] =	vst v63  }
0x305: {  	s28 =	simm.s32 $0x4800  }
0x306: {  	[tilespmem:s28], [sflag:$0x1] =	stream.indirect_vreg.gather [hbm4b:s7+s4], $0x80, v3, vm0, $0xb8;
	[tilespmem:$0x11000] =	vst v63  }
0x307: {  	v3 =	vld [tilespmem:$0x390];
	_ =	sdelay $0x4  }
0x308: {  	v29 =	vshll.u32 v3, $0x3  }
0x309: {  	v3 =	vand.u32 $0x7, v3;
	v4 =	vand.u32 $0xFFFFFFC0, v29  }
0x30a: {  	v3 =	vor.u32 v3, v4  }
0x30b: {  	v4 =	vperm.xlane v3, v0;
	_ =	sdelay $0x1  }
0x30c: {  	v4 =	vadd.s32 v1, v4;
	_ =	sdelay $0x3  }
0x30d: {  	s28 =	simm.s32 $0x5000  }
0x30e: {  	[tilespmem:s28], [sflag:$0x1] =	stream.indirect_vreg.gather [hbm4b:s2+s4], $0x80, v4, vm0, $0xb8;
	[tilespmem:$0x11000] =	vst v63  }
0x30f: {  	v3 =	vperm.xlane v3, v2;
	s28 =	simm.s32 $0x5800  }
0x310: {  	[tilespmem:s28], [sflag:$0x1] =	stream.indirect_vreg.gather [hbm4b:s5+s4], $0x80, v4, vm0, $0xb8;
	[tilespmem:$0x11000] =	vst v63  }
0x311: {  	s14 =	simm.s32 $0x6000;
	v3 =	vadd.s32 v1, v3  }
0x312: {  	[tilespmem:s14], [sflag:$0x1] =	stream.indirect_vreg.gather [hbm4b:s6+s4], $0x80, v4, vm0, $0xb8;
	[tilespmem:$0x11000] =	vst v63  }
0x313: {  	s15 =	simm.s32 $0x6800  }
0x314: {  	[tilespmem:s15], [sflag:$0x1] =	stream.indirect_vreg.gather [hbm4b:s7+s4], $0x80, v4, vm0, $0xb8;
	[tilespmem:$0x11000] =	vst v63  }
0x315: {  	s16 =	simm.s32 $0x7000  }
0x316: {  	[tilespmem:s16], [sflag:$0x1] =	stream.indirect_vreg.gather [hbm4b:s2+s4], $0x80, v3, vm0, $0xb8;
	[tilespmem:$0x11000] =	vst v63  }
0x317: {  	s17 =	simm.s32 $0x7800  }
0x318: {  	[tilespmem:s17], [sflag:$0x1] =	stream.indirect_vreg.gather [hbm4b:s5+s4], $0x80, v3, vm0, $0xb8;
	[tilespmem:$0x11000] =	vst v63  }
0x319: {  	s18 =	simm.s32 $0x8000  }
0x31a: {  	[tilespmem:s18], [sflag:$0x1] =	stream.indirect_vreg.gather [hbm4b:s6+s4], $0x80, v3, vm0, $0xb8;
	[tilespmem:$0x11000] =	vst v63  }
0x31b: {  	s19 =	simm.s32 $0x8800  }
0x31c: {  	[tilespmem:s19], [sflag:$0x1] =	stream.indirect_vreg.gather [hbm4b:s7+s4], $0x80, v3, vm0, $0xb8;
	[tilespmem:$0x11000] =	vst v63  }
0x31d: {  	v3 =	vld [tilespmem:$0xB80];
	_ =	sdelay $0x4  }
0x31e: {  	v30 =	vshll.u32 v3, $0x3  }
0x31f: {  	v3 =	vand.u32 $0x7, v3;
	v4 =	vand.u32 $0xFFFFFFC0, v30  }
0x320: {  	v3 =	vor.u32 v3, v4  }
0x321: {  	v4 =	vperm.xlane v3, v0;
	_ =	sdelay $0x1  }
0x322: {  	v4 =	vadd.s32 v1, v4;
	_ =	sdelay $0x4  }
0x323: {  	[tilespmem:s30], [sflag:$0x2] =	stream.indirect_vreg.gather [hbm4b:s3+s4], $0x80, v4, vm0, $0xb8;
	[tilespmem:$0x11000] =	vst v63  }
0x324: {  	s28 =	simm.s32 $0x9800;
	v3 =	vperm.xlane v3, v2  }
0x325: {  	[tilespmem:s28], [sflag:$0x2] =	stream.indirect_vreg.gather [hbm4b:s8+s4], $0x80, v4, vm0, $0xb8;
	[tilespmem:$0x11000] =	vst v63  }
0x326: {  	s29 =	simm.s32 $0xA000;
	v3 =	vadd.s32 v1, v3  }
0x327: {  	[tilespmem:s29], [sflag:$0x2] =	stream.indirect_vreg.gather [hbm4b:s9+s4], $0x80, v4, vm0, $0xb8;
	[tilespmem:$0x11000] =	vst v63  }
0x328: {  	s31 =	simm.s32 $0xA800  }
0x329: {  	[tilespmem:s31], [sflag:$0x2] =	stream.indirect_vreg.gather [hbm4b:s10+s4], $0x80, v4, vm0, $0xb8;
	[tilespmem:$0x11000] =	vst v63  }
0x32a: {  	s28 =	simm.s32 $0xB000  }
0x32b: {  	[tilespmem:s28], [sflag:$0x2] =	stream.indirect_vreg.gather [hbm4b:s3+s4], $0x80, v3, vm0, $0xb8;
	[tilespmem:$0x11000] =	vst v63  }
0x32c: {  	s28 =	simm.s32 $0xB800  }
0x32d: {  	[tilespmem:s28], [sflag:$0x2] =	stream.indirect_vreg.gather [hbm4b:s8+s4], $0x80, v3, vm0, $0xb8;
	[tilespmem:$0x11000] =	vst v63  }
0x32e: {  	s28 =	simm.s32 $0xC000  }
0x32f: {  	[tilespmem:s28], [sflag:$0x2] =	stream.indirect_vreg.gather [hbm4b:s9+s4], $0x80, v3, vm0, $0xb8;
	[tilespmem:$0x11000] =	vst v63  }
0x330: {  	s28 =	simm.s32 $0xC800  }
0x331: {  	[tilespmem:s28], [sflag:$0x2] =	stream.indirect_vreg.gather [hbm4b:s10+s4], $0x80, v3, vm0, $0xb8;
	[tilespmem:$0x11000] =	vst v63  }
0x332: {  	v3 =	vld [tilespmem:$0xB90];
	_ =	sdelay $0x4  }
0x333: {  	v31 =	vshll.u32 v3, $0x3  }
0x334: {  	v3 =	vand.u32 $0x7, v3;
	v4 =	vand.u32 $0xFFFFFFC0, v31  }
0x335: {  	v3 =	vor.u32 v3, v4  }
0x336: {  	v4 =	vperm.xlane v3, v0;
	_ =	sdelay $0x1  }
0x337: {  	v4 =	vadd.s32 v1, v4;
	_ =	sdelay $0x3  }
0x338: {  	s28 =	simm.s32 $0xD000  }
0x339: {  	[tilespmem:s28], [sflag:$0x2] =	stream.indirect_vreg.gather [hbm4b:s3+s4], $0x80, v4, vm0, $0xb8;
	[tilespmem:$0x11000] =	vst v63  }
0x33a: {  	v3 =	vperm.xlane v3, v2;
	s28 =	simm.s32 $0xD800  }
0x33b: {  	[tilespmem:s28], [sflag:$0x2] =	stream.indirect_vreg.gather [hbm4b:s8+s4], $0x80, v4, vm0, $0xb8;
	[tilespmem:$0x11000] =	vst v63  }
0x33c: {  	s20 =	simm.s32 $0xE000;
	v3 =	vadd.s32 v1, v3  }
0x33d: {  	[tilespmem:s20], [sflag:$0x2] =	stream.indirect_vreg.gather [hbm4b:s9+s4], $0x80, v4, vm0, $0xb8;
	[tilespmem:$0x11000] =	vst v63  }
0x33e: {  	s21 =	simm.s32 $0xE800  }
0x33f: {  	[tilespmem:s21], [sflag:$0x2] =	stream.indirect_vreg.gather [hbm4b:s10+s4], $0x80, v4, vm0, $0xb8;
	[tilespmem:$0x11000] =	vst v63  }
0x340: {  	s23 =	simm.s32 $0xF000  }
0x341: {  	[tilespmem:s23], [sflag:$0x2] =	stream.indirect_vreg.gather [hbm4b:s3+s4], $0x80, v3, vm0, $0xb8;
	[tilespmem:$0x11000] =	vst v63  }
0x342: {  	s28 =	simm.s32 $0xF800  }
0x343: {  	[tilespmem:s28], [sflag:$0x2] =	stream.indirect_vreg.gather [hbm4b:s8+s4], $0x80, v3, vm0, $0xb8;
	[tilespmem:$0x11000] =	vst v63  }
0x344: {  	s28 =	simm.s32 $0x10000  }
0x345: {  	[tilespmem:s28], [sflag:$0x2] =	stream.indirect_vreg.gather [hbm4b:s9+s4], $0x80, v3, vm0, $0xb8;
	[tilespmem:$0x11000] =	vst v63  }
0x346: {  	s22 =	simm.s32 $0x10800  }
0x347: {  	[tilespmem:s22], [sflag:$0x2] =	stream.indirect_vreg.gather [hbm4b:s10+s4], $0x80, v3, vm0, $0xb8;
	[tilespmem:$0x11000] =	vst v63  }
0x348: {  	_ =	swait.ge [sflag:s25], $0x8000  }
0x349: {  	[sflag:s25] =	ssyncset.done $0x0  }
0x34a: {  	s28 =	rddreg [dreg:$0x15];
	[sflag:s25] =	ssyncadd.s32 $0xFFFF8000  }
0x34b: {  	[hbm4b:s28+s4] =	stream.linear.scatter [tilespmem:s24], [sflag:$0x3], $0x8000, $0x38;
	[tilespmem:$0x11000] =	vst v63  }
0x34c: {  	_ =	swait.ge [sflag:s12], $0x8000  }
0x34d: {  	[sflag:s12] =	ssyncset.done $0x0  }
0x34e: {  	[sflag:s12] =	ssyncadd.s32 $0xFFFF8000  }
0x34f: {  	_ =	swait.ge [sflag:s26], $0x8000  }
0x350: {  	[sflag:s26] =	ssyncset.done $0x0  }
0x351: {  	s28 =	rddreg [dreg:$0x16];
	[sflag:s26] =	ssyncadd.s32 $0xFFFF8000  }
0x352: {  	[hbm4b:s28+s4] =	stream.linear.scatter [tilespmem:s30], [sflag:$0x3], $0x8000, $0x38;
	[tilespmem:$0x11000] =	vst v63  }
0x353: {  	_ =	swait.ge [sflag:s12], $0x8000  }
0x354: {  	[sflag:s12] =	ssyncset.done $0x0  }
0x355: {  	[sflag:s12] =	ssyncadd.s32 $0xFFFF8000  }
0x356: {  	v3 =	vld [tilespmem:$0x400];
	_ =	sdelay $0x4  }
0x357: {  	v32 =	vshll.u32 v3, $0x3  }
0x358: {  	v3 =	vand.u32 $0x7, v3;
	v4 =	vand.u32 $0xFFFFFFC0, v32  }
0x359: {  	v3 =	vor.u32 v3, v4  }
0x35a: {  	v4 =	vperm.xlane v3, v0;
	_ =	sdelay $0x1  }
0x35b: {  	v4 =	vadd.s32 v1, v4;
	_ =	sdelay $0x4  }
0x35c: {  	[tilespmem:s24], [sflag:$0x1] =	stream.indirect_vreg.gather [hbm4b:s2+s4], $0x80, v4, vm0, $0xb8;
	[tilespmem:$0x11000] =	vst v63  }
0x35d: {  	s28 =	simm.s32 $0x1800;
	v3 =	vperm.xlane v3, v2  }
0x35e: {  	[tilespmem:s28], [sflag:$0x1] =	stream.indirect_vreg.gather [hbm4b:s5+s4], $0x80, v4, vm0, $0xb8;
	[tilespmem:$0x11000] =	vst v63  }
0x35f: {  	v3 =	vadd.s32 v1, v3;
	s28 =	simm.s32 $0x2000  }
0x360: {  	[tilespmem:s28], [sflag:$0x1] =	stream.indirect_vreg.gather [hbm4b:s6+s4], $0x80, v4, vm0, $0xb8;
	[tilespmem:$0x11000] =	vst v63  }
0x361: {  	s0 =	simm.s32 $0x2800  }
0x362: {  	[tilespmem:s0], [sflag:$0x1] =	stream.indirect_vreg.gather [hbm4b:s7+s4], $0x80, v4, vm0, $0xb8;
	[tilespmem:$0x11000] =	vst v63  }
0x363: {  	s1 =	simm.s32 $0x3000  }
0x364: {  	[tilespmem:s1], [sflag:$0x1] =	stream.indirect_vreg.gather [hbm4b:s2+s4], $0x80, v3, vm0, $0xb8;
	[tilespmem:$0x11000] =	vst v63  }
0x365: {  	s11 =	simm.s32 $0x3800  }
0x366: {  	[tilespmem:s11], [sflag:$0x1] =	stream.indirect_vreg.gather [hbm4b:s5+s4], $0x80, v3, vm0, $0xb8;
	[tilespmem:$0x11000] =	vst v63  }
0x367: {  	s13 =	simm.s32 $0x4000  }
0x368: {  	[tilespmem:s13], [sflag:$0x1] =	stream.indirect_vreg.gather [hbm4b:s6+s4], $0x80, v3, vm0, $0xb8;
	[tilespmem:$0x11000] =	vst v63  }
0x369: {  	s28 =	simm.s32 $0x4800  }
0x36a: {  	[tilespmem:s28], [sflag:$0x1] =	stream.indirect_vreg.gather [hbm4b:s7+s4], $0x80, v3, vm0, $0xb8;
	[tilespmem:$0x11000] =	vst v63  }
0x36b: {  	v3 =	vld [tilespmem:$0x410];
	_ =	sdelay $0x4  }
0x36c: {  	v33 =	vshll.u32 v3, $0x3  }
0x36d: {  	v3 =	vand.u32 $0x7, v3;
	v4 =	vand.u32 $0xFFFFFFC0, v33  }
0x36e: {  	v3 =	vor.u32 v3, v4  }
0x36f: {  	v4 =	vperm.xlane v3, v0;
	_ =	sdelay $0x1  }
0x370: {  	v4 =	vadd.s32 v1, v4;
	_ =	sdelay $0x3  }
0x371: {  	s28 =	simm.s32 $0x5000  }
0x372: {  	[tilespmem:s28], [sflag:$0x1] =	stream.indirect_vreg.gather [hbm4b:s2+s4], $0x80, v4, vm0, $0xb8;
	[tilespmem:$0x11000] =	vst v63  }
0x373: {  	v3 =	vperm.xlane v3, v2;
	s28 =	simm.s32 $0x5800  }
0x374: {  	[tilespmem:s28], [sflag:$0x1] =	stream.indirect_vreg.gather [hbm4b:s5+s4], $0x80, v4, vm0, $0xb8;
	[tilespmem:$0x11000] =	vst v63  }
0x375: {  	s14 =	simm.s32 $0x6000;
	v3 =	vadd.s32 v1, v3  }
0x376: {  	[tilespmem:s14], [sflag:$0x1] =	stream.indirect_vreg.gather [hbm4b:s6+s4], $0x80, v4, vm0, $0xb8;
	[tilespmem:$0x11000] =	vst v63  }
0x377: {  	s15 =	simm.s32 $0x6800  }
0x378: {  	[tilespmem:s15], [sflag:$0x1] =	stream.indirect_vreg.gather [hbm4b:s7+s4], $0x80, v4, vm0, $0xb8;
	[tilespmem:$0x11000] =	vst v63  }
0x379: {  	s16 =	simm.s32 $0x7000  }
0x37a: {  	[tilespmem:s16], [sflag:$0x1] =	stream.indirect_vreg.gather [hbm4b:s2+s4], $0x80, v3, vm0, $0xb8;
	[tilespmem:$0x11000] =	vst v63  }
0x37b: {  	s17 =	simm.s32 $0x7800  }
0x37c: {  	[tilespmem:s17], [sflag:$0x1] =	stream.indirect_vreg.gather [hbm4b:s5+s4], $0x80, v3, vm0, $0xb8;
	[tilespmem:$0x11000] =	vst v63  }
0x37d: {  	s18 =	simm.s32 $0x8000  }
0x37e: {  	[tilespmem:s18], [sflag:$0x1] =	stream.indirect_vreg.gather [hbm4b:s6+s4], $0x80, v3, vm0, $0xb8;
	[tilespmem:$0x11000] =	vst v63  }
0x37f: {  	s19 =	simm.s32 $0x8800  }
0x380: {  	[tilespmem:s19], [sflag:$0x1] =	stream.indirect_vreg.gather [hbm4b:s7+s4], $0x80, v3, vm0, $0xb8;
	[tilespmem:$0x11000] =	vst v63  }
0x381: {  	v3 =	vld [tilespmem:$0xC00];
	_ =	sdelay $0x4  }
0x382: {  	v34 =	vshll.u32 v3, $0x3  }
0x383: {  	v3 =	vand.u32 $0x7, v3;
	v4 =	vand.u32 $0xFFFFFFC0, v34  }
0x384: {  	v3 =	vor.u32 v3, v4  }
0x385: {  	v4 =	vperm.xlane v3, v0;
	_ =	sdelay $0x1  }
0x386: {  	v4 =	vadd.s32 v1, v4;
	_ =	sdelay $0x4  }
0x387: {  	[tilespmem:s30], [sflag:$0x2] =	stream.indirect_vreg.gather [hbm4b:s3+s4], $0x80, v4, vm0, $0xb8;
	[tilespmem:$0x11000] =	vst v63  }
0x388: {  	s28 =	simm.s32 $0x9800;
	v3 =	vperm.xlane v3, v2  }
0x389: {  	[tilespmem:s28], [sflag:$0x2] =	stream.indirect_vreg.gather [hbm4b:s8+s4], $0x80, v4, vm0, $0xb8;
	[tilespmem:$0x11000] =	vst v63  }
0x38a: {  	s29 =	simm.s32 $0xA000;
	v3 =	vadd.s32 v1, v3  }
0x38b: {  	[tilespmem:s29], [sflag:$0x2] =	stream.indirect_vreg.gather [hbm4b:s9+s4], $0x80, v4, vm0, $0xb8;
	[tilespmem:$0x11000] =	vst v63  }
0x38c: {  	s31 =	simm.s32 $0xA800  }
0x38d: {  	[tilespmem:s31], [sflag:$0x2] =	stream.indirect_vreg.gather [hbm4b:s10+s4], $0x80, v4, vm0, $0xb8;
	[tilespmem:$0x11000] =	vst v63  }
0x38e: {  	s28 =	simm.s32 $0xB000  }
0x38f: {  	[tilespmem:s28], [sflag:$0x2] =	stream.indirect_vreg.gather [hbm4b:s3+s4], $0x80, v3, vm0, $0xb8;
	[tilespmem:$0x11000] =	vst v63  }
0x390: {  	s28 =	simm.s32 $0xB800  }
0x391: {  	[tilespmem:s28], [sflag:$0x2] =	stream.indirect_vreg.gather [hbm4b:s8+s4], $0x80, v3, vm0, $0xb8;
	[tilespmem:$0x11000] =	vst v63  }
0x392: {  	s28 =	simm.s32 $0xC000  }
0x393: {  	[tilespmem:s28], [sflag:$0x2] =	stream.indirect_vreg.gather [hbm4b:s9+s4], $0x80, v3, vm0, $0xb8;
	[tilespmem:$0x11000] =	vst v63  }
0x394: {  	s28 =	simm.s32 $0xC800  }
0x395: {  	[tilespmem:s28], [sflag:$0x2] =	stream.indirect_vreg.gather [hbm4b:s10+s4], $0x80, v3, vm0, $0xb8;
	[tilespmem:$0x11000] =	vst v63  }
0x396: {  	v3 =	vld [tilespmem:$0xC10];
	_ =	sdelay $0x4  }
0x397: {  	v35 =	vshll.u32 v3, $0x3  }
0x398: {  	v3 =	vand.u32 $0x7, v3;
	v4 =	vand.u32 $0xFFFFFFC0, v35  }
0x399: {  	v3 =	vor.u32 v3, v4  }
0x39a: {  	v4 =	vperm.xlane v3, v0;
	_ =	sdelay $0x1  }
0x39b: {  	v4 =	vadd.s32 v1, v4;
	_ =	sdelay $0x3  }
0x39c: {  	s28 =	simm.s32 $0xD000  }
0x39d: {  	[tilespmem:s28], [sflag:$0x2] =	stream.indirect_vreg.gather [hbm4b:s3+s4], $0x80, v4, vm0, $0xb8;
	[tilespmem:$0x11000] =	vst v63  }
0x39e: {  	v3 =	vperm.xlane v3, v2;
	s28 =	simm.s32 $0xD800  }
0x39f: {  	[tilespmem:s28], [sflag:$0x2] =	stream.indirect_vreg.gather [hbm4b:s8+s4], $0x80, v4, vm0, $0xb8;
	[tilespmem:$0x11000] =	vst v63  }
0x3a0: {  	s20 =	simm.s32 $0xE000;
	v3 =	vadd.s32 v1, v3  }
0x3a1: {  	[tilespmem:s20], [sflag:$0x2] =	stream.indirect_vreg.gather [hbm4b:s9+s4], $0x80, v4, vm0, $0xb8;
	[tilespmem:$0x11000] =	vst v63  }
0x3a2: {  	s21 =	simm.s32 $0xE800  }
0x3a3: {  	[tilespmem:s21], [sflag:$0x2] =	stream.indirect_vreg.gather [hbm4b:s10+s4], $0x80, v4, vm0, $0xb8;
	[tilespmem:$0x11000] =	vst v63  }
0x3a4: {  	s23 =	simm.s32 $0xF000  }
0x3a5: {  	[tilespmem:s23], [sflag:$0x2] =	stream.indirect_vreg.gather [hbm4b:s3+s4], $0x80, v3, vm0, $0xb8;
	[tilespmem:$0x11000] =	vst v63  }
0x3a6: {  	s28 =	simm.s32 $0xF800  }
0x3a7: {  	[tilespmem:s28], [sflag:$0x2] =	stream.indirect_vreg.gather [hbm4b:s8+s4], $0x80, v3, vm0, $0xb8;
	[tilespmem:$0x11000] =	vst v63  }
0x3a8: {  	s28 =	simm.s32 $0x10000  }
0x3a9: {  	[tilespmem:s28], [sflag:$0x2] =	stream.indirect_vreg.gather [hbm4b:s9+s4], $0x80, v3, vm0, $0xb8;
	[tilespmem:$0x11000] =	vst v63  }
0x3aa: {  	s22 =	simm.s32 $0x10800  }
0x3ab: {  	[tilespmem:s22], [sflag:$0x2] =	stream.indirect_vreg.gather [hbm4b:s10+s4], $0x80, v3, vm0, $0xb8;
	[tilespmem:$0x11000] =	vst v63  }
0x3ac: {  	_ =	swait.ge [sflag:s25], $0x8000  }
0x3ad: {  	[sflag:s25] =	ssyncset.done $0x0  }
0x3ae: {  	s28 =	rddreg [dreg:$0x17];
	[sflag:s25] =	ssyncadd.s32 $0xFFFF8000  }
0x3af: {  	[hbm4b:s28+s4] =	stream.linear.scatter [tilespmem:s24], [sflag:$0x3], $0x8000, $0x38;
	[tilespmem:$0x11000] =	vst v63  }
0x3b0: {  	_ =	swait.ge [sflag:s12], $0x8000  }
0x3b1: {  	[sflag:s12] =	ssyncset.done $0x0  }
0x3b2: {  	[sflag:s12] =	ssyncadd.s32 $0xFFFF8000  }
0x3b3: {  	_ =	swait.ge [sflag:s26], $0x8000  }
0x3b4: {  	[sflag:s26] =	ssyncset.done $0x0  }
0x3b5: {  	s28 =	rddreg [dreg:$0x18];
	[sflag:s26] =	ssyncadd.s32 $0xFFFF8000  }
0x3b6: {  	[hbm4b:s28+s4] =	stream.linear.scatter [tilespmem:s30], [sflag:$0x3], $0x8000, $0x38;
	[tilespmem:$0x11000] =	vst v63  }
0x3b7: {  	_ =	swait.ge [sflag:s12], $0x8000  }
0x3b8: {  	[sflag:s12] =	ssyncset.done $0x0  }
0x3b9: {  	[sflag:s12] =	ssyncadd.s32 $0xFFFF8000  }
0x3ba: {  	v3 =	vld [tilespmem:$0x480];
	_ =	sdelay $0x4  }
0x3bb: {  	v36 =	vshll.u32 v3, $0x3  }
0x3bc: {  	v3 =	vand.u32 $0x7, v3;
	v4 =	vand.u32 $0xFFFFFFC0, v36  }
0x3bd: {  	v3 =	vor.u32 v3, v4  }
0x3be: {  	v4 =	vperm.xlane v3, v0;
	_ =	sdelay $0x1  }
0x3bf: {  	v4 =	vadd.s32 v1, v4;
	_ =	sdelay $0x4  }
0x3c0: {  	[tilespmem:s24], [sflag:$0x1] =	stream.indirect_vreg.gather [hbm4b:s2+s4], $0x80, v4, vm0, $0xb8;
	[tilespmem:$0x11000] =	vst v63  }
0x3c1: {  	s28 =	simm.s32 $0x1800;
	v3 =	vperm.xlane v3, v2  }
0x3c2: {  	[tilespmem:s28], [sflag:$0x1] =	stream.indirect_vreg.gather [hbm4b:s5+s4], $0x80, v4, vm0, $0xb8;
	[tilespmem:$0x11000] =	vst v63  }
0x3c3: {  	v3 =	vadd.s32 v1, v3;
	s28 =	simm.s32 $0x2000  }
0x3c4: {  	[tilespmem:s28], [sflag:$0x1] =	stream.indirect_vreg.gather [hbm4b:s6+s4], $0x80, v4, vm0, $0xb8;
	[tilespmem:$0x11000] =	vst v63  }
0x3c5: {  	s0 =	simm.s32 $0x2800  }
0x3c6: {  	[tilespmem:s0], [sflag:$0x1] =	stream.indirect_vreg.gather [hbm4b:s7+s4], $0x80, v4, vm0, $0xb8;
	[tilespmem:$0x11000] =	vst v63  }
0x3c7: {  	s1 =	simm.s32 $0x3000  }
0x3c8: {  	[tilespmem:s1], [sflag:$0x1] =	stream.indirect_vreg.gather [hbm4b:s2+s4], $0x80, v3, vm0, $0xb8;
	[tilespmem:$0x11000] =	vst v63  }
0x3c9: {  	s11 =	simm.s32 $0x3800  }
0x3ca: {  	[tilespmem:s11], [sflag:$0x1] =	stream.indirect_vreg.gather [hbm4b:s5+s4], $0x80, v3, vm0, $0xb8;
	[tilespmem:$0x11000] =	vst v63  }
0x3cb: {  	s13 =	simm.s32 $0x4000  }
0x3cc: {  	[tilespmem:s13], [sflag:$0x1] =	stream.indirect_vreg.gather [hbm4b:s6+s4], $0x80, v3, vm0, $0xb8;
	[tilespmem:$0x11000] =	vst v63  }
0x3cd: {  	s28 =	simm.s32 $0x4800  }
0x3ce: {  	[tilespmem:s28], [sflag:$0x1] =	stream.indirect_vreg.gather [hbm4b:s7+s4], $0x80, v3, vm0, $0xb8;
	[tilespmem:$0x11000] =	vst v63  }
0x3cf: {  	v3 =	vld [tilespmem:$0x490];
	_ =	sdelay $0x4  }
0x3d0: {  	v37 =	vshll.u32 v3, $0x3  }
0x3d1: {  	v3 =	vand.u32 $0x7, v3;
	v4 =	vand.u32 $0xFFFFFFC0, v37  }
0x3d2: {  	v3 =	vor.u32 v3, v4  }
0x3d3: {  	v4 =	vperm.xlane v3, v0;
	_ =	sdelay $0x1  }
0x3d4: {  	v4 =	vadd.s32 v1, v4;
	_ =	sdelay $0x3  }
0x3d5: {  	s28 =	simm.s32 $0x5000  }
0x3d6: {  	[tilespmem:s28], [sflag:$0x1] =	stream.indirect_vreg.gather [hbm4b:s2+s4], $0x80, v4, vm0, $0xb8;
	[tilespmem:$0x11000] =	vst v63  }
0x3d7: {  	v3 =	vperm.xlane v3, v2;
	s28 =	simm.s32 $0x5800  }
0x3d8: {  	[tilespmem:s28], [sflag:$0x1] =	stream.indirect_vreg.gather [hbm4b:s5+s4], $0x80, v4, vm0, $0xb8;
	[tilespmem:$0x11000] =	vst v63  }
0x3d9: {  	s14 =	simm.s32 $0x6000;
	v3 =	vadd.s32 v1, v3  }
0x3da: {  	[tilespmem:s14], [sflag:$0x1] =	stream.indirect_vreg.gather [hbm4b:s6+s4], $0x80, v4, vm0, $0xb8;
	[tilespmem:$0x11000] =	vst v63  }
0x3db: {  	s15 =	simm.s32 $0x6800  }
0x3dc: {  	[tilespmem:s15], [sflag:$0x1] =	stream.indirect_vreg.gather [hbm4b:s7+s4], $0x80, v4, vm0, $0xb8;
	[tilespmem:$0x11000] =	vst v63  }
0x3dd: {  	s16 =	simm.s32 $0x7000  }
0x3de: {  	[tilespmem:s16], [sflag:$0x1] =	stream.indirect_vreg.gather [hbm4b:s2+s4], $0x80, v3, vm0, $0xb8;
	[tilespmem:$0x11000] =	vst v63  }
0x3df: {  	s17 =	simm.s32 $0x7800  }
0x3e0: {  	[tilespmem:s17], [sflag:$0x1] =	stream.indirect_vreg.gather [hbm4b:s5+s4], $0x80, v3, vm0, $0xb8;
	[tilespmem:$0x11000] =	vst v63  }
0x3e1: {  	s18 =	simm.s32 $0x8000  }
0x3e2: {  	[tilespmem:s18], [sflag:$0x1] =	stream.indirect_vreg.gather [hbm4b:s6+s4], $0x80, v3, vm0, $0xb8;
	[tilespmem:$0x11000] =	vst v63  }
0x3e3: {  	s19 =	simm.s32 $0x8800  }
0x3e4: {  	[tilespmem:s19], [sflag:$0x1] =	stream.indirect_vreg.gather [hbm4b:s7+s4], $0x80, v3, vm0, $0xb8;
	[tilespmem:$0x11000] =	vst v63  }
0x3e5: {  	v3 =	vld [tilespmem:$0xC80];
	_ =	sdelay $0x4  }
0x3e6: {  	v38 =	vshll.u32 v3, $0x3  }
0x3e7: {  	v3 =	vand.u32 $0x7, v3;
	v4 =	vand.u32 $0xFFFFFFC0, v38  }
0x3e8: {  	v3 =	vor.u32 v3, v4  }
0x3e9: {  	v4 =	vperm.xlane v3, v0;
	_ =	sdelay $0x1  }
0x3ea: {  	v4 =	vadd.s32 v1, v4;
	_ =	sdelay $0x4  }
0x3eb: {  	[tilespmem:s30], [sflag:$0x2] =	stream.indirect_vreg.gather [hbm4b:s3+s4], $0x80, v4, vm0, $0xb8;
	[tilespmem:$0x11000] =	vst v63  }
0x3ec: {  	s28 =	simm.s32 $0x9800;
	v3 =	vperm.xlane v3, v2  }
0x3ed: {  	[tilespmem:s28], [sflag:$0x2] =	stream.indirect_vreg.gather [hbm4b:s8+s4], $0x80, v4, vm0, $0xb8;
	[tilespmem:$0x11000] =	vst v63  }
0x3ee: {  	s29 =	simm.s32 $0xA000;
	v3 =	vadd.s32 v1, v3  }
0x3ef: {  	[tilespmem:s29], [sflag:$0x2] =	stream.indirect_vreg.gather [hbm4b:s9+s4], $0x80, v4, vm0, $0xb8;
	[tilespmem:$0x11000] =	vst v63  }
0x3f0: {  	s31 =	simm.s32 $0xA800  }
0x3f1: {  	[tilespmem:s31], [sflag:$0x2] =	stream.indirect_vreg.gather [hbm4b:s10+s4], $0x80, v4, vm0, $0xb8;
	[tilespmem:$0x11000] =	vst v63  }
0x3f2: {  	s28 =	simm.s32 $0xB000  }
0x3f3: {  	[tilespmem:s28], [sflag:$0x2] =	stream.indirect_vreg.gather [hbm4b:s3+s4], $0x80, v3, vm0, $0xb8;
	[tilespmem:$0x11000] =	vst v63  }
0x3f4: {  	s28 =	simm.s32 $0xB800  }
0x3f5: {  	[tilespmem:s28], [sflag:$0x2] =	stream.indirect_vreg.gather [hbm4b:s8+s4], $0x80, v3, vm0, $0xb8;
	[tilespmem:$0x11000] =	vst v63  }
0x3f6: {  	s28 =	simm.s32 $0xC000  }
0x3f7: {  	[tilespmem:s28], [sflag:$0x2] =	stream.indirect_vreg.gather [hbm4b:s9+s4], $0x80, v3, vm0, $0xb8;
	[tilespmem:$0x11000] =	vst v63  }
0x3f8: {  	s28 =	simm.s32 $0xC800  }
0x3f9: {  	[tilespmem:s28], [sflag:$0x2] =	stream.indirect_vreg.gather [hbm4b:s10+s4], $0x80, v3, vm0, $0xb8;
	[tilespmem:$0x11000] =	vst v63  }
0x3fa: {  	v3 =	vld [tilespmem:$0xC90];
	_ =	sdelay $0x4  }
0x3fb: {  	v39 =	vshll.u32 v3, $0x3  }
0x3fc: {  	v3 =	vand.u32 $0x7, v3;
	v4 =	vand.u32 $0xFFFFFFC0, v39  }
0x3fd: {  	v3 =	vor.u32 v3, v4  }
0x3fe: {  	v4 =	vperm.xlane v3, v0;
	_ =	sdelay $0x1  }
0x3ff: {  	v4 =	vadd.s32 v1, v4;
	_ =	sdelay $0x3  }
0x400: {  	s28 =	simm.s32 $0xD000  }
0x401: {  	[tilespmem:s28], [sflag:$0x2] =	stream.indirect_vreg.gather [hbm4b:s3+s4], $0x80, v4, vm0, $0xb8;
	[tilespmem:$0x11000] =	vst v63  }
0x402: {  	v3 =	vperm.xlane v3, v2;
	s28 =	simm.s32 $0xD800  }
0x403: {  	[tilespmem:s28], [sflag:$0x2] =	stream.indirect_vreg.gather [hbm4b:s8+s4], $0x80, v4, vm0, $0xb8;
	[tilespmem:$0x11000] =	vst v63  }
0x404: {  	s20 =	simm.s32 $0xE000;
	v3 =	vadd.s32 v1, v3  }
0x405: {  	[tilespmem:s20], [sflag:$0x2] =	stream.indirect_vreg.gather [hbm4b:s9+s4], $0x80, v4, vm0, $0xb8;
	[tilespmem:$0x11000] =	vst v63  }
0x406: {  	s21 =	simm.s32 $0xE800  }
0x407: {  	[tilespmem:s21], [sflag:$0x2] =	stream.indirect_vreg.gather [hbm4b:s10+s4], $0x80, v4, vm0, $0xb8;
	[tilespmem:$0x11000] =	vst v63  }
0x408: {  	s23 =	simm.s32 $0xF000  }
0x409: {  	[tilespmem:s23], [sflag:$0x2] =	stream.indirect_vreg.gather [hbm4b:s3+s4], $0x80, v3, vm0, $0xb8;
	[tilespmem:$0x11000] =	vst v63  }
0x40a: {  	s28 =	simm.s32 $0xF800  }
0x40b: {  	[tilespmem:s28], [sflag:$0x2] =	stream.indirect_vreg.gather [hbm4b:s8+s4], $0x80, v3, vm0, $0xb8;
	[tilespmem:$0x11000] =	vst v63  }
0x40c: {  	s28 =	simm.s32 $0x10000  }
0x40d: {  	[tilespmem:s28], [sflag:$0x2] =	stream.indirect_vreg.gather [hbm4b:s9+s4], $0x80, v3, vm0, $0xb8;
	[tilespmem:$0x11000] =	vst v63  }
0x40e: {  	s22 =	simm.s32 $0x10800  }
0x40f: {  	[tilespmem:s22], [sflag:$0x2] =	stream.indirect_vreg.gather [hbm4b:s10+s4], $0x80, v3, vm0, $0xb8;
	[tilespmem:$0x11000] =	vst v63  }
0x410: {  	_ =	swait.ge [sflag:s25], $0x8000  }
0x411: {  	[sflag:s25] =	ssyncset.done $0x0  }
0x412: {  	s28 =	rddreg [dreg:$0x19];
	[sflag:s25] =	ssyncadd.s32 $0xFFFF8000  }
0x413: {  	[hbm4b:s28+s4] =	stream.linear.scatter [tilespmem:s24], [sflag:$0x3], $0x8000, $0x38;
	[tilespmem:$0x11000] =	vst v63  }
0x414: {  	_ =	swait.ge [sflag:s12], $0x8000  }
0x415: {  	[sflag:s12] =	ssyncset.done $0x0  }
0x416: {  	[sflag:s12] =	ssyncadd.s32 $0xFFFF8000  }
0x417: {  	_ =	swait.ge [sflag:s26], $0x8000  }
0x418: {  	[sflag:s26] =	ssyncset.done $0x0  }
0x419: {  	s28 =	rddreg [dreg:$0x1a];
	[sflag:s26] =	ssyncadd.s32 $0xFFFF8000  }
0x41a: {  	[hbm4b:s28+s4] =	stream.linear.scatter [tilespmem:s30], [sflag:$0x3], $0x8000, $0x38;
	[tilespmem:$0x11000] =	vst v63  }
0x41b: {  	_ =	swait.ge [sflag:s12], $0x8000  }
0x41c: {  	[sflag:s12] =	ssyncset.done $0x0  }
0x41d: {  	[sflag:s12] =	ssyncadd.s32 $0xFFFF8000  }
0x41e: {  	v3 =	vld [tilespmem:$0x500];
	_ =	sdelay $0x4  }
0x41f: {  	v40 =	vshll.u32 v3, $0x3  }
0x420: {  	v3 =	vand.u32 $0x7, v3;
	v4 =	vand.u32 $0xFFFFFFC0, v40  }
0x421: {  	v3 =	vor.u32 v3, v4  }
0x422: {  	v4 =	vperm.xlane v3, v0;
	_ =	sdelay $0x1  }
0x423: {  	v4 =	vadd.s32 v1, v4;
	_ =	sdelay $0x4  }
0x424: {  	[tilespmem:s24], [sflag:$0x1] =	stream.indirect_vreg.gather [hbm4b:s2+s4], $0x80, v4, vm0, $0xb8;
	[tilespmem:$0x11000] =	vst v63  }
0x425: {  	s28 =	simm.s32 $0x1800;
	v3 =	vperm.xlane v3, v2  }
0x426: {  	[tilespmem:s28], [sflag:$0x1] =	stream.indirect_vreg.gather [hbm4b:s5+s4], $0x80, v4, vm0, $0xb8;
	[tilespmem:$0x11000] =	vst v63  }
0x427: {  	v3 =	vadd.s32 v1, v3;
	s28 =	simm.s32 $0x2000  }
0x428: {  	[tilespmem:s28], [sflag:$0x1] =	stream.indirect_vreg.gather [hbm4b:s6+s4], $0x80, v4, vm0, $0xb8;
	[tilespmem:$0x11000] =	vst v63  }
0x429: {  	s0 =	simm.s32 $0x2800  }
0x42a: {  	[tilespmem:s0], [sflag:$0x1] =	stream.indirect_vreg.gather [hbm4b:s7+s4], $0x80, v4, vm0, $0xb8;
	[tilespmem:$0x11000] =	vst v63  }
0x42b: {  	s1 =	simm.s32 $0x3000  }
0x42c: {  	[tilespmem:s1], [sflag:$0x1] =	stream.indirect_vreg.gather [hbm4b:s2+s4], $0x80, v3, vm0, $0xb8;
	[tilespmem:$0x11000] =	vst v63  }
0x42d: {  	s11 =	simm.s32 $0x3800  }
0x42e: {  	[tilespmem:s11], [sflag:$0x1] =	stream.indirect_vreg.gather [hbm4b:s5+s4], $0x80, v3, vm0, $0xb8;
	[tilespmem:$0x11000] =	vst v63  }
0x42f: {  	s13 =	simm.s32 $0x4000  }
0x430: {  	[tilespmem:s13], [sflag:$0x1] =	stream.indirect_vreg.gather [hbm4b:s6+s4], $0x80, v3, vm0, $0xb8;
	[tilespmem:$0x11000] =	vst v63  }
0x431: {  	s28 =	simm.s32 $0x4800  }
0x432: {  	[tilespmem:s28], [sflag:$0x1] =	stream.indirect_vreg.gather [hbm4b:s7+s4], $0x80, v3, vm0, $0xb8;
	[tilespmem:$0x11000] =	vst v63  }
0x433: {  	v3 =	vld [tilespmem:$0x510];
	_ =	sdelay $0x4  }
0x434: {  	v41 =	vshll.u32 v3, $0x3  }
0x435: {  	v3 =	vand.u32 $0x7, v3;
	v4 =	vand.u32 $0xFFFFFFC0, v41  }
0x436: {  	v3 =	vor.u32 v3, v4  }
0x437: {  	v4 =	vperm.xlane v3, v0;
	_ =	sdelay $0x1  }
0x438: {  	v4 =	vadd.s32 v1, v4;
	_ =	sdelay $0x3  }
0x439: {  	s28 =	simm.s32 $0x5000  }
0x43a: {  	[tilespmem:s28], [sflag:$0x1] =	stream.indirect_vreg.gather [hbm4b:s2+s4], $0x80, v4, vm0, $0xb8;
	[tilespmem:$0x11000] =	vst v63  }
0x43b: {  	v3 =	vperm.xlane v3, v2;
	s28 =	simm.s32 $0x5800  }
0x43c: {  	[tilespmem:s28], [sflag:$0x1] =	stream.indirect_vreg.gather [hbm4b:s5+s4], $0x80, v4, vm0, $0xb8;
	[tilespmem:$0x11000] =	vst v63  }
0x43d: {  	s14 =	simm.s32 $0x6000;
	v3 =	vadd.s32 v1, v3  }
0x43e: {  	[tilespmem:s14], [sflag:$0x1] =	stream.indirect_vreg.gather [hbm4b:s6+s4], $0x80, v4, vm0, $0xb8;
	[tilespmem:$0x11000] =	vst v63  }
0x43f: {  	s15 =	simm.s32 $0x6800  }
0x440: {  	[tilespmem:s15], [sflag:$0x1] =	stream.indirect_vreg.gather [hbm4b:s7+s4], $0x80, v4, vm0, $0xb8;
	[tilespmem:$0x11000] =	vst v63  }
0x441: {  	s16 =	simm.s32 $0x7000  }
0x442: {  	[tilespmem:s16], [sflag:$0x1] =	stream.indirect_vreg.gather [hbm4b:s2+s4], $0x80, v3, vm0, $0xb8;
	[tilespmem:$0x11000] =	vst v63  }
0x443: {  	s17 =	simm.s32 $0x7800  }
0x444: {  	[tilespmem:s17], [sflag:$0x1] =	stream.indirect_vreg.gather [hbm4b:s5+s4], $0x80, v3, vm0, $0xb8;
	[tilespmem:$0x11000] =	vst v63  }
0x445: {  	s18 =	simm.s32 $0x8000  }
0x446: {  	[tilespmem:s18], [sflag:$0x1] =	stream.indirect_vreg.gather [hbm4b:s6+s4], $0x80, v3, vm0, $0xb8;
	[tilespmem:$0x11000] =	vst v63  }
0x447: {  	s19 =	simm.s32 $0x8800  }
0x448: {  	[tilespmem:s19], [sflag:$0x1] =	stream.indirect_vreg.gather [hbm4b:s7+s4], $0x80, v3, vm0, $0xb8;
	[tilespmem:$0x11000] =	vst v63  }
0x449: {  	v3 =	vld [tilespmem:$0xD00];
	_ =	sdelay $0x4  }
0x44a: {  	v42 =	vshll.u32 v3, $0x3  }
0x44b: {  	v3 =	vand.u32 $0x7, v3;
	v4 =	vand.u32 $0xFFFFFFC0, v42  }
0x44c: {  	v3 =	vor.u32 v3, v4  }
0x44d: {  	v4 =	vperm.xlane v3, v0;
	_ =	sdelay $0x1  }
0x44e: {  	v4 =	vadd.s32 v1, v4;
	_ =	sdelay $0x4  }
0x44f: {  	[tilespmem:s30], [sflag:$0x2] =	stream.indirect_vreg.gather [hbm4b:s3+s4], $0x80, v4, vm0, $0xb8;
	[tilespmem:$0x11000] =	vst v63  }
0x450: {  	s28 =	simm.s32 $0x9800;
	v3 =	vperm.xlane v3, v2  }
0x451: {  	[tilespmem:s28], [sflag:$0x2] =	stream.indirect_vreg.gather [hbm4b:s8+s4], $0x80, v4, vm0, $0xb8;
	[tilespmem:$0x11000] =	vst v63  }
0x452: {  	s29 =	simm.s32 $0xA000;
	v3 =	vadd.s32 v1, v3  }
0x453: {  	[tilespmem:s29], [sflag:$0x2] =	stream.indirect_vreg.gather [hbm4b:s9+s4], $0x80, v4, vm0, $0xb8;
	[tilespmem:$0x11000] =	vst v63  }
0x454: {  	s31 =	simm.s32 $0xA800  }
0x455: {  	[tilespmem:s31], [sflag:$0x2] =	stream.indirect_vreg.gather [hbm4b:s10+s4], $0x80, v4, vm0, $0xb8;
	[tilespmem:$0x11000] =	vst v63  }
0x456: {  	s28 =	simm.s32 $0xB000  }
0x457: {  	[tilespmem:s28], [sflag:$0x2] =	stream.indirect_vreg.gather [hbm4b:s3+s4], $0x80, v3, vm0, $0xb8;
	[tilespmem:$0x11000] =	vst v63  }
0x458: {  	s28 =	simm.s32 $0xB800  }
0x459: {  	[tilespmem:s28], [sflag:$0x2] =	stream.indirect_vreg.gather [hbm4b:s8+s4], $0x80, v3, vm0, $0xb8;
	[tilespmem:$0x11000] =	vst v63  }
0x45a: {  	s28 =	simm.s32 $0xC000  }
0x45b: {  	[tilespmem:s28], [sflag:$0x2] =	stream.indirect_vreg.gather [hbm4b:s9+s4], $0x80, v3, vm0, $0xb8;
	[tilespmem:$0x11000] =	vst v63  }
0x45c: {  	s28 =	simm.s32 $0xC800  }
0x45d: {  	[tilespmem:s28], [sflag:$0x2] =	stream.indirect_vreg.gather [hbm4b:s10+s4], $0x80, v3, vm0, $0xb8;
	[tilespmem:$0x11000] =	vst v63  }
0x45e: {  	v3 =	vld [tilespmem:$0xD10];
	_ =	sdelay $0x4  }
0x45f: {  	v43 =	vshll.u32 v3, $0x3  }
0x460: {  	v3 =	vand.u32 $0x7, v3;
	v4 =	vand.u32 $0xFFFFFFC0, v43  }
0x461: {  	v3 =	vor.u32 v3, v4  }
0x462: {  	v4 =	vperm.xlane v3, v0;
	_ =	sdelay $0x1  }
0x463: {  	v4 =	vadd.s32 v1, v4;
	_ =	sdelay $0x3  }
0x464: {  	s28 =	simm.s32 $0xD000  }
0x465: {  	[tilespmem:s28], [sflag:$0x2] =	stream.indirect_vreg.gather [hbm4b:s3+s4], $0x80, v4, vm0, $0xb8;
	[tilespmem:$0x11000] =	vst v63  }
0x466: {  	v3 =	vperm.xlane v3, v2;
	s28 =	simm.s32 $0xD800  }
0x467: {  	[tilespmem:s28], [sflag:$0x2] =	stream.indirect_vreg.gather [hbm4b:s8+s4], $0x80, v4, vm0, $0xb8;
	[tilespmem:$0x11000] =	vst v63  }
0x468: {  	s20 =	simm.s32 $0xE000;
	v3 =	vadd.s32 v1, v3  }
0x469: {  	[tilespmem:s20], [sflag:$0x2] =	stream.indirect_vreg.gather [hbm4b:s9+s4], $0x80, v4, vm0, $0xb8;
	[tilespmem:$0x11000] =	vst v63  }
0x46a: {  	s21 =	simm.s32 $0xE800  }
0x46b: {  	[tilespmem:s21], [sflag:$0x2] =	stream.indirect_vreg.gather [hbm4b:s10+s4], $0x80, v4, vm0, $0xb8;
	[tilespmem:$0x11000] =	vst v63  }
0x46c: {  	s23 =	simm.s32 $0xF000  }
0x46d: {  	[tilespmem:s23], [sflag:$0x2] =	stream.indirect_vreg.gather [hbm4b:s3+s4], $0x80, v3, vm0, $0xb8;
	[tilespmem:$0x11000] =	vst v63  }
0x46e: {  	s28 =	simm.s32 $0xF800  }
0x46f: {  	[tilespmem:s28], [sflag:$0x2] =	stream.indirect_vreg.gather [hbm4b:s8+s4], $0x80, v3, vm0, $0xb8;
	[tilespmem:$0x11000] =	vst v63  }
0x470: {  	s28 =	simm.s32 $0x10000  }
0x471: {  	[tilespmem:s28], [sflag:$0x2] =	stream.indirect_vreg.gather [hbm4b:s9+s4], $0x80, v3, vm0, $0xb8;
	[tilespmem:$0x11000] =	vst v63  }
0x472: {  	s22 =	simm.s32 $0x10800  }
0x473: {  	[tilespmem:s22], [sflag:$0x2] =	stream.indirect_vreg.gather [hbm4b:s10+s4], $0x80, v3, vm0, $0xb8;
	[tilespmem:$0x11000] =	vst v63  }
0x474: {  	_ =	swait.ge [sflag:s25], $0x8000  }
0x475: {  	[sflag:s25] =	ssyncset.done $0x0  }
0x476: {  	s28 =	rddreg [dreg:$0x1b];
	[sflag:s25] =	ssyncadd.s32 $0xFFFF8000  }
0x477: {  	[hbm4b:s28+s4] =	stream.linear.scatter [tilespmem:s24], [sflag:$0x3], $0x8000, $0x38;
	[tilespmem:$0x11000] =	vst v63  }
0x478: {  	_ =	swait.ge [sflag:s12], $0x8000  }
0x479: {  	[sflag:s12] =	ssyncset.done $0x0  }
0x47a: {  	[sflag:s12] =	ssyncadd.s32 $0xFFFF8000  }
0x47b: {  	_ =	swait.ge [sflag:s26], $0x8000  }
0x47c: {  	[sflag:s26] =	ssyncset.done $0x0  }
0x47d: {  	s28 =	rddreg [dreg:$0x1c];
	[sflag:s26] =	ssyncadd.s32 $0xFFFF8000  }
0x47e: {  	[hbm4b:s28+s4] =	stream.linear.scatter [tilespmem:s30], [sflag:$0x3], $0x8000, $0x38;
	[tilespmem:$0x11000] =	vst v63  }
0x47f: {  	_ =	swait.ge [sflag:s12], $0x8000  }
0x480: {  	[sflag:s12] =	ssyncset.done $0x0  }
0x481: {  	[sflag:s12] =	ssyncadd.s32 $0xFFFF8000  }
0x482: {  	v3 =	vld [tilespmem:$0x580];
	_ =	sdelay $0x4  }
0x483: {  	v44 =	vshll.u32 v3, $0x3  }
0x484: {  	v3 =	vand.u32 $0x7, v3;
	v4 =	vand.u32 $0xFFFFFFC0, v44  }
0x485: {  	v3 =	vor.u32 v3, v4  }
0x486: {  	v4 =	vperm.xlane v3, v0;
	_ =	sdelay $0x1  }
0x487: {  	v4 =	vadd.s32 v1, v4;
	_ =	sdelay $0x4  }
0x488: {  	[tilespmem:s24], [sflag:$0x1] =	stream.indirect_vreg.gather [hbm4b:s2+s4], $0x80, v4, vm0, $0xb8;
	[tilespmem:$0x11000] =	vst v63  }
0x489: {  	s28 =	simm.s32 $0x1800;
	v3 =	vperm.xlane v3, v2  }
0x48a: {  	[tilespmem:s28], [sflag:$0x1] =	stream.indirect_vreg.gather [hbm4b:s5+s4], $0x80, v4, vm0, $0xb8;
	[tilespmem:$0x11000] =	vst v63  }
0x48b: {  	v3 =	vadd.s32 v1, v3;
	s28 =	simm.s32 $0x2000  }
0x48c: {  	[tilespmem:s28], [sflag:$0x1] =	stream.indirect_vreg.gather [hbm4b:s6+s4], $0x80, v4, vm0, $0xb8;
	[tilespmem:$0x11000] =	vst v63  }
0x48d: {  	s0 =	simm.s32 $0x2800  }
0x48e: {  	[tilespmem:s0], [sflag:$0x1] =	stream.indirect_vreg.gather [hbm4b:s7+s4], $0x80, v4, vm0, $0xb8;
	[tilespmem:$0x11000] =	vst v63  }
0x48f: {  	s1 =	simm.s32 $0x3000  }
0x490: {  	[tilespmem:s1], [sflag:$0x1] =	stream.indirect_vreg.gather [hbm4b:s2+s4], $0x80, v3, vm0, $0xb8;
	[tilespmem:$0x11000] =	vst v63  }
0x491: {  	s11 =	simm.s32 $0x3800  }
0x492: {  	[tilespmem:s11], [sflag:$0x1] =	stream.indirect_vreg.gather [hbm4b:s5+s4], $0x80, v3, vm0, $0xb8;
	[tilespmem:$0x11000] =	vst v63  }
0x493: {  	s13 =	simm.s32 $0x4000  }
0x494: {  	[tilespmem:s13], [sflag:$0x1] =	stream.indirect_vreg.gather [hbm4b:s6+s4], $0x80, v3, vm0, $0xb8;
	[tilespmem:$0x11000] =	vst v63  }
0x495: {  	s28 =	simm.s32 $0x4800  }
0x496: {  	[tilespmem:s28], [sflag:$0x1] =	stream.indirect_vreg.gather [hbm4b:s7+s4], $0x80, v3, vm0, $0xb8;
	[tilespmem:$0x11000] =	vst v63  }
0x497: {  	v3 =	vld [tilespmem:$0x590];
	_ =	sdelay $0x4  }
0x498: {  	v45 =	vshll.u32 v3, $0x3  }
0x499: {  	v3 =	vand.u32 $0x7, v3;
	v4 =	vand.u32 $0xFFFFFFC0, v45  }
0x49a: {  	v3 =	vor.u32 v3, v4  }
0x49b: {  	v4 =	vperm.xlane v3, v0;
	_ =	sdelay $0x1  }
0x49c: {  	v4 =	vadd.s32 v1, v4;
	_ =	sdelay $0x3  }
0x49d: {  	s28 =	simm.s32 $0x5000  }
0x49e: {  	[tilespmem:s28], [sflag:$0x1] =	stream.indirect_vreg.gather [hbm4b:s2+s4], $0x80, v4, vm0, $0xb8;
	[tilespmem:$0x11000] =	vst v63  }
0x49f: {  	v3 =	vperm.xlane v3, v2;
	s28 =	simm.s32 $0x5800  }
0x4a0: {  	[tilespmem:s28], [sflag:$0x1] =	stream.indirect_vreg.gather [hbm4b:s5+s4], $0x80, v4, vm0, $0xb8;
	[tilespmem:$0x11000] =	vst v63  }
0x4a1: {  	s14 =	simm.s32 $0x6000;
	v3 =	vadd.s32 v1, v3  }
0x4a2: {  	[tilespmem:s14], [sflag:$0x1] =	stream.indirect_vreg.gather [hbm4b:s6+s4], $0x80, v4, vm0, $0xb8;
	[tilespmem:$0x11000] =	vst v63  }
0x4a3: {  	s15 =	simm.s32 $0x6800  }
0x4a4: {  	[tilespmem:s15], [sflag:$0x1] =	stream.indirect_vreg.gather [hbm4b:s7+s4], $0x80, v4, vm0, $0xb8;
	[tilespmem:$0x11000] =	vst v63  }
0x4a5: {  	s16 =	simm.s32 $0x7000  }
0x4a6: {  	[tilespmem:s16], [sflag:$0x1] =	stream.indirect_vreg.gather [hbm4b:s2+s4], $0x80, v3, vm0, $0xb8;
	[tilespmem:$0x11000] =	vst v63  }
0x4a7: {  	s17 =	simm.s32 $0x7800  }
0x4a8: {  	[tilespmem:s17], [sflag:$0x1] =	stream.indirect_vreg.gather [hbm4b:s5+s4], $0x80, v3, vm0, $0xb8;
	[tilespmem:$0x11000] =	vst v63  }
0x4a9: {  	s18 =	simm.s32 $0x8000  }
0x4aa: {  	[tilespmem:s18], [sflag:$0x1] =	stream.indirect_vreg.gather [hbm4b:s6+s4], $0x80, v3, vm0, $0xb8;
	[tilespmem:$0x11000] =	vst v63  }
0x4ab: {  	s19 =	simm.s32 $0x8800  }
0x4ac: {  	[tilespmem:s19], [sflag:$0x1] =	stream.indirect_vreg.gather [hbm4b:s7+s4], $0x80, v3, vm0, $0xb8;
	[tilespmem:$0x11000] =	vst v63  }
0x4ad: {  	v3 =	vld [tilespmem:$0xD80];
	_ =	sdelay $0x4  }
0x4ae: {  	v46 =	vshll.u32 v3, $0x3  }
0x4af: {  	v3 =	vand.u32 $0x7, v3;
	v4 =	vand.u32 $0xFFFFFFC0, v46  }
0x4b0: {  	v3 =	vor.u32 v3, v4  }
0x4b1: {  	v4 =	vperm.xlane v3, v0;
	_ =	sdelay $0x1  }
0x4b2: {  	v4 =	vadd.s32 v1, v4;
	_ =	sdelay $0x4  }
0x4b3: {  	[tilespmem:s30], [sflag:$0x2] =	stream.indirect_vreg.gather [hbm4b:s3+s4], $0x80, v4, vm0, $0xb8;
	[tilespmem:$0x11000] =	vst v63  }
0x4b4: {  	s28 =	simm.s32 $0x9800;
	v3 =	vperm.xlane v3, v2  }
0x4b5: {  	[tilespmem:s28], [sflag:$0x2] =	stream.indirect_vreg.gather [hbm4b:s8+s4], $0x80, v4, vm0, $0xb8;
	[tilespmem:$0x11000] =	vst v63  }
0x4b6: {  	s29 =	simm.s32 $0xA000;
	v3 =	vadd.s32 v1, v3  }
0x4b7: {  	[tilespmem:s29], [sflag:$0x2] =	stream.indirect_vreg.gather [hbm4b:s9+s4], $0x80, v4, vm0, $0xb8;
	[tilespmem:$0x11000] =	vst v63  }
0x4b8: {  	s31 =	simm.s32 $0xA800  }
0x4b9: {  	[tilespmem:s31], [sflag:$0x2] =	stream.indirect_vreg.gather [hbm4b:s10+s4], $0x80, v4, vm0, $0xb8;
	[tilespmem:$0x11000] =	vst v63  }
0x4ba: {  	s28 =	simm.s32 $0xB000  }
0x4bb: {  	[tilespmem:s28], [sflag:$0x2] =	stream.indirect_vreg.gather [hbm4b:s3+s4], $0x80, v3, vm0, $0xb8;
	[tilespmem:$0x11000] =	vst v63  }
0x4bc: {  	s28 =	simm.s32 $0xB800  }
0x4bd: {  	[tilespmem:s28], [sflag:$0x2] =	stream.indirect_vreg.gather [hbm4b:s8+s4], $0x80, v3, vm0, $0xb8;
	[tilespmem:$0x11000] =	vst v63  }
0x4be: {  	s28 =	simm.s32 $0xC000  }
0x4bf: {  	[tilespmem:s28], [sflag:$0x2] =	stream.indirect_vreg.gather [hbm4b:s9+s4], $0x80, v3, vm0, $0xb8;
	[tilespmem:$0x11000] =	vst v63  }
0x4c0: {  	s28 =	simm.s32 $0xC800  }
0x4c1: {  	[tilespmem:s28], [sflag:$0x2] =	stream.indirect_vreg.gather [hbm4b:s10+s4], $0x80, v3, vm0, $0xb8;
	[tilespmem:$0x11000] =	vst v63  }
0x4c2: {  	v3 =	vld [tilespmem:$0xD90];
	_ =	sdelay $0x4  }
0x4c3: {  	v47 =	vshll.u32 v3, $0x3  }
0x4c4: {  	v3 =	vand.u32 $0x7, v3;
	v4 =	vand.u32 $0xFFFFFFC0, v47  }
0x4c5: {  	v3 =	vor.u32 v3, v4  }
0x4c6: {  	v4 =	vperm.xlane v3, v0;
	_ =	sdelay $0x1  }
0x4c7: {  	v4 =	vadd.s32 v1, v4;
	_ =	sdelay $0x3  }
0x4c8: {  	s28 =	simm.s32 $0xD000  }
0x4c9: {  	[tilespmem:s28], [sflag:$0x2] =	stream.indirect_vreg.gather [hbm4b:s3+s4], $0x80, v4, vm0, $0xb8;
	[tilespmem:$0x11000] =	vst v63  }
0x4ca: {  	v3 =	vperm.xlane v3, v2;
	s28 =	simm.s32 $0xD800  }
0x4cb: {  	[tilespmem:s28], [sflag:$0x2] =	stream.indirect_vreg.gather [hbm4b:s8+s4], $0x80, v4, vm0, $0xb8;
	[tilespmem:$0x11000] =	vst v63  }
0x4cc: {  	s20 =	simm.s32 $0xE000;
	v3 =	vadd.s32 v1, v3  }
0x4cd: {  	[tilespmem:s20], [sflag:$0x2] =	stream.indirect_vreg.gather [hbm4b:s9+s4], $0x80, v4, vm0, $0xb8;
	[tilespmem:$0x11000] =	vst v63  }
0x4ce: {  	s21 =	simm.s32 $0xE800  }
0x4cf: {  	[tilespmem:s21], [sflag:$0x2] =	stream.indirect_vreg.gather [hbm4b:s10+s4], $0x80, v4, vm0, $0xb8;
	[tilespmem:$0x11000] =	vst v63  }
0x4d0: {  	s23 =	simm.s32 $0xF000  }
0x4d1: {  	[tilespmem:s23], [sflag:$0x2] =	stream.indirect_vreg.gather [hbm4b:s3+s4], $0x80, v3, vm0, $0xb8;
	[tilespmem:$0x11000] =	vst v63  }
0x4d2: {  	s28 =	simm.s32 $0xF800  }
0x4d3: {  	[tilespmem:s28], [sflag:$0x2] =	stream.indirect_vreg.gather [hbm4b:s8+s4], $0x80, v3, vm0, $0xb8;
	[tilespmem:$0x11000] =	vst v63  }
0x4d4: {  	s28 =	simm.s32 $0x10000  }
0x4d5: {  	[tilespmem:s28], [sflag:$0x2] =	stream.indirect_vreg.gather [hbm4b:s9+s4], $0x80, v3, vm0, $0xb8;
	[tilespmem:$0x11000] =	vst v63  }
0x4d6: {  	s22 =	simm.s32 $0x10800  }
0x4d7: {  	[tilespmem:s22], [sflag:$0x2] =	stream.indirect_vreg.gather [hbm4b:s10+s4], $0x80, v3, vm0, $0xb8;
	[tilespmem:$0x11000] =	vst v63  }
0x4d8: {  	_ =	swait.ge [sflag:s25], $0x8000  }
0x4d9: {  	[sflag:s25] =	ssyncset.done $0x0  }
0x4da: {  	s28 =	rddreg [dreg:$0x1d];
	[sflag:s25] =	ssyncadd.s32 $0xFFFF8000  }
0x4db: {  	[hbm4b:s28+s4] =	stream.linear.scatter [tilespmem:s24], [sflag:$0x3], $0x8000, $0x38;
	[tilespmem:$0x11000] =	vst v63  }
0x4dc: {  	_ =	swait.ge [sflag:s12], $0x8000  }
0x4dd: {  	[sflag:s12] =	ssyncset.done $0x0  }
0x4de: {  	[sflag:s12] =	ssyncadd.s32 $0xFFFF8000  }
0x4df: {  	_ =	swait.ge [sflag:s26], $0x8000  }
0x4e0: {  	[sflag:s26] =	ssyncset.done $0x0  }
0x4e1: {  	s28 =	rddreg [dreg:$0x1e];
	[sflag:s26] =	ssyncadd.s32 $0xFFFF8000  }
0x4e2: {  	[hbm4b:s28+s4] =	stream.linear.scatter [tilespmem:s30], [sflag:$0x3], $0x8000, $0x38;
	[tilespmem:$0x11000] =	vst v63  }
0x4e3: {  	_ =	swait.ge [sflag:s12], $0x8000  }
0x4e4: {  	[sflag:s12] =	ssyncset.done $0x0  }
0x4e5: {  	[sflag:s12] =	ssyncadd.s32 $0xFFFF8000  }
0x4e6: {  	v3 =	vld [tilespmem:$0x600];
	_ =	sdelay $0x4  }
0x4e7: {  	v48 =	vshll.u32 v3, $0x3  }
0x4e8: {  	v3 =	vand.u32 $0x7, v3;
	v4 =	vand.u32 $0xFFFFFFC0, v48  }
0x4e9: {  	v3 =	vor.u32 v3, v4  }
0x4ea: {  	v4 =	vperm.xlane v3, v0;
	_ =	sdelay $0x1  }
0x4eb: {  	v4 =	vadd.s32 v1, v4;
	_ =	sdelay $0x4  }
0x4ec: {  	[tilespmem:s24], [sflag:$0x1] =	stream.indirect_vreg.gather [hbm4b:s2+s4], $0x80, v4, vm0, $0xb8;
	[tilespmem:$0x11000] =	vst v63  }
0x4ed: {  	s28 =	simm.s32 $0x1800;
	v3 =	vperm.xlane v3, v2  }
0x4ee: {  	[tilespmem:s28], [sflag:$0x1] =	stream.indirect_vreg.gather [hbm4b:s5+s4], $0x80, v4, vm0, $0xb8;
	[tilespmem:$0x11000] =	vst v63  }
0x4ef: {  	v3 =	vadd.s32 v1, v3;
	s28 =	simm.s32 $0x2000  }
0x4f0: {  	[tilespmem:s28], [sflag:$0x1] =	stream.indirect_vreg.gather [hbm4b:s6+s4], $0x80, v4, vm0, $0xb8;
	[tilespmem:$0x11000] =	vst v63  }
0x4f1: {  	s0 =	simm.s32 $0x2800  }
0x4f2: {  	[tilespmem:s0], [sflag:$0x1] =	stream.indirect_vreg.gather [hbm4b:s7+s4], $0x80, v4, vm0, $0xb8;
	[tilespmem:$0x11000] =	vst v63  }
0x4f3: {  	s1 =	simm.s32 $0x3000  }
0x4f4: {  	[tilespmem:s1], [sflag:$0x1] =	stream.indirect_vreg.gather [hbm4b:s2+s4], $0x80, v3, vm0, $0xb8;
	[tilespmem:$0x11000] =	vst v63  }
0x4f5: {  	s11 =	simm.s32 $0x3800  }
0x4f6: {  	[tilespmem:s11], [sflag:$0x1] =	stream.indirect_vreg.gather [hbm4b:s5+s4], $0x80, v3, vm0, $0xb8;
	[tilespmem:$0x11000] =	vst v63  }
0x4f7: {  	s13 =	simm.s32 $0x4000  }
0x4f8: {  	[tilespmem:s13], [sflag:$0x1] =	stream.indirect_vreg.gather [hbm4b:s6+s4], $0x80, v3, vm0, $0xb8;
	[tilespmem:$0x11000] =	vst v63  }
0x4f9: {  	s28 =	simm.s32 $0x4800  }
0x4fa: {  	[tilespmem:s28], [sflag:$0x1] =	stream.indirect_vreg.gather [hbm4b:s7+s4], $0x80, v3, vm0, $0xb8;
	[tilespmem:$0x11000] =	vst v63  }
0x4fb: {  	v3 =	vld [tilespmem:$0x610];
	_ =	sdelay $0x4  }
0x4fc: {  	v49 =	vshll.u32 v3, $0x3  }
0x4fd: {  	v3 =	vand.u32 $0x7, v3;
	v4 =	vand.u32 $0xFFFFFFC0, v49  }
0x4fe: {  	v3 =	vor.u32 v3, v4  }
0x4ff: {  	v4 =	vperm.xlane v3, v0;
	_ =	sdelay $0x1  }
0x500: {  	v4 =	vadd.s32 v1, v4;
	_ =	sdelay $0x3  }
0x501: {  	s28 =	simm.s32 $0x5000  }
0x502: {  	[tilespmem:s28], [sflag:$0x1] =	stream.indirect_vreg.gather [hbm4b:s2+s4], $0x80, v4, vm0, $0xb8;
	[tilespmem:$0x11000] =	vst v63  }
0x503: {  	v3 =	vperm.xlane v3, v2;
	s28 =	simm.s32 $0x5800  }
0x504: {  	[tilespmem:s28], [sflag:$0x1] =	stream.indirect_vreg.gather [hbm4b:s5+s4], $0x80, v4, vm0, $0xb8;
	[tilespmem:$0x11000] =	vst v63  }
0x505: {  	s14 =	simm.s32 $0x6000;
	v3 =	vadd.s32 v1, v3  }
0x506: {  	[tilespmem:s14], [sflag:$0x1] =	stream.indirect_vreg.gather [hbm4b:s6+s4], $0x80, v4, vm0, $0xb8;
	[tilespmem:$0x11000] =	vst v63  }
0x507: {  	s15 =	simm.s32 $0x6800  }
0x508: {  	[tilespmem:s15], [sflag:$0x1] =	stream.indirect_vreg.gather [hbm4b:s7+s4], $0x80, v4, vm0, $0xb8;
	[tilespmem:$0x11000] =	vst v63  }
0x509: {  	s16 =	simm.s32 $0x7000  }
0x50a: {  	[tilespmem:s16], [sflag:$0x1] =	stream.indirect_vreg.gather [hbm4b:s2+s4], $0x80, v3, vm0, $0xb8;
	[tilespmem:$0x11000] =	vst v63  }
0x50b: {  	s17 =	simm.s32 $0x7800  }
0x50c: {  	[tilespmem:s17], [sflag:$0x1] =	stream.indirect_vreg.gather [hbm4b:s5+s4], $0x80, v3, vm0, $0xb8;
	[tilespmem:$0x11000] =	vst v63  }
0x50d: {  	s18 =	simm.s32 $0x8000  }
0x50e: {  	[tilespmem:s18], [sflag:$0x1] =	stream.indirect_vreg.gather [hbm4b:s6+s4], $0x80, v3, vm0, $0xb8;
	[tilespmem:$0x11000] =	vst v63  }
0x50f: {  	s19 =	simm.s32 $0x8800  }
0x510: {  	[tilespmem:s19], [sflag:$0x1] =	stream.indirect_vreg.gather [hbm4b:s7+s4], $0x80, v3, vm0, $0xb8;
	[tilespmem:$0x11000] =	vst v63  }
0x511: {  	v3 =	vld [tilespmem:$0xE00];
	_ =	sdelay $0x4  }
0x512: {  	v50 =	vshll.u32 v3, $0x3  }
0x513: {  	v3 =	vand.u32 $0x7, v3;
	v4 =	vand.u32 $0xFFFFFFC0, v50  }
0x514: {  	v3 =	vor.u32 v3, v4  }
0x515: {  	v4 =	vperm.xlane v3, v0;
	_ =	sdelay $0x1  }
0x516: {  	v4 =	vadd.s32 v1, v4;
	_ =	sdelay $0x4  }
0x517: {  	[tilespmem:s30], [sflag:$0x2] =	stream.indirect_vreg.gather [hbm4b:s3+s4], $0x80, v4, vm0, $0xb8;
	[tilespmem:$0x11000] =	vst v63  }
0x518: {  	s28 =	simm.s32 $0x9800;
	v3 =	vperm.xlane v3, v2  }
0x519: {  	[tilespmem:s28], [sflag:$0x2] =	stream.indirect_vreg.gather [hbm4b:s8+s4], $0x80, v4, vm0, $0xb8;
	[tilespmem:$0x11000] =	vst v63  }
0x51a: {  	s29 =	simm.s32 $0xA000;
	v3 =	vadd.s32 v1, v3  }
0x51b: {  	[tilespmem:s29], [sflag:$0x2] =	stream.indirect_vreg.gather [hbm4b:s9+s4], $0x80, v4, vm0, $0xb8;
	[tilespmem:$0x11000] =	vst v63  }
0x51c: {  	s31 =	simm.s32 $0xA800  }
0x51d: {  	[tilespmem:s31], [sflag:$0x2] =	stream.indirect_vreg.gather [hbm4b:s10+s4], $0x80, v4, vm0, $0xb8;
	[tilespmem:$0x11000] =	vst v63  }
0x51e: {  	s28 =	simm.s32 $0xB000  }
0x51f: {  	[tilespmem:s28], [sflag:$0x2] =	stream.indirect_vreg.gather [hbm4b:s3+s4], $0x80, v3, vm0, $0xb8;
	[tilespmem:$0x11000] =	vst v63  }
0x520: {  	s28 =	simm.s32 $0xB800  }
0x521: {  	[tilespmem:s28], [sflag:$0x2] =	stream.indirect_vreg.gather [hbm4b:s8+s4], $0x80, v3, vm0, $0xb8;
	[tilespmem:$0x11000] =	vst v63  }
0x522: {  	s28 =	simm.s32 $0xC000  }
0x523: {  	[tilespmem:s28], [sflag:$0x2] =	stream.indirect_vreg.gather [hbm4b:s9+s4], $0x80, v3, vm0, $0xb8;
	[tilespmem:$0x11000] =	vst v63  }
0x524: {  	s28 =	simm.s32 $0xC800  }
0x525: {  	[tilespmem:s28], [sflag:$0x2] =	stream.indirect_vreg.gather [hbm4b:s10+s4], $0x80, v3, vm0, $0xb8;
	[tilespmem:$0x11000] =	vst v63  }
0x526: {  	v3 =	vld [tilespmem:$0xE10];
	_ =	sdelay $0x4  }
0x527: {  	v51 =	vshll.u32 v3, $0x3  }
0x528: {  	v3 =	vand.u32 $0x7, v3;
	v4 =	vand.u32 $0xFFFFFFC0, v51  }
0x529: {  	v3 =	vor.u32 v3, v4  }
0x52a: {  	v4 =	vperm.xlane v3, v0;
	_ =	sdelay $0x1  }
0x52b: {  	v4 =	vadd.s32 v1, v4;
	_ =	sdelay $0x3  }
0x52c: {  	s28 =	simm.s32 $0xD000  }
0x52d: {  	[tilespmem:s28], [sflag:$0x2] =	stream.indirect_vreg.gather [hbm4b:s3+s4], $0x80, v4, vm0, $0xb8;
	[tilespmem:$0x11000] =	vst v63  }
0x52e: {  	v3 =	vperm.xlane v3, v2;
	s28 =	simm.s32 $0xD800  }
0x52f: {  	[tilespmem:s28], [sflag:$0x2] =	stream.indirect_vreg.gather [hbm4b:s8+s4], $0x80, v4, vm0, $0xb8;
	[tilespmem:$0x11000] =	vst v63  }
0x530: {  	s20 =	simm.s32 $0xE000;
	v3 =	vadd.s32 v1, v3  }
0x531: {  	[tilespmem:s20], [sflag:$0x2] =	stream.indirect_vreg.gather [hbm4b:s9+s4], $0x80, v4, vm0, $0xb8;
	[tilespmem:$0x11000] =	vst v63  }
0x532: {  	s21 =	simm.s32 $0xE800  }
0x533: {  	[tilespmem:s21], [sflag:$0x2] =	stream.indirect_vreg.gather [hbm4b:s10+s4], $0x80, v4, vm0, $0xb8;
	[tilespmem:$0x11000] =	vst v63  }
0x534: {  	s23 =	simm.s32 $0xF000  }
0x535: {  	[tilespmem:s23], [sflag:$0x2] =	stream.indirect_vreg.gather [hbm4b:s3+s4], $0x80, v3, vm0, $0xb8;
	[tilespmem:$0x11000] =	vst v63  }
0x536: {  	s28 =	simm.s32 $0xF800  }
0x537: {  	[tilespmem:s28], [sflag:$0x2] =	stream.indirect_vreg.gather [hbm4b:s8+s4], $0x80, v3, vm0, $0xb8;
	[tilespmem:$0x11000] =	vst v63  }
0x538: {  	s28 =	simm.s32 $0x10000  }
0x539: {  	[tilespmem:s28], [sflag:$0x2] =	stream.indirect_vreg.gather [hbm4b:s9+s4], $0x80, v3, vm0, $0xb8;
	[tilespmem:$0x11000] =	vst v63  }
0x53a: {  	s22 =	simm.s32 $0x10800  }
0x53b: {  	[tilespmem:s22], [sflag:$0x2] =	stream.indirect_vreg.gather [hbm4b:s10+s4], $0x80, v3, vm0, $0xb8;
	[tilespmem:$0x11000] =	vst v63  }
0x53c: {  	_ =	swait.ge [sflag:s25], $0x8000  }
0x53d: {  	[sflag:s25] =	ssyncset.done $0x0  }
0x53e: {  	s28 =	rddreg [dreg:$0x1f];
	[sflag:s25] =	ssyncadd.s32 $0xFFFF8000  }
0x53f: {  	[hbm4b:s28+s4] =	stream.linear.scatter [tilespmem:s24], [sflag:$0x3], $0x8000, $0x38;
	[tilespmem:$0x11000] =	vst v63  }
0x540: {  	_ =	swait.ge [sflag:s12], $0x8000  }
0x541: {  	[sflag:s12] =	ssyncset.done $0x0  }
0x542: {  	[sflag:s12] =	ssyncadd.s32 $0xFFFF8000  }
0x543: {  	_ =	swait.ge [sflag:s26], $0x8000  }
0x544: {  	s28 =	sld [smem:$0x7F6]  }
0x545: {  	[sflag:s26] =	ssyncset.done $0x0  }
0x546: {  	[sflag:s26] =	ssyncadd.s32 $0xFFFF8000  }
0x547: {  	[hbm4b:s28+s4] =	stream.linear.scatter [tilespmem:s30], [sflag:$0x3], $0x8000, $0x38;
	[tilespmem:$0x11000] =	vst v63  }
0x548: {  	_ =	swait.ge [sflag:s12], $0x8000  }
0x549: {  	[sflag:s12] =	ssyncset.done $0x0  }
0x54a: {  	[sflag:s12] =	ssyncadd.s32 $0xFFFF8000  }
0x54b: {  	v3 =	vld [tilespmem:$0x680];
	_ =	sdelay $0x4  }
0x54c: {  	v52 =	vshll.u32 v3, $0x3  }
0x54d: {  	v3 =	vand.u32 $0x7, v3;
	v4 =	vand.u32 $0xFFFFFFC0, v52  }
0x54e: {  	v3 =	vor.u32 v3, v4  }
0x54f: {  	v4 =	vperm.xlane v3, v0;
	_ =	sdelay $0x1  }
0x550: {  	v4 =	vadd.s32 v1, v4;
	_ =	sdelay $0x4  }
0x551: {  	[tilespmem:s24], [sflag:$0x1] =	stream.indirect_vreg.gather [hbm4b:s2+s4], $0x80, v4, vm0, $0xb8;
	[tilespmem:$0x11000] =	vst v63  }
0x552: {  	s28 =	simm.s32 $0x1800;
	v3 =	vperm.xlane v3, v2  }
0x553: {  	[tilespmem:s28], [sflag:$0x1] =	stream.indirect_vreg.gather [hbm4b:s5+s4], $0x80, v4, vm0, $0xb8;
	[tilespmem:$0x11000] =	vst v63  }
0x554: {  	v3 =	vadd.s32 v1, v3;
	s28 =	simm.s32 $0x2000  }
0x555: {  	[tilespmem:s28], [sflag:$0x1] =	stream.indirect_vreg.gather [hbm4b:s6+s4], $0x80, v4, vm0, $0xb8;
	[tilespmem:$0x11000] =	vst v63  }
0x556: {  	s0 =	simm.s32 $0x2800  }
0x557: {  	[tilespmem:s0], [sflag:$0x1] =	stream.indirect_vreg.gather [hbm4b:s7+s4], $0x80, v4, vm0, $0xb8;
	[tilespmem:$0x11000] =	vst v63  }
0x558: {  	s1 =	simm.s32 $0x3000  }
0x559: {  	[tilespmem:s1], [sflag:$0x1] =	stream.indirect_vreg.gather [hbm4b:s2+s4], $0x80, v3, vm0, $0xb8;
	[tilespmem:$0x11000] =	vst v63  }
0x55a: {  	s11 =	simm.s32 $0x3800  }
0x55b: {  	[tilespmem:s11], [sflag:$0x1] =	stream.indirect_vreg.gather [hbm4b:s5+s4], $0x80, v3, vm0, $0xb8;
	[tilespmem:$0x11000] =	vst v63  }
0x55c: {  	s13 =	simm.s32 $0x4000  }
0x55d: {  	[tilespmem:s13], [sflag:$0x1] =	stream.indirect_vreg.gather [hbm4b:s6+s4], $0x80, v3, vm0, $0xb8;
	[tilespmem:$0x11000] =	vst v63  }
0x55e: {  	s28 =	simm.s32 $0x4800  }
0x55f: {  	[tilespmem:s28], [sflag:$0x1] =	stream.indirect_vreg.gather [hbm4b:s7+s4], $0x80, v3, vm0, $0xb8;
	[tilespmem:$0x11000] =	vst v63  }
0x560: {  	v3 =	vld [tilespmem:$0x690];
	_ =	sdelay $0x4  }
0x561: {  	v53 =	vshll.u32 v3, $0x3  }
0x562: {  	v3 =	vand.u32 $0x7, v3;
	v4 =	vand.u32 $0xFFFFFFC0, v53  }
0x563: {  	v3 =	vor.u32 v3, v4  }
0x564: {  	v4 =	vperm.xlane v3, v0;
	_ =	sdelay $0x1  }
0x565: {  	v4 =	vadd.s32 v1, v4;
	_ =	sdelay $0x3  }
0x566: {  	s28 =	simm.s32 $0x5000  }
0x567: {  	[tilespmem:s28], [sflag:$0x1] =	stream.indirect_vreg.gather [hbm4b:s2+s4], $0x80, v4, vm0, $0xb8;
	[tilespmem:$0x11000] =	vst v63  }
0x568: {  	v3 =	vperm.xlane v3, v2;
	s28 =	simm.s32 $0x5800  }
0x569: {  	[tilespmem:s28], [sflag:$0x1] =	stream.indirect_vreg.gather [hbm4b:s5+s4], $0x80, v4, vm0, $0xb8;
	[tilespmem:$0x11000] =	vst v63  }
0x56a: {  	s14 =	simm.s32 $0x6000;
	v3 =	vadd.s32 v1, v3  }
0x56b: {  	[tilespmem:s14], [sflag:$0x1] =	stream.indirect_vreg.gather [hbm4b:s6+s4], $0x80, v4, vm0, $0xb8;
	[tilespmem:$0x11000] =	vst v63  }
0x56c: {  	s15 =	simm.s32 $0x6800  }
0x56d: {  	[tilespmem:s15], [sflag:$0x1] =	stream.indirect_vreg.gather [hbm4b:s7+s4], $0x80, v4, vm0, $0xb8;
	[tilespmem:$0x11000] =	vst v63  }
0x56e: {  	s16 =	simm.s32 $0x7000  }
0x56f: {  	[tilespmem:s16], [sflag:$0x1] =	stream.indirect_vreg.gather [hbm4b:s2+s4], $0x80, v3, vm0, $0xb8;
	[tilespmem:$0x11000] =	vst v63  }
0x570: {  	s17 =	simm.s32 $0x7800  }
0x571: {  	[tilespmem:s17], [sflag:$0x1] =	stream.indirect_vreg.gather [hbm4b:s5+s4], $0x80, v3, vm0, $0xb8;
	[tilespmem:$0x11000] =	vst v63  }
0x572: {  	s18 =	simm.s32 $0x8000  }
0x573: {  	[tilespmem:s18], [sflag:$0x1] =	stream.indirect_vreg.gather [hbm4b:s6+s4], $0x80, v3, vm0, $0xb8;
	[tilespmem:$0x11000] =	vst v63  }
0x574: {  	s19 =	simm.s32 $0x8800  }
0x575: {  	[tilespmem:s19], [sflag:$0x1] =	stream.indirect_vreg.gather [hbm4b:s7+s4], $0x80, v3, vm0, $0xb8;
	[tilespmem:$0x11000] =	vst v63  }
0x576: {  	v3 =	vld [tilespmem:$0xE80];
	_ =	sdelay $0x4  }
0x577: {  	v54 =	vshll.u32 v3, $0x3  }
0x578: {  	v3 =	vand.u32 $0x7, v3;
	v4 =	vand.u32 $0xFFFFFFC0, v54  }
0x579: {  	v3 =	vor.u32 v3, v4  }
0x57a: {  	v4 =	vperm.xlane v3, v0;
	_ =	sdelay $0x1  }
0x57b: {  	v4 =	vadd.s32 v1, v4;
	_ =	sdelay $0x4  }
0x57c: {  	[tilespmem:s30], [sflag:$0x2] =	stream.indirect_vreg.gather [hbm4b:s3+s4], $0x80, v4, vm0, $0xb8;
	[tilespmem:$0x11000] =	vst v63  }
0x57d: {  	s28 =	simm.s32 $0x9800;
	v3 =	vperm.xlane v3, v2  }
0x57e: {  	[tilespmem:s28], [sflag:$0x2] =	stream.indirect_vreg.gather [hbm4b:s8+s4], $0x80, v4, vm0, $0xb8;
	[tilespmem:$0x11000] =	vst v63  }
0x57f: {  	s29 =	simm.s32 $0xA000;
	v3 =	vadd.s32 v1, v3  }
0x580: {  	[tilespmem:s29], [sflag:$0x2] =	stream.indirect_vreg.gather [hbm4b:s9+s4], $0x80, v4, vm0, $0xb8;
	[tilespmem:$0x11000] =	vst v63  }
0x581: {  	s31 =	simm.s32 $0xA800  }
0x582: {  	[tilespmem:s31], [sflag:$0x2] =	stream.indirect_vreg.gather [hbm4b:s10+s4], $0x80, v4, vm0, $0xb8;
	[tilespmem:$0x11000] =	vst v63  }
0x583: {  	s28 =	simm.s32 $0xB000  }
0x584: {  	[tilespmem:s28], [sflag:$0x2] =	stream.indirect_vreg.gather [hbm4b:s3+s4], $0x80, v3, vm0, $0xb8;
	[tilespmem:$0x11000] =	vst v63  }
0x585: {  	s28 =	simm.s32 $0xB800  }
0x586: {  	[tilespmem:s28], [sflag:$0x2] =	stream.indirect_vreg.gather [hbm4b:s8+s4], $0x80, v3, vm0, $0xb8;
	[tilespmem:$0x11000] =	vst v63  }
0x587: {  	s28 =	simm.s32 $0xC000  }
0x588: {  	[tilespmem:s28], [sflag:$0x2] =	stream.indirect_vreg.gather [hbm4b:s9+s4], $0x80, v3, vm0, $0xb8;
	[tilespmem:$0x11000] =	vst v63  }
0x589: {  	s28 =	simm.s32 $0xC800  }
0x58a: {  	[tilespmem:s28], [sflag:$0x2] =	stream.indirect_vreg.gather [hbm4b:s10+s4], $0x80, v3, vm0, $0xb8;
	[tilespmem:$0x11000] =	vst v63  }
0x58b: {  	v3 =	vld [tilespmem:$0xE90];
	_ =	sdelay $0x4  }
0x58c: {  	v55 =	vshll.u32 v3, $0x3  }
0x58d: {  	v3 =	vand.u32 $0x7, v3;
	v4 =	vand.u32 $0xFFFFFFC0, v55  }
0x58e: {  	v3 =	vor.u32 v3, v4  }
0x58f: {  	v4 =	vperm.xlane v3, v0;
	_ =	sdelay $0x1  }
0x590: {  	v4 =	vadd.s32 v1, v4;
	_ =	sdelay $0x3  }
0x591: {  	s28 =	simm.s32 $0xD000  }
0x592: {  	[tilespmem:s28], [sflag:$0x2] =	stream.indirect_vreg.gather [hbm4b:s3+s4], $0x80, v4, vm0, $0xb8;
	[tilespmem:$0x11000] =	vst v63  }
0x593: {  	v3 =	vperm.xlane v3, v2;
	s28 =	simm.s32 $0xD800  }
0x594: {  	[tilespmem:s28], [sflag:$0x2] =	stream.indirect_vreg.gather [hbm4b:s8+s4], $0x80, v4, vm0, $0xb8;
	[tilespmem:$0x11000] =	vst v63  }
0x595: {  	s20 =	simm.s32 $0xE000;
	v3 =	vadd.s32 v1, v3  }
0x596: {  	[tilespmem:s20], [sflag:$0x2] =	stream.indirect_vreg.gather [hbm4b:s9+s4], $0x80, v4, vm0, $0xb8;
	[tilespmem:$0x11000] =	vst v63  }
0x597: {  	s21 =	simm.s32 $0xE800  }
0x598: {  	[tilespmem:s21], [sflag:$0x2] =	stream.indirect_vreg.gather [hbm4b:s10+s4], $0x80, v4, vm0, $0xb8;
	[tilespmem:$0x11000] =	vst v63  }
0x599: {  	s23 =	simm.s32 $0xF000  }
0x59a: {  	[tilespmem:s23], [sflag:$0x2] =	stream.indirect_vreg.gather [hbm4b:s3+s4], $0x80, v3, vm0, $0xb8;
	[tilespmem:$0x11000] =	vst v63  }
0x59b: {  	s21 =	simm.s32 $0xF800  }
0x59c: {  	[tilespmem:s21], [sflag:$0x2] =	stream.indirect_vreg.gather [hbm4b:s8+s4], $0x80, v3, vm0, $0xb8;
	[tilespmem:$0x11000] =	vst v63  }
0x59d: {  	s23 =	simm.s32 $0x10000  }
0x59e: {  	[tilespmem:s23], [sflag:$0x2] =	stream.indirect_vreg.gather [hbm4b:s9+s4], $0x80, v3, vm0, $0xb8;
	[tilespmem:$0x11000] =	vst v63  }
0x59f: {  	s22 =	simm.s32 $0x10800  }
0x5a0: {  	[tilespmem:s22], [sflag:$0x2] =	stream.indirect_vreg.gather [hbm4b:s10+s4], $0x80, v3, vm0, $0xb8;
	[tilespmem:$0x11000] =	vst v63  }
0x5a1: {  	_ =	swait.ge [sflag:s25], $0x8000  }
0x5a2: {  	s28 =	sld [smem:$0x7F7]  }
0x5a3: {  	[sflag:s25] =	ssyncset.done $0x0  }
0x5a4: {  	[sflag:s25] =	ssyncadd.s32 $0xFFFF8000  }
0x5a5: {  	[hbm4b:s28+s4] =	stream.linear.scatter [tilespmem:s24], [sflag:$0x3], $0x8000, $0x38;
	[tilespmem:$0x11000] =	vst v63  }
0x5a6: {  	_ =	swait.ge [sflag:s12], $0x8000  }
0x5a7: {  	[sflag:s12] =	ssyncset.done $0x0  }
0x5a8: {  	[sflag:s12] =	ssyncadd.s32 $0xFFFF8000  }
0x5a9: {  	_ =	swait.ge [sflag:s26], $0x8000  }
0x5aa: {  	s28 =	sld [smem:$0x7F8]  }
0x5ab: {  	[sflag:s26] =	ssyncset.done $0x0  }
0x5ac: {  	[sflag:s26] =	ssyncadd.s32 $0xFFFF8000  }
0x5ad: {  	[hbm4b:s28+s4] =	stream.linear.scatter [tilespmem:s30], [sflag:$0x3], $0x8000, $0x38;
	[tilespmem:$0x11000] =	vst v63  }
0x5ae: {  	_ =	swait.ge [sflag:s12], $0x8000  }
0x5af: {  	[sflag:s12] =	ssyncset.done $0x0  }
0x5b0: {  	[sflag:s12] =	ssyncadd.s32 $0xFFFF8000  }
0x5b1: {  	v3 =	vld [tilespmem:$0x700];
	_ =	sdelay $0x4  }
0x5b2: {  	v56 =	vshll.u32 v3, $0x3  }
0x5b3: {  	v3 =	vand.u32 $0x7, v3;
	v4 =	vand.u32 $0xFFFFFFC0, v56  }
0x5b4: {  	v3 =	vor.u32 v3, v4  }
0x5b5: {  	v4 =	vperm.xlane v3, v0;
	_ =	sdelay $0x1  }
0x5b6: {  	v4 =	vadd.s32 v1, v4;
	_ =	sdelay $0x4  }
0x5b7: {  	[tilespmem:s24], [sflag:$0x1] =	stream.indirect_vreg.gather [hbm4b:s2+s4], $0x80, v4, vm0, $0xb8;
	[tilespmem:$0x11000] =	vst v63  }
0x5b8: {  	s21 =	simm.s32 $0x1800;
	v3 =	vperm.xlane v3, v2  }
0x5b9: {  	[tilespmem:s21], [sflag:$0x1] =	stream.indirect_vreg.gather [hbm4b:s5+s4], $0x80, v4, vm0, $0xb8;
	[tilespmem:$0x11000] =	vst v63  }
0x5ba: {  	s22 =	simm.s32 $0x2000;
	v3 =	vadd.s32 v1, v3  }
0x5bb: {  	[tilespmem:s22], [sflag:$0x1] =	stream.indirect_vreg.gather [hbm4b:s6+s4], $0x80, v4, vm0, $0xb8;
	[tilespmem:$0x11000] =	vst v63  }
0x5bc: {  	s0 =	simm.s32 $0x2800  }
0x5bd: {  	[tilespmem:s0], [sflag:$0x1] =	stream.indirect_vreg.gather [hbm4b:s7+s4], $0x80, v4, vm0, $0xb8;
	[tilespmem:$0x11000] =	vst v63  }
0x5be: {  	s1 =	simm.s32 $0x3000  }
0x5bf: {  	[tilespmem:s1], [sflag:$0x1] =	stream.indirect_vreg.gather [hbm4b:s2+s4], $0x80, v3, vm0, $0xb8;
	[tilespmem:$0x11000] =	vst v63  }
0x5c0: {  	s11 =	simm.s32 $0x3800  }
0x5c1: {  	[tilespmem:s11], [sflag:$0x1] =	stream.indirect_vreg.gather [hbm4b:s5+s4], $0x80, v3, vm0, $0xb8;
	[tilespmem:$0x11000] =	vst v63  }
0x5c2: {  	s13 =	simm.s32 $0x4000  }
0x5c3: {  	[tilespmem:s13], [sflag:$0x1] =	stream.indirect_vreg.gather [hbm4b:s6+s4], $0x80, v3, vm0, $0xb8;
	[tilespmem:$0x11000] =	vst v63  }
0x5c4: {  	s23 =	simm.s32 $0x4800  }
0x5c5: {  	[tilespmem:s23], [sflag:$0x1] =	stream.indirect_vreg.gather [hbm4b:s7+s4], $0x80, v3, vm0, $0xb8;
	[tilespmem:$0x11000] =	vst v63  }
0x5c6: {  	v3 =	vld [tilespmem:$0x710];
	_ =	sdelay $0x4  }
0x5c7: {  	v57 =	vshll.u32 v3, $0x3  }
0x5c8: {  	v3 =	vand.u32 $0x7, v3;
	v4 =	vand.u32 $0xFFFFFFC0, v57  }
0x5c9: {  	v3 =	vor.u32 v3, v4  }
0x5ca: {  	v4 =	vperm.xlane v3, v0;
	_ =	sdelay $0x1  }
0x5cb: {  	v4 =	vadd.s32 v1, v4;
	_ =	sdelay $0x3  }
0x5cc: {  	s21 =	simm.s32 $0x5000  }
0x5cd: {  	[tilespmem:s21], [sflag:$0x1] =	stream.indirect_vreg.gather [hbm4b:s2+s4], $0x80, v4, vm0, $0xb8;
	[tilespmem:$0x11000] =	vst v63  }
0x5ce: {  	s23 =	simm.s32 $0x5800;
	v3 =	vperm.xlane v3, v2  }
0x5cf: {  	[tilespmem:s23], [sflag:$0x1] =	stream.indirect_vreg.gather [hbm4b:s5+s4], $0x80, v4, vm0, $0xb8;
	[tilespmem:$0x11000] =	vst v63  }
0x5d0: {  	s14 =	simm.s32 $0x6000;
	v3 =	vadd.s32 v1, v3  }
0x5d1: {  	[tilespmem:s14], [sflag:$0x1] =	stream.indirect_vreg.gather [hbm4b:s6+s4], $0x80, v4, vm0, $0xb8;
	[tilespmem:$0x11000] =	vst v63  }
0x5d2: {  	s15 =	simm.s32 $0x6800  }
0x5d3: {  	[tilespmem:s15], [sflag:$0x1] =	stream.indirect_vreg.gather [hbm4b:s7+s4], $0x80, v4, vm0, $0xb8;
	[tilespmem:$0x11000] =	vst v63  }
0x5d4: {  	s16 =	simm.s32 $0x7000  }
0x5d5: {  	[tilespmem:s16], [sflag:$0x1] =	stream.indirect_vreg.gather [hbm4b:s2+s4], $0x80, v3, vm0, $0xb8;
	[tilespmem:$0x11000] =	vst v63  }
0x5d6: {  	s17 =	simm.s32 $0x7800  }
0x5d7: {  	[tilespmem:s17], [sflag:$0x1] =	stream.indirect_vreg.gather [hbm4b:s5+s4], $0x80, v3, vm0, $0xb8;
	[tilespmem:$0x11000] =	vst v63  }
0x5d8: {  	s18 =	simm.s32 $0x8000  }
0x5d9: {  	[tilespmem:s18], [sflag:$0x1] =	stream.indirect_vreg.gather [hbm4b:s6+s4], $0x80, v3, vm0, $0xb8;
	[tilespmem:$0x11000] =	vst v63  }
0x5da: {  	s19 =	simm.s32 $0x8800  }
0x5db: {  	[tilespmem:s19], [sflag:$0x1] =	stream.indirect_vreg.gather [hbm4b:s7+s4], $0x80, v3, vm0, $0xb8;
	[tilespmem:$0x11000] =	vst v63  }
0x5dc: {  	v3 =	vld [tilespmem:$0xF00];
	_ =	sdelay $0x4  }
0x5dd: {  	v58 =	vshll.u32 v3, $0x3  }
0x5de: {  	v3 =	vand.u32 $0x7, v3;
	v4 =	vand.u32 $0xFFFFFFC0, v58  }
0x5df: {  	v3 =	vor.u32 v3, v4  }
0x5e0: {  	v4 =	vperm.xlane v3, v0;
	_ =	sdelay $0x1  }
0x5e1: {  	v4 =	vadd.s32 v1, v4;
	_ =	sdelay $0x4  }
0x5e2: {  	[tilespmem:s30], [sflag:$0x2] =	stream.indirect_vreg.gather [hbm4b:s3+s4], $0x80, v4, vm0, $0xb8;
	[tilespmem:$0x11000] =	vst v63  }
0x5e3: {  	s21 =	simm.s32 $0x9800;
	v3 =	vperm.xlane v3, v2  }
0x5e4: {  	[tilespmem:s21], [sflag:$0x2] =	stream.indirect_vreg.gather [hbm4b:s8+s4], $0x80, v4, vm0, $0xb8;
	[tilespmem:$0x11000] =	vst v63  }
0x5e5: {  	s29 =	simm.s32 $0xA000;
	v3 =	vadd.s32 v1, v3  }
0x5e6: {  	[tilespmem:s29], [sflag:$0x2] =	stream.indirect_vreg.gather [hbm4b:s9+s4], $0x80, v4, vm0, $0xb8;
	[tilespmem:$0x11000] =	vst v63  }
0x5e7: {  	s31 =	simm.s32 $0xA800  }
0x5e8: {  	[tilespmem:s31], [sflag:$0x2] =	stream.indirect_vreg.gather [hbm4b:s10+s4], $0x80, v4, vm0, $0xb8;
	[tilespmem:$0x11000] =	vst v63  }
0x5e9: {  	s28 =	simm.s32 $0xB000  }
0x5ea: {  	[tilespmem:s28], [sflag:$0x2] =	stream.indirect_vreg.gather [hbm4b:s3+s4], $0x80, v3, vm0, $0xb8;
	[tilespmem:$0x11000] =	vst v63  }
0x5eb: {  	s23 =	simm.s32 $0xB800  }
0x5ec: {  	[tilespmem:s23], [sflag:$0x2] =	stream.indirect_vreg.gather [hbm4b:s8+s4], $0x80, v3, vm0, $0xb8;
	[tilespmem:$0x11000] =	vst v63  }
0x5ed: {  	s23 =	simm.s32 $0xC000  }
0x5ee: {  	[tilespmem:s23], [sflag:$0x2] =	stream.indirect_vreg.gather [hbm4b:s9+s4], $0x80, v3, vm0, $0xb8;
	[tilespmem:$0x11000] =	vst v63  }
0x5ef: {  	s28 =	simm.s32 $0xC800  }
0x5f0: {  	[tilespmem:s28], [sflag:$0x2] =	stream.indirect_vreg.gather [hbm4b:s10+s4], $0x80, v3, vm0, $0xb8;
	[tilespmem:$0x11000] =	vst v63  }
0x5f1: {  	v3 =	vld [tilespmem:$0xF10];
	_ =	sdelay $0x4  }
0x5f2: {  	v59 =	vshll.u32 v3, $0x3  }
0x5f3: {  	v3 =	vand.u32 $0x7, v3;
	v4 =	vand.u32 $0xFFFFFFC0, v59  }
0x5f4: {  	v3 =	vor.u32 v3, v4  }
0x5f5: {  	v4 =	vperm.xlane v3, v0;
	_ =	sdelay $0x1  }
0x5f6: {  	v4 =	vadd.s32 v1, v4;
	_ =	sdelay $0x3  }
0x5f7: {  	s28 =	simm.s32 $0xD000  }
0x5f8: {  	[tilespmem:s28], [sflag:$0x2] =	stream.indirect_vreg.gather [hbm4b:s3+s4], $0x80, v4, vm0, $0xb8;
	[tilespmem:$0x11000] =	vst v63  }
0x5f9: {  	v3 =	vperm.xlane v3, v2;
	s28 =	simm.s32 $0xD800  }
0x5fa: {  	[tilespmem:s28], [sflag:$0x2] =	stream.indirect_vreg.gather [hbm4b:s8+s4], $0x80, v4, vm0, $0xb8;
	[tilespmem:$0x11000] =	vst v63  }
0x5fb: {  	v3 =	vadd.s32 v1, v3;
	s28 =	simm.s32 $0xE000  }
0x5fc: {  	[tilespmem:s28], [sflag:$0x2] =	stream.indirect_vreg.gather [hbm4b:s9+s4], $0x80, v4, vm0, $0xb8;
	[tilespmem:$0x11000] =	vst v63  }
0x5fd: {  	s28 =	simm.s32 $0xE800  }
0x5fe: {  	[tilespmem:s28], [sflag:$0x2] =	stream.indirect_vreg.gather [hbm4b:s10+s4], $0x80, v4, vm0, $0xb8;
	[tilespmem:$0x11000] =	vst v63  }
0x5ff: {  	s28 =	simm.s32 $0xF000  }
0x600: {  	[tilespmem:s28], [sflag:$0x2] =	stream.indirect_vreg.gather [hbm4b:s3+s4], $0x80, v3, vm0, $0xb8;
	[tilespmem:$0x11000] =	vst v63  }
0x601: {  	s28 =	simm.s32 $0xF800  }
0x602: {  	[tilespmem:s28], [sflag:$0x2] =	stream.indirect_vreg.gather [hbm4b:s8+s4], $0x80, v3, vm0, $0xb8;
	[tilespmem:$0x11000] =	vst v63  }
0x603: {  	s28 =	simm.s32 $0x10000  }
0x604: {  	[tilespmem:s28], [sflag:$0x2] =	stream.indirect_vreg.gather [hbm4b:s9+s4], $0x80, v3, vm0, $0xb8;
	[tilespmem:$0x11000] =	vst v63  }
0x605: {  	s28 =	simm.s32 $0x10800  }
0x606: {  	[tilespmem:s28], [sflag:$0x2] =	stream.indirect_vreg.gather [hbm4b:s10+s4], $0x80, v3, vm0, $0xb8;
	[tilespmem:$0x11000] =	vst v63  }
0x607: {  	_ =	swait.ge [sflag:s25], $0x8000  }
0x608: {  	s28 =	sld [smem:$0x7F9]  }
0x609: {  	[sflag:s25] =	ssyncset.done $0x0  }
0x60a: {  	[sflag:s25] =	ssyncadd.s32 $0xFFFF8000  }
0x60b: {  	[hbm4b:s28+s4] =	stream.linear.scatter [tilespmem:s24], [sflag:$0x3], $0x8000, $0x38;
	[tilespmem:$0x11000] =	vst v63  }
0x60c: {  	_ =	swait.ge [sflag:s12], $0x8000  }
0x60d: {  	[sflag:s12] =	ssyncset.done $0x0  }
0x60e: {  	[sflag:s12] =	ssyncadd.s32 $0xFFFF8000  }
0x60f: {  	_ =	swait.ge [sflag:s26], $0x8000  }
0x610: {  	s28 =	sld [smem:$0x7FA]  }
0x611: {  	[sflag:s26] =	ssyncset.done $0x0  }
0x612: {  	[sflag:s26] =	ssyncadd.s32 $0xFFFF8000  }
0x613: {  	[hbm4b:s28+s4] =	stream.linear.scatter [tilespmem:s30], [sflag:$0x3], $0x8000, $0x38;
	[tilespmem:$0x11000] =	vst v63  }
0x614: {  	_ =	swait.ge [sflag:s12], $0x8000  }
0x615: {  	[sflag:s12] =	ssyncset.done $0x0  }
0x616: {  	[sflag:s12] =	ssyncadd.s32 $0xFFFF8000  }
0x617: {  	v3 =	vld [tilespmem:$0x780];
	_ =	sdelay $0x4  }
0x618: {  	v60 =	vshll.u32 v3, $0x3  }
0x619: {  	v3 =	vand.u32 $0x7, v3;
	v4 =	vand.u32 $0xFFFFFFC0, v60  }
0x61a: {  	v3 =	vor.u32 v3, v4  }
0x61b: {  	v4 =	vperm.xlane v3, v0;
	_ =	sdelay $0x1  }
0x61c: {  	v4 =	vadd.s32 v1, v4;
	_ =	sdelay $0x4  }
0x61d: {  	[tilespmem:s24], [sflag:$0x1] =	stream.indirect_vreg.gather [hbm4b:s2+s4], $0x80, v4, vm0, $0xb8;
	[tilespmem:$0x11000] =	vst v63  }
0x61e: {  	s28 =	simm.s32 $0x1800;
	v3 =	vperm.xlane v3, v2  }
0x61f: {  	[tilespmem:s28], [sflag:$0x1] =	stream.indirect_vreg.gather [hbm4b:s5+s4], $0x80, v4, vm0, $0xb8;
	[tilespmem:$0x11000] =	vst v63  }
0x620: {  	s20 =	simm.s32 $0x2000;
	v3 =	vadd.s32 v1, v3  }
0x621: {  	[tilespmem:s20], [sflag:$0x1] =	stream.indirect_vreg.gather [hbm4b:s6+s4], $0x80, v4, vm0, $0xb8;
	[tilespmem:$0x11000] =	vst v63  }
0x622: {  	s22 =	simm.s32 $0x2800  }
0x623: {  	[tilespmem:s22], [sflag:$0x1] =	stream.indirect_vreg.gather [hbm4b:s7+s4], $0x80, v4, vm0, $0xb8;
	[tilespmem:$0x11000] =	vst v63  }
0x624: {  	s0 =	simm.s32 $0x3000  }
0x625: {  	[tilespmem:s0], [sflag:$0x1] =	stream.indirect_vreg.gather [hbm4b:s2+s4], $0x80, v3, vm0, $0xb8;
	[tilespmem:$0x11000] =	vst v63  }
0x626: {  	s1 =	simm.s32 $0x3800  }
0x627: {  	[tilespmem:s1], [sflag:$0x1] =	stream.indirect_vreg.gather [hbm4b:s5+s4], $0x80, v3, vm0, $0xb8;
	[tilespmem:$0x11000] =	vst v63  }
0x628: {  	s11 =	simm.s32 $0x4000  }
0x629: {  	[tilespmem:s11], [sflag:$0x1] =	stream.indirect_vreg.gather [hbm4b:s6+s4], $0x80, v3, vm0, $0xb8;
	[tilespmem:$0x11000] =	vst v63  }
0x62a: {  	s22 =	simm.s32 $0x4800  }
0x62b: {  	[tilespmem:s22], [sflag:$0x1] =	stream.indirect_vreg.gather [hbm4b:s7+s4], $0x80, v3, vm0, $0xb8;
	[tilespmem:$0x11000] =	vst v63  }
0x62c: {  	v3 =	vld [tilespmem:$0x790];
	_ =	sdelay $0x4  }
0x62d: {  	v61 =	vshll.u32 v3, $0x3  }
0x62e: {  	v3 =	vand.u32 $0x7, v3;
	v4 =	vand.u32 $0xFFFFFFC0, v61  }
0x62f: {  	v3 =	vor.u32 v3, v4  }
0x630: {  	v4 =	vperm.xlane v3, v0;
	_ =	sdelay $0x1  }
0x631: {  	v4 =	vadd.s32 v1, v4;
	_ =	sdelay $0x3  }
0x632: {  	s1 =	simm.s32 $0x5000  }
0x633: {  	[tilespmem:s1], [sflag:$0x1] =	stream.indirect_vreg.gather [hbm4b:s2+s4], $0x80, v4, vm0, $0xb8;
	[tilespmem:$0x11000] =	vst v63  }
0x634: {  	s11 =	simm.s32 $0x5800;
	v3 =	vperm.xlane v3, v2  }
0x635: {  	[tilespmem:s11], [sflag:$0x1] =	stream.indirect_vreg.gather [hbm4b:s5+s4], $0x80, v4, vm0, $0xb8;
	[tilespmem:$0x11000] =	vst v63  }
0x636: {  	s13 =	simm.s32 $0x6000;
	v3 =	vadd.s32 v1, v3  }
0x637: {  	[tilespmem:s13], [sflag:$0x1] =	stream.indirect_vreg.gather [hbm4b:s6+s4], $0x80, v4, vm0, $0xb8;
	[tilespmem:$0x11000] =	vst v63  }
0x638: {  	s14 =	simm.s32 $0x6800  }
0x639: {  	[tilespmem:s14], [sflag:$0x1] =	stream.indirect_vreg.gather [hbm4b:s7+s4], $0x80, v4, vm0, $0xb8;
	[tilespmem:$0x11000] =	vst v63  }
0x63a: {  	s15 =	simm.s32 $0x7000  }
0x63b: {  	[tilespmem:s15], [sflag:$0x1] =	stream.indirect_vreg.gather [hbm4b:s2+s4], $0x80, v3, vm0, $0xb8;
	[tilespmem:$0x11000] =	vst v63  }
0x63c: {  	s16 =	simm.s32 $0x7800  }
0x63d: {  	[tilespmem:s16], [sflag:$0x1] =	stream.indirect_vreg.gather [hbm4b:s5+s4], $0x80, v3, vm0, $0xb8;
	[tilespmem:$0x11000] =	vst v63  }
0x63e: {  	s17 =	simm.s32 $0x8000  }
0x63f: {  	[tilespmem:s17], [sflag:$0x1] =	stream.indirect_vreg.gather [hbm4b:s6+s4], $0x80, v3, vm0, $0xb8;
	[tilespmem:$0x11000] =	vst v63  }
0x640: {  	s18 =	simm.s32 $0x8800  }
0x641: {  	[tilespmem:s18], [sflag:$0x1] =	stream.indirect_vreg.gather [hbm4b:s7+s4], $0x80, v3, vm0, $0xb8;
	[tilespmem:$0x11000] =	vst v63  }
0x642: {  	v3 =	vld [tilespmem:$0xF80];
	_ =	sdelay $0x4  }
0x643: {  	v62 =	vshll.u32 v3, $0x3  }
0x644: {  	v3 =	vand.u32 $0x7, v3;
	v4 =	vand.u32 $0xFFFFFFC0, v62  }
0x645: {  	v3 =	vor.u32 v3, v4  }
0x646: {  	v4 =	vperm.xlane v3, v0;
	_ =	sdelay $0x1  }
0x647: {  	v4 =	vadd.s32 v1, v4;
	_ =	sdelay $0x4  }
0x648: {  	[tilespmem:s30], [sflag:$0x2] =	stream.indirect_vreg.gather [hbm4b:s3+s4], $0x80, v4, vm0, $0xb8;
	[tilespmem:$0x11000] =	vst v63  }
0x649: {  	s16 =	simm.s32 $0x9800;
	v3 =	vperm.xlane v3, v2  }
0x64a: {  	[tilespmem:s16], [sflag:$0x2] =	stream.indirect_vreg.gather [hbm4b:s8+s4], $0x80, v4, vm0, $0xb8;
	[tilespmem:$0x11000] =	vst v63  }
0x64b: {  	s19 =	simm.s32 $0xA000;
	v3 =	vadd.s32 v1, v3  }
0x64c: {  	[tilespmem:s19], [sflag:$0x2] =	stream.indirect_vreg.gather [hbm4b:s9+s4], $0x80, v4, vm0, $0xb8;
	[tilespmem:$0x11000] =	vst v63  }
0x64d: {  	s29 =	simm.s32 $0xA800  }
0x64e: {  	[tilespmem:s29], [sflag:$0x2] =	stream.indirect_vreg.gather [hbm4b:s10+s4], $0x80, v4, vm0, $0xb8;
	[tilespmem:$0x11000] =	vst v63  }
0x64f: {  	s31 =	simm.s32 $0xB000  }
0x650: {  	[tilespmem:s31], [sflag:$0x2] =	stream.indirect_vreg.gather [hbm4b:s3+s4], $0x80, v3, vm0, $0xb8;
	[tilespmem:$0x11000] =	vst v63  }
0x651: {  	s21 =	simm.s32 $0xB800  }
0x652: {  	[tilespmem:s21], [sflag:$0x2] =	stream.indirect_vreg.gather [hbm4b:s8+s4], $0x80, v3, vm0, $0xb8;
	[tilespmem:$0x11000] =	vst v63  }
0x653: {  	s23 =	simm.s32 $0xC000  }
0x654: {  	[tilespmem:s23], [sflag:$0x2] =	stream.indirect_vreg.gather [hbm4b:s9+s4], $0x80, v3, vm0, $0xb8;
	[tilespmem:$0x11000] =	vst v63  }
0x655: {  	s17 =	simm.s32 $0xC800  }
0x656: {  	[tilespmem:s17], [sflag:$0x2] =	stream.indirect_vreg.gather [hbm4b:s10+s4], $0x80, v3, vm0, $0xb8;
	[tilespmem:$0x11000] =	vst v63  }
0x657: {  	v3 =	vld [tilespmem:$0xF90];
	_ =	sdelay $0x4  }
0x658: {  	v63 =	vshll.u32 v3, $0x3  }
0x659: {  	v3 =	vand.u32 $0x7, v3;
	v4 =	vand.u32 $0xFFFFFFC0, v63  }
0x65a: {  	v3 =	vor.u32 v3, v4  }
0x65b: {  	v4 =	vperm.xlane v3, v0;
	_ =	sdelay $0x1  }
0x65c: {  	v4 =	vadd.s32 v1, v4;
	_ =	sdelay $0x3  }
0x65d: {  	s18 =	simm.s32 $0xD000  }
0x65e: {  	[tilespmem:s18], [sflag:$0x2] =	stream.indirect_vreg.gather [hbm4b:s3+s4], $0x80, v4, vm0, $0xb8;
	[tilespmem:$0x11000] =	vst v63  }
0x65f: {  	s19 =	simm.s32 $0xD800;
	v3 =	vperm.xlane v3, v2  }
0x660: {  	[tilespmem:s19], [sflag:$0x2] =	stream.indirect_vreg.gather [hbm4b:s8+s4], $0x80, v4, vm0, $0xb8;
	[tilespmem:$0x11000] =	vst v63  }
0x661: {  	s20 =	simm.s32 $0xE000;
	v3 =	vadd.s32 v1, v3  }
0x662: {  	[tilespmem:s20], [sflag:$0x2] =	stream.indirect_vreg.gather [hbm4b:s9+s4], $0x80, v4, vm0, $0xb8;
	[tilespmem:$0x11000] =	vst v63  }
0x663: {  	s21 =	simm.s32 $0xE800  }
0x664: {  	[tilespmem:s21], [sflag:$0x2] =	stream.indirect_vreg.gather [hbm4b:s10+s4], $0x80, v4, vm0, $0xb8;
	[tilespmem:$0x11000] =	vst v63  }
0x665: {  	s22 =	simm.s32 $0xF000  }
0x666: {  	[tilespmem:s22], [sflag:$0x2] =	stream.indirect_vreg.gather [hbm4b:s3+s4], $0x80, v3, vm0, $0xb8;
	[tilespmem:$0x11000] =	vst v63  }
0x667: {  	s23 =	simm.s32 $0xF800  }
0x668: {  	[tilespmem:s23], [sflag:$0x2] =	stream.indirect_vreg.gather [hbm4b:s8+s4], $0x80, v3, vm0, $0xb8;
	[tilespmem:$0x11000] =	vst v63  }
0x669: {  	s29 =	simm.s32 $0x10000  }
0x66a: {  	[tilespmem:s29], [sflag:$0x2] =	stream.indirect_vreg.gather [hbm4b:s9+s4], $0x80, v3, vm0, $0xb8;
	[tilespmem:$0x11000] =	vst v63  }
0x66b: {  	s31 =	simm.s32 $0x10800  }
0x66c: {  	[tilespmem:s31], [sflag:$0x2] =	stream.indirect_vreg.gather [hbm4b:s10+s4], $0x80, v3, vm0, $0xb8;
	[tilespmem:$0x11000] =	vst v63  }
0x66d: {  	_ =	swait.ge [sflag:s25], $0x8000  }
0x66e: {  	s28 =	sld [smem:$0x7FB]  }
0x66f: {  	[sflag:s25] =	ssyncset.done $0x0  }
0x670: {  	[sflag:s25] =	ssyncadd.s32 $0xFFFF8000  }
0x671: {  	[hbm4b:s28+s4] =	stream.linear.scatter [tilespmem:s24], [sflag:$0x3], $0x8000, $0x38;
	[tilespmem:$0x11000] =	vst v63  }
0x672: {  	_ =	swait.ge [sflag:s12], $0x8000  }
0x673: {  	[sflag:s12] =	ssyncset.done $0x0  }
0x674: {  	[sflag:s12] =	ssyncadd.s32 $0xFFFF8000  }
0x675: {  	_ =	swait.ge [sflag:s26], $0x8000  }
0x676: {  	s28 =	sld [smem:$0x7FC]  }
0x677: {  	[sflag:s26] =	ssyncset.done $0x0  }
0x678: {  	[sflag:s26] =	ssyncadd.s32 $0xFFFF8000  }
0x679: {  	[hbm4b:s28+s4] =	stream.linear.scatter [tilespmem:s30], [sflag:$0x3], $0x8000, $0x38;
	[tilespmem:$0x11000] =	vst v63  }
0x67a: {  	s28 =	sld [smem:$0x7F5];
	_ =	sdelay $0x2  }
0x67b: {  	p0 =	sne.s32 s28, $0x1  }
.Ltmp0:
0x67c: {  	_ = 	snop;
	(pc) =	sbr.rel @p0 .LBB2_1-.Ltmp0, $4  }
0x67d: {  	_ = 	snop  }
0x67e: {  	_ =	swait.ge [sflag:s12], $0x8000  }
0x67f: {  	[sflag:s12] =	ssyncset.done $0x0  }
0x680: {  	[sflag:s12] =	ssyncadd.s32 $0xFFFF8000;
	s28 =	sadd.s32 $0xFFFFFFFF, s28  }
0x681: {  	_ =	sfence.sel $0x180000  }
0x682: {  	[bflag:$0x0] =	sbarrier.arrive $0xFFFF  }
0x683: {  	_ =	strace $0x90000047  }
0x684: {  	s0 =	stileid.u32;
	[bflag:$0x2] =	sbarrier.arrive $0xFFFF  }
0x685: {  	p0 =	sne.s32 s0, $0x0;
	s0 =	rddreg [dreg:$0x4]  }
0x686: {  	s0 =	sadd.s32 @!p0 $0x100000, s0  }
0x687: {  	[sflag:s0] =	ssyncadd.tile.s32 @!p0 $0x1;
	_ =	shalt  }
.Lfunc_end2:
_tile_overlayer_lowered:
.L_overlay_start_2:
0x688: {  	(tag) =	ssettag $0x2  }
0x689: {  	s0 =	rddreg [dreg:$0x0];
	s2 =	stileid.u32  }
0x68a: {  	s1 =	rddreg [dreg:$0x1];
	p0 =	sne.s32 s2, $0x0  }
0x68b: {  	s3 =	rddreg [dreg:$0x2];
	[bflag:$0x3] =	sbarrier.arrive $0xFFFF;
	s2 =	simm.s32 @!p0 $0x1C03  }
0x68c: {  	[timem:s3], [sflag:s2] =	dma.local @!p0 [hbm:s0], s1  }
0x68d: {  	s0 =	simm.s32 @!p0 $0x3  }
0x68e: {  	_ =	swait.ge @!p0 [sflag:s0], s1  }
0x68f: {  	s1 =	ssub.s32 @!p0 $0x0, s1;
	[sflag:s0] =	ssyncset.done @!p0 $0x0  }
0x690: {  	[sflag:s0] =	ssyncadd.s32 @!p0 s1  }
0x691: {  	[bflag:$0x3] =	sbarrier.arrive $0xFFFF  }
0x692: {  	_ =	shalt  }

</sc_bundles>
